<compile_context>
chip_gen: v7x
topology: tpu7x:2x2x1
jax: 0.10.2.dev20260603
libtpu: 0.0.44.dev20260713+nightly
codegen_flags: <defaults>
</compile_context>

<pallas_src>
import functools
import math

import jax
import jax.numpy as jnp
from jax import lax
from jax.experimental import pallas as pl
from jax.experimental.pallas import tpu as pltpu
from jax.experimental.pallas import tpu_sc as plsc

B = 4096
T = 100
D = 128
NC = 2
NS = 16
NW = NC * NS
BC = B // NW
NBUF = 4
WBUF = 2
IDXROWS = 56
RELOAD_I = 12
SCALE = math.sqrt(D)
L = 16
VPR = D // L

_mesh = plsc.VectorSubcoreMesh(core_axis_name="c", subcore_axis_name="s")


@functools.partial(
    pl.kernel,
    mesh=_mesh,
    out_type=jax.ShapeDtypeStruct((T, B, D), jnp.float32),
    scratch_types=[
        pltpu.VMEM((IDXROWS, BC), jnp.int32),
        pltpu.VMEM((T, D), jnp.float32),
        pltpu.VMEM((NBUF, BC, D), jnp.float32),
        pltpu.VMEM((WBUF, BC, D), jnp.float32),
        pltpu.SemaphoreType.DMA((NBUF,)),
        pltpu.SemaphoreType.DMA((WBUF,)),
    ],
)
def _emb_lookup(idxt_hbm, table_hbm, pos_hbm, out_hbm,
                idx_v, pos_v, rows_v, outb_v, gsem, wsem):
    w = lax.axis_index("s") * NC + lax.axis_index("c")
    b0 = w * BC

    pltpu.sync_copy(idxt_hbm.at[pl.ds(0, IDXROWS), pl.ds(b0, BC)], idx_v)
    pltpu.sync_copy(pos_hbm, pos_v)

    def idx_list(t):
        return idx_v.at[t % IDXROWS, pl.ds(0, BC)]

    for k in range(NBUF):
        pltpu.async_copy(table_hbm.at[idx_list(k)], rows_v.at[k], gsem.at[k])

    def outer(i, carry):
        @pl.when(i == RELOAD_I)
        def _():
            pltpu.sync_copy(
                idxt_hbm.at[pl.ds(IDXROWS, T - IDXROWS), pl.ds(b0, BC)],
                idx_v.at[pl.ds(0, T - IDXROWS)])

        for k in range(NBUF):
            t = i * NBUF + k
            kw = k % WBUF
            pltpu.make_async_copy(
                table_hbm.at[idx_list(t)], rows_v.at[k], gsem.at[k]).wait()

            def wait_write():
                pltpu.make_async_copy(
                    outb_v.at[kw], out_hbm.at[t, pl.ds(b0, BC)],
                    wsem.at[kw]).wait()

            if k < WBUF:
                pl.when(i > 0)(wait_write)
            else:
                wait_write()

            pos_regs = [pos_v[t, pl.ds(j * L, L)] for j in range(VPR)]

            @plsc.parallel_loop(0, BC, step=1, unroll=4)
            def row_body(r):
                for j in range(VPR):
                    sl = pl.ds(j * L, L)
                    outb_v[kw, r, sl] = rows_v[k, r, sl] * SCALE + pos_regs[j]

            pltpu.async_copy(
                outb_v.at[kw], out_hbm.at[t, pl.ds(b0, BC)], wsem.at[kw])

            @pl.when(t + NBUF < T)
            def _():
                pltpu.async_copy(
                    table_hbm.at[idx_list(t + NBUF)], rows_v.at[k], gsem.at[k])
        return carry

    lax.fori_loop(0, T // NBUF, outer, 0)

    for k in range(WBUF):
        t_last = T - WBUF + k
        pltpu.make_async_copy(
            outb_v.at[k], out_hbm.at[t_last, pl.ds(b0, BC)],
            wsem.at[k]).wait()


def kernel(inputs, table, pos_table):
    idx_t = inputs.T
    return jnp.transpose(_emb_lookup(idx_t, table, pos_table), (1, 0, 2))

# --- scband reference (transcript-rebuilt; emitter-appended) ---
"""Pipeline reference for scband-embedding-41154376630797 (READ-ONLY COPY).

The authoritative reference and input builder live on the scoring server;
editing this copy changes nothing except your own understanding.
"""

import math
import jax, jax.numpy as jnp
import numpy as np

VOCAB = 100000
D_MODEL = 128
MAX_SEQ = 100
B, T = 4096, 100

def setup_inputs(seed: int = 0) -> dict:
    key = jax.random.key(seed)
    k1, k2, k3 = jax.random.split(key, 3)
    inputs = jax.random.randint(k1, (B, T), 0, VOCAB, dtype=jnp.int64 if jax.config.jax_enable_x64 else jnp.int32).astype(jnp.int32)
    table = jax.random.normal(k2, (VOCAB, D_MODEL), dtype=jnp.float32)
    pos_table = jax.random.normal(k3, (MAX_SEQ, D_MODEL), dtype=jnp.float32)
    return {"inputs": inputs, "table": table, "pos_table": pos_table}

def reference(inputs, table, pos_table):
    Tlen = inputs.shape[1]
    embeddings = jnp.take(table, inputs, axis=0) * math.sqrt(D_MODEL)
    pos_encoding = jnp.take(pos_table, jnp.arange(Tlen), axis=0)
    return embeddings + pos_encoding

if __name__ == "__main__":
    import jax
    _d = setup_inputs()
    print(jax.jit(kernel)(*tuple(_d.values())))

</pallas_src>

<mosaic_0001>
#map = affine_map<(d0, d1) -> (0, 0)>
#map1 = affine_map<(d0, d1) -> (0, 0, 0)>
module attributes {stable_mosaic.version = 14 : i64} {
  func.func @_emb_lookup(%arg0: i32, %arg1: i32, %arg2: memref<100x4096xi32, #tpu.memory_space<hbm>>, %arg3: memref<100000x128xf32, #tpu.memory_space<hbm>>, %arg4: memref<100x128xf32, #tpu.memory_space<hbm>>, %arg5: memref<100x4096x128xf32, #tpu.memory_space<hbm>>, %arg6: memref<56x128xi32, #tpu.memory_space<vmem>>, %arg7: memref<100x128xf32, #tpu.memory_space<vmem>>, %arg8: memref<4x128x128xf32, #tpu.memory_space<vmem>>, %arg9: memref<2x128x128xf32, #tpu.memory_space<vmem>>, %arg10: memref<4x!tpu.dma_semaphore, #tpu.memory_space<semaphore_mem>>, %arg11: memref<2x!tpu.dma_semaphore, #tpu.memory_space<semaphore_mem>>) attributes {dimension_semantics = [#tpu.dimension_semantics<core_parallel>, #tpu.dimension_semantics<subcore_parallel>], iteration_bounds = array<i64: 2, 16>, scalar_prefetch = 0 : i64, scratch_operands = 6 : i64, tpu.core_type = #tpu.core_type<sc_vector_subcore>, window_params = [{transform_indices = #map}, {transform_indices = #map}, {transform_indices = #map}, {transform_indices = #map1}]} {
    %mul3A = arith.constant 2 : i32
    %mul3A_0 = arith.muli %arg1, %mul3A : i32
    %add3A = arith.addi %mul3A_0, %arg0 : i32
    %mul3A_1 = arith.constant 128 : i32
    %mul3A_2 = arith.muli %add3A, %mul3A_1 : i32
    "tpu.region"() ({
      %run_scoped3A = tpu.sem_alloc : memref<!tpu.dma_semaphore, #tpu.memory_space<semaphore_mem>>
      %dma_start3A_104 = arith.constant 0 : i32
      %dma_start3A_105 = tpu.memref_slice %arg2[%dma_start3A_104, %mul3A_2] : memref<100x4096xi32, #tpu.memory_space<hbm>> -> memref<56x128xi32, #tpu.memory_space<hbm>>
      %dma_start3A_106 = arith.constant 0 : i32
      %dma_start3A_107 = tpu.memref_slice %arg2[%dma_start3A_106, %mul3A_2] : memref<100x4096xi32, #tpu.memory_space<hbm>> -> memref<56x128xi32, #tpu.memory_space<hbm>>
      tpu.enqueue_dma source(%dma_start3A_107 : memref<56x128xi32, #tpu.memory_space<hbm>>) target(%arg6 : memref<56x128xi32, #tpu.memory_space<vmem>>) target_semaphore(%run_scoped3A : memref<!tpu.dma_semaphore, #tpu.memory_space<semaphore_mem>>)
      %dma_wait3A_108 = arith.constant 0 : i32
      %dma_wait3A_109 = tpu.memref_slice %arg2[%dma_wait3A_108, %mul3A_2] : memref<100x4096xi32, #tpu.memory_space<hbm>> -> memref<56x128xi32, #tpu.memory_space<hbm>>
      %dma_wait3A_110 = arith.constant 0 : i32
      %dma_wait3A_111 = tpu.memref_slice %arg2[%dma_wait3A_110, %mul3A_2] : memref<100x4096xi32, #tpu.memory_space<hbm>> -> memref<56x128xi32, #tpu.memory_space<hbm>>
      tpu.wait_dma2 semaphore(%run_scoped3A : memref<!tpu.dma_semaphore, #tpu.memory_space<semaphore_mem>>) src(%dma_wait3A_111 : memref<56x128xi32, #tpu.memory_space<hbm>>) dst(%arg6 : memref<56x128xi32, #tpu.memory_space<vmem>>)
      tpu.yield
    }) : () -> ()
    "tpu.region"() ({
      %run_scoped3A = tpu.sem_alloc : memref<!tpu.dma_semaphore, #tpu.memory_space<semaphore_mem>>
      tpu.enqueue_dma source(%arg4 : memref<100x128xf32, #tpu.memory_space<hbm>>) target(%arg7 : memref<100x128xf32, #tpu.memory_space<vmem>>) target_semaphore(%run_scoped3A : memref<!tpu.dma_semaphore, #tpu.memory_space<semaphore_mem>>)
      tpu.wait_dma2 semaphore(%run_scoped3A : memref<!tpu.dma_semaphore, #tpu.memory_space<semaphore_mem>>) src(%arg4 : memref<100x128xf32, #tpu.memory_space<hbm>>) dst(%arg7 : memref<100x128xf32, #tpu.memory_space<vmem>>)
      tpu.yield
    }) : () -> ()
    %dma_start3A = arith.constant 0 : i32
    %dma_start3A_3 = arith.constant 0 : i32
    %dma_start3A_4 = arith.constant 0 : i32
    %dma_start3A_5 = arith.constant 0 : i32
    %dma_start3A_6 = arith.constant 0 : i32
    %dma_start3A_7 = tpu.memref_slice %arg8[%dma_start3A_3, %dma_start3A_5, %dma_start3A_6] : memref<4x128x128xf32, #tpu.memory_space<vmem>> -> memref<1x128x128xf32, #tpu.memory_space<vmem>>
    %dma_start3A_8 = tpu.memref_squeeze %dma_start3A_7 : memref<1x128x128xf32, #tpu.memory_space<vmem>> -> memref<128x128xf32, #tpu.memory_space<vmem>>
    %dma_start3A_9 = arith.constant 0 : i32
    %dma_start3A_10 = tpu.memref_slice %arg6[%dma_start3A, %dma_start3A_9] : memref<56x128xi32, #tpu.memory_space<vmem>> -> memref<1x128xi32, #tpu.memory_space<vmem>>
    %dma_start3A_11 = tpu.memref_squeeze %dma_start3A_10 : memref<1x128xi32, #tpu.memory_space<vmem>> -> memref<128xi32, #tpu.memory_space<vmem>>
    %dma_start3A_12 = arith.constant 0 : i32
    %dma_start3A_13 = arith.constant 0 : i32
    %dma_start3A_14 = tpu.memref_slice %arg3[%dma_start3A_12, %dma_start3A_13] : memref<100000x128xf32, #tpu.memory_space<hbm>> -> memref<100000x128xf32, #tpu.memory_space<hbm>>
    %dma_start3A_15 = tpu.memref_slice %arg10[%dma_start3A_4] : memref<4x!tpu.dma_semaphore, #tpu.memory_space<semaphore_mem>> -> memref<1x!tpu.dma_semaphore, #tpu.memory_space<semaphore_mem>>
    %dma_start3A_16 = tpu.memref_squeeze %dma_start3A_15 : memref<1x!tpu.dma_semaphore, #tpu.memory_space<semaphore_mem>> -> memref<!tpu.dma_semaphore, #tpu.memory_space<semaphore_mem>>
    tpu.enqueue_indirect_dma source(%dma_start3A_14 : memref<100000x128xf32, #tpu.memory_space<hbm>>) target(%dma_start3A_8 : memref<128x128xf32, #tpu.memory_space<vmem>>) offsets(%dma_start3A_11 : memref<128xi32, #tpu.memory_space<vmem>>) semaphore(%dma_start3A_16 : memref<!tpu.dma_semaphore, #tpu.memory_space<semaphore_mem>>)
    %dma_start3A_17 = arith.constant 1 : i32
    %dma_start3A_18 = arith.constant 1 : i32
    %dma_start3A_19 = arith.constant 1 : i32
    %dma_start3A_20 = arith.constant 0 : i32
    %dma_start3A_21 = arith.constant 0 : i32
    %dma_start3A_22 = tpu.memref_slice %arg8[%dma_start3A_18, %dma_start3A_20, %dma_start3A_21] : memref<4x128x128xf32, #tpu.memory_space<vmem>> -> memref<1x128x128xf32, #tpu.memory_space<vmem>>
    %dma_start3A_23 = tpu.memref_squeeze %dma_start3A_22 : memref<1x128x128xf32, #tpu.memory_space<vmem>> -> memref<128x128xf32, #tpu.memory_space<vmem>>
    %dma_start3A_24 = arith.constant 0 : i32
    %dma_start3A_25 = tpu.memref_slice %arg6[%dma_start3A_17, %dma_start3A_24] : memref<56x128xi32, #tpu.memory_space<vmem>> -> memref<1x128xi32, #tpu.memory_space<vmem>>
    %dma_start3A_26 = tpu.memref_squeeze %dma_start3A_25 : memref<1x128xi32, #tpu.memory_space<vmem>> -> memref<128xi32, #tpu.memory_space<vmem>>
    %dma_start3A_27 = arith.constant 0 : i32
    %dma_start3A_28 = arith.constant 0 : i32
    %dma_start3A_29 = tpu.memref_slice %arg3[%dma_start3A_27, %dma_start3A_28] : memref<100000x128xf32, #tpu.memory_space<hbm>> -> memref<100000x128xf32, #tpu.memory_space<hbm>>
    %dma_start3A_30 = tpu.memref_slice %arg10[%dma_start3A_19] : memref<4x!tpu.dma_semaphore, #tpu.memory_space<semaphore_mem>> -> memref<1x!tpu.dma_semaphore, #tpu.memory_space<semaphore_mem>>
    %dma_start3A_31 = tpu.memref_squeeze %dma_start3A_30 : memref<1x!tpu.dma_semaphore, #tpu.memory_space<semaphore_mem>> -> memref<!tpu.dma_semaphore, #tpu.memory_space<semaphore_mem>>
    tpu.enqueue_indirect_dma source(%dma_start3A_29 : memref<100000x128xf32, #tpu.memory_space<hbm>>) target(%dma_start3A_23 : memref<128x128xf32, #tpu.memory_space<vmem>>) offsets(%dma_start3A_26 : memref<128xi32, #tpu.memory_space<vmem>>) semaphore(%dma_start3A_31 : memref<!tpu.dma_semaphore, #tpu.memory_space<semaphore_mem>>)
    %dma_start3A_32 = arith.constant 2 : i32
    %dma_start3A_33 = arith.constant 2 : i32
    %dma_start3A_34 = arith.constant 2 : i32
    %dma_start3A_35 = arith.constant 0 : i32
    %dma_start3A_36 = arith.constant 0 : i32
    %dma_start3A_37 = tpu.memref_slice %arg8[%dma_start3A_33, %dma_start3A_35, %dma_start3A_36] : memref<4x128x128xf32, #tpu.memory_space<vmem>> -> memref<1x128x128xf32, #tpu.memory_space<vmem>>
    %dma_start3A_38 = tpu.memref_squeeze %dma_start3A_37 : memref<1x128x128xf32, #tpu.memory_space<vmem>> -> memref<128x128xf32, #tpu.memory_space<vmem>>
    %dma_start3A_39 = arith.constant 0 : i32
    %dma_start3A_40 = tpu.memref_slice %arg6[%dma_start3A_32, %dma_start3A_39] : memref<56x128xi32, #tpu.memory_space<vmem>> -> memref<1x128xi32, #tpu.memory_space<vmem>>
    %dma_start3A_41 = tpu.memref_squeeze %dma_start3A_40 : memref<1x128xi32, #tpu.memory_space<vmem>> -> memref<128xi32, #tpu.memory_space<vmem>>
    %dma_start3A_42 = arith.constant 0 : i32
    %dma_start3A_43 = arith.constant 0 : i32
    %dma_start3A_44 = tpu.memref_slice %arg3[%dma_start3A_42, %dma_start3A_43] : memref<100000x128xf32, #tpu.memory_space<hbm>> -> memref<100000x128xf32, #tpu.memory_space<hbm>>
    %dma_start3A_45 = tpu.memref_slice %arg10[%dma_start3A_34] : memref<4x!tpu.dma_semaphore, #tpu.memory_space<semaphore_mem>> -> memref<1x!tpu.dma_semaphore, #tpu.memory_space<semaphore_mem>>
    %dma_start3A_46 = tpu.memref_squeeze %dma_start3A_45 : memref<1x!tpu.dma_semaphore, #tpu.memory_space<semaphore_mem>> -> memref<!tpu.dma_semaphore, #tpu.memory_space<semaphore_mem>>
    tpu.enqueue_indirect_dma source(%dma_start3A_44 : memref<100000x128xf32, #tpu.memory_space<hbm>>) target(%dma_start3A_38 : memref<128x128xf32, #tpu.memory_space<vmem>>) offsets(%dma_start3A_41 : memref<128xi32, #tpu.memory_space<vmem>>) semaphore(%dma_start3A_46 : memref<!tpu.dma_semaphore, #tpu.memory_space<semaphore_mem>>)
    %dma_start3A_47 = arith.constant 3 : i32
    %dma_start3A_48 = arith.constant 3 : i32
    %dma_start3A_49 = arith.constant 3 : i32
    %dma_start3A_50 = arith.constant 0 : i32
    %dma_start3A_51 = arith.constant 0 : i32
    %dma_start3A_52 = tpu.memref_slice %arg8[%dma_start3A_48, %dma_start3A_50, %dma_start3A_51] : memref<4x128x128xf32, #tpu.memory_space<vmem>> -> memref<1x128x128xf32, #tpu.memory_space<vmem>>
    %dma_start3A_53 = tpu.memref_squeeze %dma_start3A_52 : memref<1x128x128xf32, #tpu.memory_space<vmem>> -> memref<128x128xf32, #tpu.memory_space<vmem>>
    %dma_start3A_54 = arith.constant 0 : i32
    %dma_start3A_55 = tpu.memref_slice %arg6[%dma_start3A_47, %dma_start3A_54] : memref<56x128xi32, #tpu.memory_space<vmem>> -> memref<1x128xi32, #tpu.memory_space<vmem>>
    %dma_start3A_56 = tpu.memref_squeeze %dma_start3A_55 : memref<1x128xi32, #tpu.memory_space<vmem>> -> memref<128xi32, #tpu.memory_space<vmem>>
    %dma_start3A_57 = arith.constant 0 : i32
    %dma_start3A_58 = arith.constant 0 : i32
    %dma_start3A_59 = tpu.memref_slice %arg3[%dma_start3A_57, %dma_start3A_58] : memref<100000x128xf32, #tpu.memory_space<hbm>> -> memref<100000x128xf32, #tpu.memory_space<hbm>>
    %dma_start3A_60 = tpu.memref_slice %arg10[%dma_start3A_49] : memref<4x!tpu.dma_semaphore, #tpu.memory_space<semaphore_mem>> -> memref<1x!tpu.dma_semaphore, #tpu.memory_space<semaphore_mem>>
    %dma_start3A_61 = tpu.memref_squeeze %dma_start3A_60 : memref<1x!tpu.dma_semaphore, #tpu.memory_space<semaphore_mem>> -> memref<!tpu.dma_semaphore, #tpu.memory_space<semaphore_mem>>
    tpu.enqueue_indirect_dma source(%dma_start3A_59 : memref<100000x128xf32, #tpu.memory_space<hbm>>) target(%dma_start3A_53 : memref<128x128xf32, #tpu.memory_space<vmem>>) offsets(%dma_start3A_56 : memref<128xi32, #tpu.memory_space<vmem>>) semaphore(%dma_start3A_61 : memref<!tpu.dma_semaphore, #tpu.memory_space<semaphore_mem>>)
    %scan3A = arith.constant 0 : i32
    %scan3A_62 = arith.constant 0 : i32
    %scan3A_63 = arith.constant 25 : i32
    %scan3A_64 = arith.addi %scan3A_62, %scan3A_63 : i32
    %scan3A_65 = arith.constant 1 : i32
    scf.for %scan3A_104 = %scan3A_62 to %scan3A_64 step %scan3A_65  : i32 {
      %eq3A = arith.constant 12 : i32
      %eq3A_105 = arith.cmpi eq, %scan3A_104, %eq3A : i32
      %convert_element_type3A = arith.extui %eq3A_105 : i1 to i32
      %cond3A = arith.constant 0 : i32
      %cond3A_106 = arith.cmpi ne, %convert_element_type3A, %cond3A : i32
      scf.if %cond3A_106 {
        "tpu.region"() ({
          %run_scoped3A = tpu.sem_alloc : memref<!tpu.dma_semaphore, #tpu.memory_space<semaphore_mem>>
          %dma_start3A_520 = arith.constant 0 : i32
          %dma_start3A_521 = arith.constant 0 : i32
          %dma_start3A_522 = tpu.memref_slice %arg6[%dma_start3A_520, %dma_start3A_521] : memref<56x128xi32, #tpu.memory_space<vmem>> -> memref<44x128xi32, #tpu.memory_space<vmem>>
          %dma_start3A_523 = arith.constant 56 : i32
          %dma_start3A_524 = tpu.memref_slice %arg2[%dma_start3A_523, %mul3A_2] : memref<100x4096xi32, #tpu.memory_space<hbm>> -> memref<44x128xi32, #tpu.memory_space<hbm>>
          %dma_start3A_525 = arith.constant 0 : i32
          %dma_start3A_526 = arith.constant 0 : i32
          %dma_start3A_527 = tpu.memref_slice %arg6[%dma_start3A_525, %dma_start3A_526] : memref<56x128xi32, #tpu.memory_space<vmem>> -> memref<44x128xi32, #tpu.memory_space<vmem>>
          %dma_start3A_528 = arith.constant 56 : i32
          %dma_start3A_529 = tpu.memref_slice %arg2[%dma_start3A_528, %mul3A_2] : memref<100x4096xi32, #tpu.memory_space<hbm>> -> memref<44x128xi32, #tpu.memory_space<hbm>>
          tpu.enqueue_dma source(%dma_start3A_529 : memref<44x128xi32, #tpu.memory_space<hbm>>) target(%dma_start3A_527 : memref<44x128xi32, #tpu.memory_space<vmem>>) target_semaphore(%run_scoped3A : memref<!tpu.dma_semaphore, #tpu.memory_space<semaphore_mem>>)
          %dma_wait3A_530 = arith.constant 0 : i32
          %dma_wait3A_531 = arith.constant 0 : i32
          %dma_wait3A_532 = tpu.memref_slice %arg6[%dma_wait3A_530, %dma_wait3A_531] : memref<56x128xi32, #tpu.memory_space<vmem>> -> memref<44x128xi32, #tpu.memory_space<vmem>>
          %dma_wait3A_533 = arith.constant 56 : i32
          %dma_wait3A_534 = tpu.memref_slice %arg2[%dma_wait3A_533, %mul3A_2] : memref<100x4096xi32, #tpu.memory_space<hbm>> -> memref<44x128xi32, #tpu.memory_space<hbm>>
          %dma_wait3A_535 = arith.constant 0 : i32
          %dma_wait3A_536 = arith.constant 0 : i32
          %dma_wait3A_537 = tpu.memref_slice %arg6[%dma_wait3A_535, %dma_wait3A_536] : memref<56x128xi32, #tpu.memory_space<vmem>> -> memref<44x128xi32, #tpu.memory_space<vmem>>
          %dma_wait3A_538 = arith.constant 56 : i32
          %dma_wait3A_539 = tpu.memref_slice %arg2[%dma_wait3A_538, %mul3A_2] : memref<100x4096xi32, #tpu.memory_space<hbm>> -> memref<44x128xi32, #tpu.memory_space<hbm>>
          tpu.wait_dma2 semaphore(%run_scoped3A : memref<!tpu.dma_semaphore, #tpu.memory_space<semaphore_mem>>) src(%dma_wait3A_539 : memref<44x128xi32, #tpu.memory_space<hbm>>) dst(%dma_wait3A_537 : memref<44x128xi32, #tpu.memory_space<vmem>>)
          tpu.yield
        }) : () -> ()
      } else {
      }
      %mul3A_107 = arith.constant 4 : i32
      %mul3A_108 = arith.muli %scan3A_104, %mul3A_107 : i32
      %add3A_109 = arith.constant 0 : i32
      %add3A_110 = arith.addi %mul3A_108, %add3A_109 : i32
      %jit3A = arith.constant 56 : i32
      %eq3A_111 = arith.constant 0 : i32
      %eq3A_112 = arith.cmpi eq, %jit3A, %eq3A_111 : i32
      %jit3A_113 = arith.constant 1 : i32
      %select_n3A = arith.select %eq3A_112, %jit3A_113, %jit3A : i32
      %rem3A = arith.remsi %add3A_110, %select_n3A : i32
      %ne3A = arith.constant 0 : i32
      %ne3A_114 = arith.cmpi ne, %rem3A, %ne3A : i32
      %lt3A = arith.constant 0 : i32
      %lt3A_115 = arith.cmpi slt, %rem3A, %lt3A : i32
      %lt3A_116 = arith.constant 0 : i32
      %lt3A_117 = arith.cmpi slt, %select_n3A, %lt3A_116 : i32
      %ne3A_118 = arith.xori %lt3A_115, %lt3A_117 : i1
      %and3A = arith.andi %ne3A_118, %ne3A_114 : i1
      %add3A_119 = arith.addi %rem3A, %select_n3A : i32
      %select_n3A_120 = arith.select %and3A, %add3A_119, %rem3A : i32
      %dma_wait3A_121 = arith.constant 0 : i32
      %dma_wait3A_122 = arith.constant 0 : i32
      %dma_wait3A_123 = arith.constant 0 : i32
      %dma_wait3A_124 = arith.constant 0 : i32
      %dma_wait3A_125 = tpu.memref_slice %arg8[%dma_wait3A_121, %dma_wait3A_123, %dma_wait3A_124] : memref<4x128x128xf32, #tpu.memory_space<vmem>> -> memref<1x128x128xf32, #tpu.memory_space<vmem>>
      %dma_wait3A_126 = tpu.memref_squeeze %dma_wait3A_125 : memref<1x128x128xf32, #tpu.memory_space<vmem>> -> memref<128x128xf32, #tpu.memory_space<vmem>>
      %dma_wait3A_127 = arith.constant 0 : i32
      %dma_wait3A_128 = tpu.memref_slice %arg6[%select_n3A_120, %dma_wait3A_127] : memref<56x128xi32, #tpu.memory_space<vmem>> -> memref<1x128xi32, #tpu.memory_space<vmem>>
      %dma_wait3A_129 = tpu.memref_squeeze %dma_wait3A_128 : memref<1x128xi32, #tpu.memory_space<vmem>> -> memref<128xi32, #tpu.memory_space<vmem>>
      %dma_wait3A_130 = arith.constant 0 : i32
      %dma_wait3A_131 = arith.constant 0 : i32
      %dma_wait3A_132 = tpu.memref_slice %arg3[%dma_wait3A_130, %dma_wait3A_131] : memref<100000x128xf32, #tpu.memory_space<hbm>> -> memref<100000x128xf32, #tpu.memory_space<hbm>>
      %dma_wait3A_133 = tpu.memref_slice %arg10[%dma_wait3A_122] : memref<4x!tpu.dma_semaphore, #tpu.memory_space<semaphore_mem>> -> memref<1x!tpu.dma_semaphore, #tpu.memory_space<semaphore_mem>>
      %dma_wait3A_134 = tpu.memref_squeeze %dma_wait3A_133 : memref<1x!tpu.dma_semaphore, #tpu.memory_space<semaphore_mem>> -> memref<!tpu.dma_semaphore, #tpu.memory_space<semaphore_mem>>
      tpu.wait_indirect_dma semaphore(%dma_wait3A_134 : memref<!tpu.dma_semaphore, #tpu.memory_space<semaphore_mem>>) src(%dma_wait3A_132 : memref<100000x128xf32, #tpu.memory_space<hbm>>) dst(%dma_wait3A_126 : memref<128x128xf32, #tpu.memory_space<vmem>>)
      %gt3A = arith.constant 0 : i32
      %gt3A_135 = arith.cmpi sgt, %scan3A_104, %gt3A : i32
      %convert_element_type3A_136 = arith.extui %gt3A_135 : i1 to i32
      %cond3A_137 = arith.constant 0 : i32
      %cond3A_138 = arith.cmpi ne, %convert_element_type3A_136, %cond3A_137 : i32
      scf.if %cond3A_138 {
        %dma_wait3A_520 = arith.constant 0 : i32
        %dma_wait3A_521 = arith.constant 0 : i32
        %dma_wait3A_522 = arith.constant 0 : i32
        %dma_wait3A_523 = arith.constant 0 : i32
        %dma_wait3A_524 = tpu.memref_slice %arg9[%dma_wait3A_520, %dma_wait3A_522, %dma_wait3A_523] : memref<2x128x128xf32, #tpu.memory_space<vmem>> -> memref<1x128x128xf32, #tpu.memory_space<vmem>>
        %dma_wait3A_525 = tpu.memref_squeeze %dma_wait3A_524 : memref<1x128x128xf32, #tpu.memory_space<vmem>> -> memref<128x128xf32, #tpu.memory_space<vmem>>
        %dma_wait3A_526 = arith.constant 0 : i32
        %dma_wait3A_527 = tpu.memref_slice %arg5[%add3A_110, %mul3A_2, %dma_wait3A_526] : memref<100x4096x128xf32, #tpu.memory_space<hbm>> -> memref<1x128x128xf32, #tpu.memory_space<hbm>>
        %dma_wait3A_528 = tpu.memref_squeeze %dma_wait3A_527 : memref<1x128x128xf32, #tpu.memory_space<hbm>> -> memref<128x128xf32, #tpu.memory_space<hbm>>
        %dma_wait3A_529 = tpu.memref_slice %arg11[%dma_wait3A_521] : memref<2x!tpu.dma_semaphore, #tpu.memory_space<semaphore_mem>> -> memref<1x!tpu.dma_semaphore, #tpu.memory_space<semaphore_mem>>
        %dma_wait3A_530 = tpu.memref_squeeze %dma_wait3A_529 : memref<1x!tpu.dma_semaphore, #tpu.memory_space<semaphore_mem>> -> memref<!tpu.dma_semaphore, #tpu.memory_space<semaphore_mem>>
        %dma_wait3A_531 = arith.constant 0 : i32
        %dma_wait3A_532 = tpu.memref_slice %arg5[%add3A_110, %mul3A_2, %dma_wait3A_531] : memref<100x4096x128xf32, #tpu.memory_space<hbm>> -> memref<1x128x128xf32, #tpu.memory_space<hbm>>
        %dma_wait3A_533 = tpu.memref_squeeze %dma_wait3A_532 : memref<1x128x128xf32, #tpu.memory_space<hbm>> -> memref<128x128xf32, #tpu.memory_space<hbm>>
        %dma_wait3A_534 = arith.constant 0 : i32
        %dma_wait3A_535 = arith.constant 0 : i32
        %dma_wait3A_536 = tpu.memref_slice %arg9[%dma_wait3A_520, %dma_wait3A_534, %dma_wait3A_535] : memref<2x128x128xf32, #tpu.memory_space<vmem>> -> memref<1x128x128xf32, #tpu.memory_space<vmem>>
        %dma_wait3A_537 = tpu.memref_squeeze %dma_wait3A_536 : memref<1x128x128xf32, #tpu.memory_space<vmem>> -> memref<128x128xf32, #tpu.memory_space<vmem>>
        tpu.wait_dma2 semaphore(%dma_wait3A_530 : memref<!tpu.dma_semaphore, #tpu.memory_space<semaphore_mem>>) src(%dma_wait3A_537 : memref<128x128xf32, #tpu.memory_space<vmem>>) dst(%dma_wait3A_533 : memref<128x128xf32, #tpu.memory_space<hbm>>)
      } else {
      }
      %get3A = arith.index_cast %add3A_110 : i32 to index
      %get3A_139 = arith.constant 0 : index
      %get3A_140 = tpu.vector_load %arg7[%get3A, %get3A_139] {strides = array<i32>} : memref<100x128xf32, #tpu.memory_space<vmem>>, vector<1x16xf32>,
      %get3A_141 = vector.shape_cast %get3A_140 : vector<1x16xf32> to vector<16xf32>
      %get3A_142 = arith.index_cast %add3A_110 : i32 to index
      %get3A_143 = arith.constant 16 : index
      %get3A_144 = tpu.vector_load %arg7[%get3A_142, %get3A_143] {strides = array<i32>} : memref<100x128xf32, #tpu.memory_space<vmem>>, vector<1x16xf32>,
      %get3A_145 = vector.shape_cast %get3A_144 : vector<1x16xf32> to vector<16xf32>
      %get3A_146 = arith.index_cast %add3A_110 : i32 to index
      %get3A_147 = arith.constant 32 : index
      %get3A_148 = tpu.vector_load %arg7[%get3A_146, %get3A_147] {strides = array<i32>} : memref<100x128xf32, #tpu.memory_space<vmem>>, vector<1x16xf32>,
      %get3A_149 = vector.shape_cast %get3A_148 : vector<1x16xf32> to vector<16xf32>
      %get3A_150 = arith.index_cast %add3A_110 : i32 to index
      %get3A_151 = arith.constant 48 : index
      %get3A_152 = tpu.vector_load %arg7[%get3A_150, %get3A_151] {strides = array<i32>} : memref<100x128xf32, #tpu.memory_space<vmem>>, vector<1x16xf32>,
      %get3A_153 = vector.shape_cast %get3A_152 : vector<1x16xf32> to vector<16xf32>
      %get3A_154 = arith.index_cast %add3A_110 : i32 to index
      %get3A_155 = arith.constant 64 : index
      %get3A_156 = tpu.vector_load %arg7[%get3A_154, %get3A_155] {strides = array<i32>} : memref<100x128xf32, #tpu.memory_space<vmem>>, vector<1x16xf32>,
      %get3A_157 = vector.shape_cast %get3A_156 : vector<1x16xf32> to vector<16xf32>
      %get3A_158 = arith.index_cast %add3A_110 : i32 to index
      %get3A_159 = arith.constant 80 : index
      %get3A_160 = tpu.vector_load %arg7[%get3A_158, %get3A_159] {strides = array<i32>} : memref<100x128xf32, #tpu.memory_space<vmem>>, vector<1x16xf32>,
      %get3A_161 = vector.shape_cast %get3A_160 : vector<1x16xf32> to vector<16xf32>
      %get3A_162 = arith.index_cast %add3A_110 : i32 to index
      %get3A_163 = arith.constant 96 : index
      %get3A_164 = tpu.vector_load %arg7[%get3A_162, %get3A_163] {strides = array<i32>} : memref<100x128xf32, #tpu.memory_space<vmem>>, vector<1x16xf32>,
      %get3A_165 = vector.shape_cast %get3A_164 : vector<1x16xf32> to vector<16xf32>
      %get3A_166 = arith.index_cast %add3A_110 : i32 to index
      %get3A_167 = arith.constant 112 : index
      %get3A_168 = tpu.vector_load %arg7[%get3A_166, %get3A_167] {strides = array<i32>} : memref<100x128xf32, #tpu.memory_space<vmem>>, vector<1x16xf32>,
      %get3A_169 = vector.shape_cast %get3A_168 : vector<1x16xf32> to vector<16xf32>
      %parallel_loop3A = arith.constant 0 : i32
      %parallel_loop3A_170 = arith.constant 128 : i32
      %parallel_loop3A_171 = arith.constant 1 : i32
      scf.for %parallel_loop3A_520 = %parallel_loop3A to %parallel_loop3A_170 step %parallel_loop3A_171  : i32 {
        %parallel_loop3A_521 = arith.constant 0 : i32
        %parallel_loop3A_522 = arith.index_cast %parallel_loop3A_521 : i32 to index
        %parallel_loop3A_523 = arith.index_cast %parallel_loop3A_520 : i32 to index
        %parallel_loop3A_524 = arith.constant 0 : index
        %parallel_loop3A_525 = tpu.vector_load %arg8[%parallel_loop3A_522, %parallel_loop3A_523, %parallel_loop3A_524] {strides = array<i32>} : memref<4x128x128xf32, #tpu.memory_space<vmem>>, vector<1x1x16xf32>,
        %parallel_loop3A_526 = vector.shape_cast %parallel_loop3A_525 : vector<1x1x16xf32> to vector<16xf32>
        %parallel_loop3A_527 = arith.constant 11.3137083 : f32
        %parallel_loop3A_528 = vector.broadcast %parallel_loop3A_527 : f32 to vector<16xf32>
        %parallel_loop3A_529 = arith.mulf %parallel_loop3A_526, %parallel_loop3A_528 : vector<16xf32>
        %parallel_loop3A_530 = arith.addf %parallel_loop3A_529, %get3A_141 : vector<16xf32>
        %parallel_loop3A_531 = arith.constant 0 : i32
        %parallel_loop3A_532 = arith.index_cast %parallel_loop3A_531 : i32 to index
        %parallel_loop3A_533 = arith.index_cast %parallel_loop3A_520 : i32 to index
        %parallel_loop3A_534 = arith.constant 0 : index
        %parallel_loop3A_535 = tpu.vector_load %arg9[%parallel_loop3A_532, %parallel_loop3A_533, %parallel_loop3A_534] {strides = array<i32>} : memref<2x128x128xf32, #tpu.memory_space<vmem>>, vector<1x1x16xf32>,
        %parallel_loop3A_536 = vector.shape_cast %parallel_loop3A_535 : vector<1x1x16xf32> to vector<16xf32>
        %parallel_loop3A_537 = vector.shape_cast %parallel_loop3A_530 : vector<16xf32> to vector<1x1x16xf32>
        tpu.vector_store %arg9[%parallel_loop3A_532, %parallel_loop3A_533, %parallel_loop3A_534], %parallel_loop3A_537 {strides = array<i32>} : memref<2x128x128xf32, #tpu.memory_space<vmem>>, vector<1x1x16xf32>,
        %parallel_loop3A_538 = arith.constant 0 : i32
        %parallel_loop3A_539 = arith.index_cast %parallel_loop3A_538 : i32 to index
        %parallel_loop3A_540 = arith.index_cast %parallel_loop3A_520 : i32 to index
        %parallel_loop3A_541 = arith.constant 16 : index
        %parallel_loop3A_542 = tpu.vector_load %arg8[%parallel_loop3A_539, %parallel_loop3A_540, %parallel_loop3A_541] {strides = array<i32>} : memref<4x128x128xf32, #tpu.memory_space<vmem>>, vector<1x1x16xf32>,
        %parallel_loop3A_543 = vector.shape_cast %parallel_loop3A_542 : vector<1x1x16xf32> to vector<16xf32>
        %parallel_loop3A_544 = arith.constant 11.3137083 : f32
        %parallel_loop3A_545 = vector.broadcast %parallel_loop3A_544 : f32 to vector<16xf32>
        %parallel_loop3A_546 = arith.mulf %parallel_loop3A_543, %parallel_loop3A_545 : vector<16xf32>
        %parallel_loop3A_547 = arith.addf %parallel_loop3A_546, %get3A_145 : vector<16xf32>
        %parallel_loop3A_548 = arith.constant 0 : i32
        %parallel_loop3A_549 = arith.index_cast %parallel_loop3A_548 : i32 to index
        %parallel_loop3A_550 = arith.index_cast %parallel_loop3A_520 : i32 to index
        %parallel_loop3A_551 = arith.constant 16 : index
        %parallel_loop3A_552 = tpu.vector_load %arg9[%parallel_loop3A_549, %parallel_loop3A_550, %parallel_loop3A_551] {strides = array<i32>} : memref<2x128x128xf32, #tpu.memory_space<vmem>>, vector<1x1x16xf32>,
        %parallel_loop3A_553 = vector.shape_cast %parallel_loop3A_552 : vector<1x1x16xf32> to vector<16xf32>
        %parallel_loop3A_554 = vector.shape_cast %parallel_loop3A_547 : vector<16xf32> to vector<1x1x16xf32>
        tpu.vector_store %arg9[%parallel_loop3A_549, %parallel_loop3A_550, %parallel_loop3A_551], %parallel_loop3A_554 {strides = array<i32>} : memref<2x128x128xf32, #tpu.memory_space<vmem>>, vector<1x1x16xf32>,
        %parallel_loop3A_555 = arith.constant 0 : i32
        %parallel_loop3A_556 = arith.index_cast %parallel_loop3A_555 : i32 to index
        %parallel_loop3A_557 = arith.index_cast %parallel_loop3A_520 : i32 to index
        %parallel_loop3A_558 = arith.constant 32 : index
        %parallel_loop3A_559 = tpu.vector_load %arg8[%parallel_loop3A_556, %parallel_loop3A_557, %parallel_loop3A_558] {strides = array<i32>} : memref<4x128x128xf32, #tpu.memory_space<vmem>>, vector<1x1x16xf32>,
        %parallel_loop3A_560 = vector.shape_cast %parallel_loop3A_559 : vector<1x1x16xf32> to vector<16xf32>
        %parallel_loop3A_561 = arith.constant 11.3137083 : f32
        %parallel_loop3A_562 = vector.broadcast %parallel_loop3A_561 : f32 to vector<16xf32>
        %parallel_loop3A_563 = arith.mulf %parallel_loop3A_560, %parallel_loop3A_562 : vector<16xf32>
        %parallel_loop3A_564 = arith.addf %parallel_loop3A_563, %get3A_149 : vector<16xf32>
        %parallel_loop3A_565 = arith.constant 0 : i32
        %parallel_loop3A_566 = arith.index_cast %parallel_loop3A_565 : i32 to index
        %parallel_loop3A_567 = arith.index_cast %parallel_loop3A_520 : i32 to index
        %parallel_loop3A_568 = arith.constant 32 : index
        %parallel_loop3A_569 = tpu.vector_load %arg9[%parallel_loop3A_566, %parallel_loop3A_567, %parallel_loop3A_568] {strides = array<i32>} : memref<2x128x128xf32, #tpu.memory_space<vmem>>, vector<1x1x16xf32>,
        %parallel_loop3A_570 = vector.shape_cast %parallel_loop3A_569 : vector<1x1x16xf32> to vector<16xf32>
        %parallel_loop3A_571 = vector.shape_cast %parallel_loop3A_564 : vector<16xf32> to vector<1x1x16xf32>
        tpu.vector_store %arg9[%parallel_loop3A_566, %parallel_loop3A_567, %parallel_loop3A_568], %parallel_loop3A_571 {strides = array<i32>} : memref<2x128x128xf32, #tpu.memory_space<vmem>>, vector<1x1x16xf32>,
        %parallel_loop3A_572 = arith.constant 0 : i32
        %parallel_loop3A_573 = arith.index_cast %parallel_loop3A_572 : i32 to index
        %parallel_loop3A_574 = arith.index_cast %parallel_loop3A_520 : i32 to index
        %parallel_loop3A_575 = arith.constant 48 : index
        %parallel_loop3A_576 = tpu.vector_load %arg8[%parallel_loop3A_573, %parallel_loop3A_574, %parallel_loop3A_575] {strides = array<i32>} : memref<4x128x128xf32, #tpu.memory_space<vmem>>, vector<1x1x16xf32>,
        %parallel_loop3A_577 = vector.shape_cast %parallel_loop3A_576 : vector<1x1x16xf32> to vector<16xf32>
        %parallel_loop3A_578 = arith.constant 11.3137083 : f32
        %parallel_loop3A_579 = vector.broadcast %parallel_loop3A_578 : f32 to vector<16xf32>
        %parallel_loop3A_580 = arith.mulf %parallel_loop3A_577, %parallel_loop3A_579 : vector<16xf32>
        %parallel_loop3A_581 = arith.addf %parallel_loop3A_580, %get3A_153 : vector<16xf32>
        %parallel_loop3A_582 = arith.constant 0 : i32
        %parallel_loop3A_583 = arith.index_cast %parallel_loop3A_582 : i32 to index
        %parallel_loop3A_584 = arith.index_cast %parallel_loop3A_520 : i32 to index
        %parallel_loop3A_585 = arith.constant 48 : index
        %parallel_loop3A_586 = tpu.vector_load %arg9[%parallel_loop3A_583, %parallel_loop3A_584, %parallel_loop3A_585] {strides = array<i32>} : memref<2x128x128xf32, #tpu.memory_space<vmem>>, vector<1x1x16xf32>,
        %parallel_loop3A_587 = vector.shape_cast %parallel_loop3A_586 : vector<1x1x16xf32> to vector<16xf32>
        %parallel_loop3A_588 = vector.shape_cast %parallel_loop3A_581 : vector<16xf32> to vector<1x1x16xf32>
        tpu.vector_store %arg9[%parallel_loop3A_583, %parallel_loop3A_584, %parallel_loop3A_585], %parallel_loop3A_588 {strides = array<i32>} : memref<2x128x128xf32, #tpu.memory_space<vmem>>, vector<1x1x16xf32>,
        %parallel_loop3A_589 = arith.constant 0 : i32
        %parallel_loop3A_590 = arith.index_cast %parallel_loop3A_589 : i32 to index
        %parallel_loop3A_591 = arith.index_cast %parallel_loop3A_520 : i32 to index
        %parallel_loop3A_592 = arith.constant 64 : index
        %parallel_loop3A_593 = tpu.vector_load %arg8[%parallel_loop3A_590, %parallel_loop3A_591, %parallel_loop3A_592] {strides = array<i32>} : memref<4x128x128xf32, #tpu.memory_space<vmem>>, vector<1x1x16xf32>,
        %parallel_loop3A_594 = vector.shape_cast %parallel_loop3A_593 : vector<1x1x16xf32> to vector<16xf32>
        %parallel_loop3A_595 = arith.constant 11.3137083 : f32
        %parallel_loop3A_596 = vector.broadcast %parallel_loop3A_595 : f32 to vector<16xf32>
        %parallel_loop3A_597 = arith.mulf %parallel_loop3A_594, %parallel_loop3A_596 : vector<16xf32>
        %parallel_loop3A_598 = arith.addf %parallel_loop3A_597, %get3A_157 : vector<16xf32>
        %parallel_loop3A_599 = arith.constant 0 : i32
        %parallel_loop3A_600 = arith.index_cast %parallel_loop3A_599 : i32 to index
        %parallel_loop3A_601 = arith.index_cast %parallel_loop3A_520 : i32 to index
        %parallel_loop3A_602 = arith.constant 64 : index
        %parallel_loop3A_603 = tpu.vector_load %arg9[%parallel_loop3A_600, %parallel_loop3A_601, %parallel_loop3A_602] {strides = array<i32>} : memref<2x128x128xf32, #tpu.memory_space<vmem>>, vector<1x1x16xf32>,
        %parallel_loop3A_604 = vector.shape_cast %parallel_loop3A_603 : vector<1x1x16xf32> to vector<16xf32>
        %parallel_loop3A_605 = vector.shape_cast %parallel_loop3A_598 : vector<16xf32> to vector<1x1x16xf32>
        tpu.vector_store %arg9[%parallel_loop3A_600, %parallel_loop3A_601, %parallel_loop3A_602], %parallel_loop3A_605 {strides = array<i32>} : memref<2x128x128xf32, #tpu.memory_space<vmem>>, vector<1x1x16xf32>,
        %parallel_loop3A_606 = arith.constant 0 : i32
        %parallel_loop3A_607 = arith.index_cast %parallel_loop3A_606 : i32 to index
        %parallel_loop3A_608 = arith.index_cast %parallel_loop3A_520 : i32 to index
        %parallel_loop3A_609 = arith.constant 80 : index
        %parallel_loop3A_610 = tpu.vector_load %arg8[%parallel_loop3A_607, %parallel_loop3A_608, %parallel_loop3A_609] {strides = array<i32>} : memref<4x128x128xf32, #tpu.memory_space<vmem>>, vector<1x1x16xf32>,
        %parallel_loop3A_611 = vector.shape_cast %parallel_loop3A_610 : vector<1x1x16xf32> to vector<16xf32>
        %parallel_loop3A_612 = arith.constant 11.3137083 : f32
        %parallel_loop3A_613 = vector.broadcast %parallel_loop3A_612 : f32 to vector<16xf32>
        %parallel_loop3A_614 = arith.mulf %parallel_loop3A_611, %parallel_loop3A_613 : vector<16xf32>
        %parallel_loop3A_615 = arith.addf %parallel_loop3A_614, %get3A_161 : vector<16xf32>
        %parallel_loop3A_616 = arith.constant 0 : i32
        %parallel_loop3A_617 = arith.index_cast %parallel_loop3A_616 : i32 to index
        %parallel_loop3A_618 = arith.index_cast %parallel_loop3A_520 : i32 to index
        %parallel_loop3A_619 = arith.constant 80 : index
        %parallel_loop3A_620 = tpu.vector_load %arg9[%parallel_loop3A_617, %parallel_loop3A_618, %parallel_loop3A_619] {strides = array<i32>} : memref<2x128x128xf32, #tpu.memory_space<vmem>>, vector<1x1x16xf32>,
        %parallel_loop3A_621 = vector.shape_cast %parallel_loop3A_620 : vector<1x1x16xf32> to vector<16xf32>
        %parallel_loop3A_622 = vector.shape_cast %parallel_loop3A_615 : vector<16xf32> to vector<1x1x16xf32>
        tpu.vector_store %arg9[%parallel_loop3A_617, %parallel_loop3A_618, %parallel_loop3A_619], %parallel_loop3A_622 {strides = array<i32>} : memref<2x128x128xf32, #tpu.memory_space<vmem>>, vector<1x1x16xf32>,
        %parallel_loop3A_623 = arith.constant 0 : i32
        %parallel_loop3A_624 = arith.index_cast %parallel_loop3A_623 : i32 to index
        %parallel_loop3A_625 = arith.index_cast %parallel_loop3A_520 : i32 to index
        %parallel_loop3A_626 = arith.constant 96 : index
        %parallel_loop3A_627 = tpu.vector_load %arg8[%parallel_loop3A_624, %parallel_loop3A_625, %parallel_loop3A_626] {strides = array<i32>} : memref<4x128x128xf32, #tpu.memory_space<vmem>>, vector<1x1x16xf32>,
        %parallel_loop3A_628 = vector.shape_cast %parallel_loop3A_627 : vector<1x1x16xf32> to vector<16xf32>
        %parallel_loop3A_629 = arith.constant 11.3137083 : f32
        %parallel_loop3A_630 = vector.broadcast %parallel_loop3A_629 : f32 to vector<16xf32>
        %parallel_loop3A_631 = arith.mulf %parallel_loop3A_628, %parallel_loop3A_630 : vector<16xf32>
        %parallel_loop3A_632 = arith.addf %parallel_loop3A_631, %get3A_165 : vector<16xf32>
        %parallel_loop3A_633 = arith.constant 0 : i32
        %parallel_loop3A_634 = arith.index_cast %parallel_loop3A_633 : i32 to index
        %parallel_loop3A_635 = arith.index_cast %parallel_loop3A_520 : i32 to index
        %parallel_loop3A_636 = arith.constant 96 : index
        %parallel_loop3A_637 = tpu.vector_load %arg9[%parallel_loop3A_634, %parallel_loop3A_635, %parallel_loop3A_636] {strides = array<i32>} : memref<2x128x128xf32, #tpu.memory_space<vmem>>, vector<1x1x16xf32>,
        %parallel_loop3A_638 = vector.shape_cast %parallel_loop3A_637 : vector<1x1x16xf32> to vector<16xf32>
        %parallel_loop3A_639 = vector.shape_cast %parallel_loop3A_632 : vector<16xf32> to vector<1x1x16xf32>
        tpu.vector_store %arg9[%parallel_loop3A_634, %parallel_loop3A_635, %parallel_loop3A_636], %parallel_loop3A_639 {strides = array<i32>} : memref<2x128x128xf32, #tpu.memory_space<vmem>>, vector<1x1x16xf32>,
        %parallel_loop3A_640 = arith.constant 0 : i32
        %parallel_loop3A_641 = arith.index_cast %parallel_loop3A_640 : i32 to index
        %parallel_loop3A_642 = arith.index_cast %parallel_loop3A_520 : i32 to index
        %parallel_loop3A_643 = arith.constant 112 : index
        %parallel_loop3A_644 = tpu.vector_load %arg8[%parallel_loop3A_641, %parallel_loop3A_642, %parallel_loop3A_643] {strides = array<i32>} : memref<4x128x128xf32, #tpu.memory_space<vmem>>, vector<1x1x16xf32>,
        %parallel_loop3A_645 = vector.shape_cast %parallel_loop3A_644 : vector<1x1x16xf32> to vector<16xf32>
        %parallel_loop3A_646 = arith.constant 11.3137083 : f32
        %parallel_loop3A_647 = vector.broadcast %parallel_loop3A_646 : f32 to vector<16xf32>
        %parallel_loop3A_648 = arith.mulf %parallel_loop3A_645, %parallel_loop3A_647 : vector<16xf32>
        %parallel_loop3A_649 = arith.addf %parallel_loop3A_648, %get3A_169 : vector<16xf32>
        %parallel_loop3A_650 = arith.constant 0 : i32
        %parallel_loop3A_651 = arith.index_cast %parallel_loop3A_650 : i32 to index
        %parallel_loop3A_652 = arith.index_cast %parallel_loop3A_520 : i32 to index
        %parallel_loop3A_653 = arith.constant 112 : index
        %parallel_loop3A_654 = tpu.vector_load %arg9[%parallel_loop3A_651, %parallel_loop3A_652, %parallel_loop3A_653] {strides = array<i32>} : memref<2x128x128xf32, #tpu.memory_space<vmem>>, vector<1x1x16xf32>,
        %parallel_loop3A_655 = vector.shape_cast %parallel_loop3A_654 : vector<1x1x16xf32> to vector<16xf32>
        %parallel_loop3A_656 = vector.shape_cast %parallel_loop3A_649 : vector<16xf32> to vector<1x1x16xf32>
        tpu.vector_store %arg9[%parallel_loop3A_651, %parallel_loop3A_652, %parallel_loop3A_653], %parallel_loop3A_656 {strides = array<i32>} : memref<2x128x128xf32, #tpu.memory_space<vmem>>, vector<1x1x16xf32>,
      } {sc.loop_unroll_factor = 4 : i64, sc.parallel_access}
      %dma_start3A_172 = arith.constant 0 : i32
      %dma_start3A_173 = arith.constant 0 : i32
      %dma_start3A_174 = arith.constant 0 : i32
      %dma_start3A_175 = arith.constant 0 : i32
      %dma_start3A_176 = tpu.memref_slice %arg9[%dma_start3A_172, %dma_start3A_174, %dma_start3A_175] : memref<2x128x128xf32, #tpu.memory_space<vmem>> -> memref<1x128x128xf32, #tpu.memory_space<vmem>>
      %dma_start3A_177 = tpu.memref_squeeze %dma_start3A_176 : memref<1x128x128xf32, #tpu.memory_space<vmem>> -> memref<128x128xf32, #tpu.memory_space<vmem>>
      %dma_start3A_178 = arith.constant 0 : i32
      %dma_start3A_179 = tpu.memref_slice %arg5[%add3A_110, %mul3A_2, %dma_start3A_178] : memref<100x4096x128xf32, #tpu.memory_space<hbm>> -> memref<1x128x128xf32, #tpu.memory_space<hbm>>
      %dma_start3A_180 = tpu.memref_squeeze %dma_start3A_179 : memref<1x128x128xf32, #tpu.memory_space<hbm>> -> memref<128x128xf32, #tpu.memory_space<hbm>>
      %dma_start3A_181 = tpu.memref_slice %arg11[%dma_start3A_173] : memref<2x!tpu.dma_semaphore, #tpu.memory_space<semaphore_mem>> -> memref<1x!tpu.dma_semaphore, #tpu.memory_space<semaphore_mem>>
      %dma_start3A_182 = tpu.memref_squeeze %dma_start3A_181 : memref<1x!tpu.dma_semaphore, #tpu.memory_space<semaphore_mem>> -> memref<!tpu.dma_semaphore, #tpu.memory_space<semaphore_mem>>
      %dma_start3A_183 = arith.constant 0 : i32
      %dma_start3A_184 = tpu.memref_slice %arg5[%add3A_110, %mul3A_2, %dma_start3A_183] : memref<100x4096x128xf32, #tpu.memory_space<hbm>> -> memref<1x128x128xf32, #tpu.memory_space<hbm>>
      %dma_start3A_185 = tpu.memref_squeeze %dma_start3A_184 : memref<1x128x128xf32, #tpu.memory_space<hbm>> -> memref<128x128xf32, #tpu.memory_space<hbm>>
      %dma_start3A_186 = arith.constant 0 : i32
      %dma_start3A_187 = arith.constant 0 : i32
      %dma_start3A_188 = tpu.memref_slice %arg9[%dma_start3A_172, %dma_start3A_186, %dma_start3A_187] : memref<2x128x128xf32, #tpu.memory_space<vmem>> -> memref<1x128x128xf32, #tpu.memory_space<vmem>>
      %dma_start3A_189 = tpu.memref_squeeze %dma_start3A_188 : memref<1x128x128xf32, #tpu.memory_space<vmem>> -> memref<128x128xf32, #tpu.memory_space<vmem>>
      tpu.enqueue_dma source(%dma_start3A_189 : memref<128x128xf32, #tpu.memory_space<vmem>>) target(%dma_start3A_185 : memref<128x128xf32, #tpu.memory_space<hbm>>) target_semaphore(%dma_start3A_182 : memref<!tpu.dma_semaphore, #tpu.memory_space<semaphore_mem>>)
      %add3A_190 = arith.constant 4 : i32
      %add3A_191 = arith.addi %add3A_110, %add3A_190 : i32
      %lt3A_192 = arith.constant 100 : i32
      %lt3A_193 = arith.cmpi slt, %add3A_191, %lt3A_192 : i32
      %convert_element_type3A_194 = arith.extui %lt3A_193 : i1 to i32
      %cond3A_195 = arith.constant 0 : i32
      %cond3A_196 = arith.cmpi ne, %convert_element_type3A_194, %cond3A_195 : i32
      scf.if %cond3A_196 {
        %add3A_520 = arith.constant 4 : i32
        %add3A_521 = arith.addi %add3A_110, %add3A_520 : i32
        %jit3A_522 = arith.constant 56 : i32
        %eq3A_523 = arith.constant 0 : i32
        %eq3A_524 = arith.cmpi eq, %jit3A_522, %eq3A_523 : i32
        %jit3A_525 = arith.constant 1 : i32
        %select_n3A_526 = arith.select %eq3A_524, %jit3A_525, %jit3A_522 : i32
        %rem3A_527 = arith.remsi %add3A_521, %select_n3A_526 : i32
        %ne3A_528 = arith.constant 0 : i32
        %ne3A_529 = arith.cmpi ne, %rem3A_527, %ne3A_528 : i32
        %lt3A_530 = arith.constant 0 : i32
        %lt3A_531 = arith.cmpi slt, %rem3A_527, %lt3A_530 : i32
        %lt3A_532 = arith.constant 0 : i32
        %lt3A_533 = arith.cmpi slt, %select_n3A_526, %lt3A_532 : i32
        %ne3A_534 = arith.xori %lt3A_531, %lt3A_533 : i1
        %and3A_535 = arith.andi %ne3A_534, %ne3A_529 : i1
        %add3A_536 = arith.addi %rem3A_527, %select_n3A_526 : i32
        %select_n3A_537 = arith.select %and3A_535, %add3A_536, %rem3A_527 : i32
        %dma_start3A_538 = arith.constant 0 : i32
        %dma_start3A_539 = arith.constant 0 : i32
        %dma_start3A_540 = arith.constant 0 : i32
        %dma_start3A_541 = arith.constant 0 : i32
        %dma_start3A_542 = tpu.memref_slice %arg8[%dma_start3A_538, %dma_start3A_540, %dma_start3A_541] : memref<4x128x128xf32, #tpu.memory_space<vmem>> -> memref<1x128x128xf32, #tpu.memory_space<vmem>>
        %dma_start3A_543 = tpu.memref_squeeze %dma_start3A_542 : memref<1x128x128xf32, #tpu.memory_space<vmem>> -> memref<128x128xf32, #tpu.memory_space<vmem>>
        %dma_start3A_544 = arith.constant 0 : i32
        %dma_start3A_545 = tpu.memref_slice %arg6[%select_n3A_537, %dma_start3A_544] : memref<56x128xi32, #tpu.memory_space<vmem>> -> memref<1x128xi32, #tpu.memory_space<vmem>>
        %dma_start3A_546 = tpu.memref_squeeze %dma_start3A_545 : memref<1x128xi32, #tpu.memory_space<vmem>> -> memref<128xi32, #tpu.memory_space<vmem>>
        %dma_start3A_547 = arith.constant 0 : i32
        %dma_start3A_548 = arith.constant 0 : i32
        %dma_start3A_549 = tpu.memref_slice %arg3[%dma_start3A_547, %dma_start3A_548] : memref<100000x128xf32, #tpu.memory_space<hbm>> -> memref<100000x128xf32, #tpu.memory_space<hbm>>
        %dma_start3A_550 = tpu.memref_slice %arg10[%dma_start3A_539] : memref<4x!tpu.dma_semaphore, #tpu.memory_space<semaphore_mem>> -> memref<1x!tpu.dma_semaphore, #tpu.memory_space<semaphore_mem>>
        %dma_start3A_551 = tpu.memref_squeeze %dma_start3A_550 : memref<1x!tpu.dma_semaphore, #tpu.memory_space<semaphore_mem>> -> memref<!tpu.dma_semaphore, #tpu.memory_space<semaphore_mem>>
        tpu.enqueue_indirect_dma source(%dma_start3A_549 : memref<100000x128xf32, #tpu.memory_space<hbm>>) target(%dma_start3A_543 : memref<128x128xf32, #tpu.memory_space<vmem>>) offsets(%dma_start3A_546 : memref<128xi32, #tpu.memory_space<vmem>>) semaphore(%dma_start3A_551 : memref<!tpu.dma_semaphore, #tpu.memory_space<semaphore_mem>>)
      } else {
      }
      %mul3A_197 = arith.constant 4 : i32
      %mul3A_198 = arith.muli %scan3A_104, %mul3A_197 : i32
      %add3A_199 = arith.constant 1 : i32
      %add3A_200 = arith.addi %mul3A_198, %add3A_199 : i32
      %jit3A_201 = arith.constant 56 : i32
      %eq3A_202 = arith.constant 0 : i32
      %eq3A_203 = arith.cmpi eq, %jit3A_201, %eq3A_202 : i32
      %jit3A_204 = arith.constant 1 : i32
      %select_n3A_205 = arith.select %eq3A_203, %jit3A_204, %jit3A_201 : i32
      %rem3A_206 = arith.remsi %add3A_200, %select_n3A_205 : i32
      %ne3A_207 = arith.constant 0 : i32
      %ne3A_208 = arith.cmpi ne, %rem3A_206, %ne3A_207 : i32
      %lt3A_209 = arith.constant 0 : i32
      %lt3A_210 = arith.cmpi slt, %rem3A_206, %lt3A_209 : i32
      %lt3A_211 = arith.constant 0 : i32
      %lt3A_212 = arith.cmpi slt, %select_n3A_205, %lt3A_211 : i32
      %ne3A_213 = arith.xori %lt3A_210, %lt3A_212 : i1
      %and3A_214 = arith.andi %ne3A_213, %ne3A_208 : i1
      %add3A_215 = arith.addi %rem3A_206, %select_n3A_205 : i32
      %select_n3A_216 = arith.select %and3A_214, %add3A_215, %rem3A_206 : i32
      %dma_wait3A_217 = arith.constant 1 : i32
      %dma_wait3A_218 = arith.constant 1 : i32
      %dma_wait3A_219 = arith.constant 0 : i32
      %dma_wait3A_220 = arith.constant 0 : i32
      %dma_wait3A_221 = tpu.memref_slice %arg8[%dma_wait3A_217, %dma_wait3A_219, %dma_wait3A_220] : memref<4x128x128xf32, #tpu.memory_space<vmem>> -> memref<1x128x128xf32, #tpu.memory_space<vmem>>
      %dma_wait3A_222 = tpu.memref_squeeze %dma_wait3A_221 : memref<1x128x128xf32, #tpu.memory_space<vmem>> -> memref<128x128xf32, #tpu.memory_space<vmem>>
      %dma_wait3A_223 = arith.constant 0 : i32
      %dma_wait3A_224 = tpu.memref_slice %arg6[%select_n3A_216, %dma_wait3A_223] : memref<56x128xi32, #tpu.memory_space<vmem>> -> memref<1x128xi32, #tpu.memory_space<vmem>>
      %dma_wait3A_225 = tpu.memref_squeeze %dma_wait3A_224 : memref<1x128xi32, #tpu.memory_space<vmem>> -> memref<128xi32, #tpu.memory_space<vmem>>
      %dma_wait3A_226 = arith.constant 0 : i32
      %dma_wait3A_227 = arith.constant 0 : i32
      %dma_wait3A_228 = tpu.memref_slice %arg3[%dma_wait3A_226, %dma_wait3A_227] : memref<100000x128xf32, #tpu.memory_space<hbm>> -> memref<100000x128xf32, #tpu.memory_space<hbm>>
      %dma_wait3A_229 = tpu.memref_slice %arg10[%dma_wait3A_218] : memref<4x!tpu.dma_semaphore, #tpu.memory_space<semaphore_mem>> -> memref<1x!tpu.dma_semaphore, #tpu.memory_space<semaphore_mem>>
      %dma_wait3A_230 = tpu.memref_squeeze %dma_wait3A_229 : memref<1x!tpu.dma_semaphore, #tpu.memory_space<semaphore_mem>> -> memref<!tpu.dma_semaphore, #tpu.memory_space<semaphore_mem>>
      tpu.wait_indirect_dma semaphore(%dma_wait3A_230 : memref<!tpu.dma_semaphore, #tpu.memory_space<semaphore_mem>>) src(%dma_wait3A_228 : memref<100000x128xf32, #tpu.memory_space<hbm>>) dst(%dma_wait3A_222 : memref<128x128xf32, #tpu.memory_space<vmem>>)
      %gt3A_231 = arith.constant 0 : i32
      %gt3A_232 = arith.cmpi sgt, %scan3A_104, %gt3A_231 : i32
      %convert_element_type3A_233 = arith.extui %gt3A_232 : i1 to i32
      %cond3A_234 = arith.constant 0 : i32
      %cond3A_235 = arith.cmpi ne, %convert_element_type3A_233, %cond3A_234 : i32
      scf.if %cond3A_235 {
        %dma_wait3A_520 = arith.constant 1 : i32
        %dma_wait3A_521 = arith.constant 1 : i32
        %dma_wait3A_522 = arith.constant 0 : i32
        %dma_wait3A_523 = arith.constant 0 : i32
        %dma_wait3A_524 = tpu.memref_slice %arg9[%dma_wait3A_520, %dma_wait3A_522, %dma_wait3A_523] : memref<2x128x128xf32, #tpu.memory_space<vmem>> -> memref<1x128x128xf32, #tpu.memory_space<vmem>>
        %dma_wait3A_525 = tpu.memref_squeeze %dma_wait3A_524 : memref<1x128x128xf32, #tpu.memory_space<vmem>> -> memref<128x128xf32, #tpu.memory_space<vmem>>
        %dma_wait3A_526 = arith.constant 0 : i32
        %dma_wait3A_527 = tpu.memref_slice %arg5[%add3A_200, %mul3A_2, %dma_wait3A_526] : memref<100x4096x128xf32, #tpu.memory_space<hbm>> -> memref<1x128x128xf32, #tpu.memory_space<hbm>>
        %dma_wait3A_528 = tpu.memref_squeeze %dma_wait3A_527 : memref<1x128x128xf32, #tpu.memory_space<hbm>> -> memref<128x128xf32, #tpu.memory_space<hbm>>
        %dma_wait3A_529 = tpu.memref_slice %arg11[%dma_wait3A_521] : memref<2x!tpu.dma_semaphore, #tpu.memory_space<semaphore_mem>> -> memref<1x!tpu.dma_semaphore, #tpu.memory_space<semaphore_mem>>
        %dma_wait3A_530 = tpu.memref_squeeze %dma_wait3A_529 : memref<1x!tpu.dma_semaphore, #tpu.memory_space<semaphore_mem>> -> memref<!tpu.dma_semaphore, #tpu.memory_space<semaphore_mem>>
        %dma_wait3A_531 = arith.constant 0 : i32
        %dma_wait3A_532 = tpu.memref_slice %arg5[%add3A_200, %mul3A_2, %dma_wait3A_531] : memref<100x4096x128xf32, #tpu.memory_space<hbm>> -> memref<1x128x128xf32, #tpu.memory_space<hbm>>
        %dma_wait3A_533 = tpu.memref_squeeze %dma_wait3A_532 : memref<1x128x128xf32, #tpu.memory_space<hbm>> -> memref<128x128xf32, #tpu.memory_space<hbm>>
        %dma_wait3A_534 = arith.constant 0 : i32
        %dma_wait3A_535 = arith.constant 0 : i32
        %dma_wait3A_536 = tpu.memref_slice %arg9[%dma_wait3A_520, %dma_wait3A_534, %dma_wait3A_535] : memref<2x128x128xf32, #tpu.memory_space<vmem>> -> memref<1x128x128xf32, #tpu.memory_space<vmem>>
        %dma_wait3A_537 = tpu.memref_squeeze %dma_wait3A_536 : memref<1x128x128xf32, #tpu.memory_space<vmem>> -> memref<128x128xf32, #tpu.memory_space<vmem>>
        tpu.wait_dma2 semaphore(%dma_wait3A_530 : memref<!tpu.dma_semaphore, #tpu.memory_space<semaphore_mem>>) src(%dma_wait3A_537 : memref<128x128xf32, #tpu.memory_space<vmem>>) dst(%dma_wait3A_533 : memref<128x128xf32, #tpu.memory_space<hbm>>)
      } else {
      }
      %get3A_236 = arith.index_cast %add3A_200 : i32 to index
      %get3A_237 = arith.constant 0 : index
      %get3A_238 = tpu.vector_load %arg7[%get3A_236, %get3A_237] {strides = array<i32>} : memref<100x128xf32, #tpu.memory_space<vmem>>, vector<1x16xf32>,
      %get3A_239 = vector.shape_cast %get3A_238 : vector<1x16xf32> to vector<16xf32>
      %get3A_240 = arith.index_cast %add3A_200 : i32 to index
      %get3A_241 = arith.constant 16 : index
      %get3A_242 = tpu.vector_load %arg7[%get3A_240, %get3A_241] {strides = array<i32>} : memref<100x128xf32, #tpu.memory_space<vmem>>, vector<1x16xf32>,
      %get3A_243 = vector.shape_cast %get3A_242 : vector<1x16xf32> to vector<16xf32>
      %get3A_244 = arith.index_cast %add3A_200 : i32 to index
      %get3A_245 = arith.constant 32 : index
      %get3A_246 = tpu.vector_load %arg7[%get3A_244, %get3A_245] {strides = array<i32>} : memref<100x128xf32, #tpu.memory_space<vmem>>, vector<1x16xf32>,
      %get3A_247 = vector.shape_cast %get3A_246 : vector<1x16xf32> to vector<16xf32>
      %get3A_248 = arith.index_cast %add3A_200 : i32 to index
      %get3A_249 = arith.constant 48 : index
      %get3A_250 = tpu.vector_load %arg7[%get3A_248, %get3A_249] {strides = array<i32>} : memref<100x128xf32, #tpu.memory_space<vmem>>, vector<1x16xf32>,
      %get3A_251 = vector.shape_cast %get3A_250 : vector<1x16xf32> to vector<16xf32>
      %get3A_252 = arith.index_cast %add3A_200 : i32 to index
      %get3A_253 = arith.constant 64 : index
      %get3A_254 = tpu.vector_load %arg7[%get3A_252, %get3A_253] {strides = array<i32>} : memref<100x128xf32, #tpu.memory_space<vmem>>, vector<1x16xf32>,
      %get3A_255 = vector.shape_cast %get3A_254 : vector<1x16xf32> to vector<16xf32>
      %get3A_256 = arith.index_cast %add3A_200 : i32 to index
      %get3A_257 = arith.constant 80 : index
      %get3A_258 = tpu.vector_load %arg7[%get3A_256, %get3A_257] {strides = array<i32>} : memref<100x128xf32, #tpu.memory_space<vmem>>, vector<1x16xf32>,
      %get3A_259 = vector.shape_cast %get3A_258 : vector<1x16xf32> to vector<16xf32>
      %get3A_260 = arith.index_cast %add3A_200 : i32 to index
      %get3A_261 = arith.constant 96 : index
      %get3A_262 = tpu.vector_load %arg7[%get3A_260, %get3A_261] {strides = array<i32>} : memref<100x128xf32, #tpu.memory_space<vmem>>, vector<1x16xf32>,
      %get3A_263 = vector.shape_cast %get3A_262 : vector<1x16xf32> to vector<16xf32>
      %get3A_264 = arith.index_cast %add3A_200 : i32 to index
      %get3A_265 = arith.constant 112 : index
      %get3A_266 = tpu.vector_load %arg7[%get3A_264, %get3A_265] {strides = array<i32>} : memref<100x128xf32, #tpu.memory_space<vmem>>, vector<1x16xf32>,
      %get3A_267 = vector.shape_cast %get3A_266 : vector<1x16xf32> to vector<16xf32>
      %parallel_loop3A_268 = arith.constant 0 : i32
      %parallel_loop3A_269 = arith.constant 128 : i32
      %parallel_loop3A_270 = arith.constant 1 : i32
      scf.for %parallel_loop3A_520 = %parallel_loop3A_268 to %parallel_loop3A_269 step %parallel_loop3A_270  : i32 {
        %parallel_loop3A_521 = arith.constant 1 : i32
        %parallel_loop3A_522 = arith.index_cast %parallel_loop3A_521 : i32 to index
        %parallel_loop3A_523 = arith.index_cast %parallel_loop3A_520 : i32 to index
        %parallel_loop3A_524 = arith.constant 0 : index
        %parallel_loop3A_525 = tpu.vector_load %arg8[%parallel_loop3A_522, %parallel_loop3A_523, %parallel_loop3A_524] {strides = array<i32>} : memref<4x128x128xf32, #tpu.memory_space<vmem>>, vector<1x1x16xf32>,
        %parallel_loop3A_526 = vector.shape_cast %parallel_loop3A_525 : vector<1x1x16xf32> to vector<16xf32>
        %parallel_loop3A_527 = arith.constant 11.3137083 : f32
        %parallel_loop3A_528 = vector.broadcast %parallel_loop3A_527 : f32 to vector<16xf32>
        %parallel_loop3A_529 = arith.mulf %parallel_loop3A_526, %parallel_loop3A_528 : vector<16xf32>
        %parallel_loop3A_530 = arith.addf %parallel_loop3A_529, %get3A_239 : vector<16xf32>
        %parallel_loop3A_531 = arith.constant 1 : i32
        %parallel_loop3A_532 = arith.index_cast %parallel_loop3A_531 : i32 to index
        %parallel_loop3A_533 = arith.index_cast %parallel_loop3A_520 : i32 to index
        %parallel_loop3A_534 = arith.constant 0 : index
        %parallel_loop3A_535 = tpu.vector_load %arg9[%parallel_loop3A_532, %parallel_loop3A_533, %parallel_loop3A_534] {strides = array<i32>} : memref<2x128x128xf32, #tpu.memory_space<vmem>>, vector<1x1x16xf32>,
        %parallel_loop3A_536 = vector.shape_cast %parallel_loop3A_535 : vector<1x1x16xf32> to vector<16xf32>
        %parallel_loop3A_537 = vector.shape_cast %parallel_loop3A_530 : vector<16xf32> to vector<1x1x16xf32>
        tpu.vector_store %arg9[%parallel_loop3A_532, %parallel_loop3A_533, %parallel_loop3A_534], %parallel_loop3A_537 {strides = array<i32>} : memref<2x128x128xf32, #tpu.memory_space<vmem>>, vector<1x1x16xf32>,
        %parallel_loop3A_538 = arith.constant 1 : i32
        %parallel_loop3A_539 = arith.index_cast %parallel_loop3A_538 : i32 to index
        %parallel_loop3A_540 = arith.index_cast %parallel_loop3A_520 : i32 to index
        %parallel_loop3A_541 = arith.constant 16 : index
        %parallel_loop3A_542 = tpu.vector_load %arg8[%parallel_loop3A_539, %parallel_loop3A_540, %parallel_loop3A_541] {strides = array<i32>} : memref<4x128x128xf32, #tpu.memory_space<vmem>>, vector<1x1x16xf32>,
        %parallel_loop3A_543 = vector.shape_cast %parallel_loop3A_542 : vector<1x1x16xf32> to vector<16xf32>
        %parallel_loop3A_544 = arith.constant 11.3137083 : f32
        %parallel_loop3A_545 = vector.broadcast %parallel_loop3A_544 : f32 to vector<16xf32>
        %parallel_loop3A_546 = arith.mulf %parallel_loop3A_543, %parallel_loop3A_545 : vector<16xf32>
        %parallel_loop3A_547 = arith.addf %parallel_loop3A_546, %get3A_243 : vector<16xf32>
        %parallel_loop3A_548 = arith.constant 1 : i32
        %parallel_loop3A_549 = arith.index_cast %parallel_loop3A_548 : i32 to index
        %parallel_loop3A_550 = arith.index_cast %parallel_loop3A_520 : i32 to index
        %parallel_loop3A_551 = arith.constant 16 : index
        %parallel_loop3A_552 = tpu.vector_load %arg9[%parallel_loop3A_549, %parallel_loop3A_550, %parallel_loop3A_551] {strides = array<i32>} : memref<2x128x128xf32, #tpu.memory_space<vmem>>, vector<1x1x16xf32>,
        %parallel_loop3A_553 = vector.shape_cast %parallel_loop3A_552 : vector<1x1x16xf32> to vector<16xf32>
        %parallel_loop3A_554 = vector.shape_cast %parallel_loop3A_547 : vector<16xf32> to vector<1x1x16xf32>
        tpu.vector_store %arg9[%parallel_loop3A_549, %parallel_loop3A_550, %parallel_loop3A_551], %parallel_loop3A_554 {strides = array<i32>} : memref<2x128x128xf32, #tpu.memory_space<vmem>>, vector<1x1x16xf32>,
        %parallel_loop3A_555 = arith.constant 1 : i32
        %parallel_loop3A_556 = arith.index_cast %parallel_loop3A_555 : i32 to index
        %parallel_loop3A_557 = arith.index_cast %parallel_loop3A_520 : i32 to index
        %parallel_loop3A_558 = arith.constant 32 : index
        %parallel_loop3A_559 = tpu.vector_load %arg8[%parallel_loop3A_556, %parallel_loop3A_557, %parallel_loop3A_558] {strides = array<i32>} : memref<4x128x128xf32, #tpu.memory_space<vmem>>, vector<1x1x16xf32>,
        %parallel_loop3A_560 = vector.shape_cast %parallel_loop3A_559 : vector<1x1x16xf32> to vector<16xf32>
        %parallel_loop3A_561 = arith.constant 11.3137083 : f32
        %parallel_loop3A_562 = vector.broadcast %parallel_loop3A_561 : f32 to vector<16xf32>
        %parallel_loop3A_563 = arith.mulf %parallel_loop3A_560, %parallel_loop3A_562 : vector<16xf32>
        %parallel_loop3A_564 = arith.addf %parallel_loop3A_563, %get3A_247 : vector<16xf32>
        %parallel_loop3A_565 = arith.constant 1 : i32
        %parallel_loop3A_566 = arith.index_cast %parallel_loop3A_565 : i32 to index
        %parallel_loop3A_567 = arith.index_cast %parallel_loop3A_520 : i32 to index
        %parallel_loop3A_568 = arith.constant 32 : index
        %parallel_loop3A_569 = tpu.vector_load %arg9[%parallel_loop3A_566, %parallel_loop3A_567, %parallel_loop3A_568] {strides = array<i32>} : memref<2x128x128xf32, #tpu.memory_space<vmem>>, vector<1x1x16xf32>,
        %parallel_loop3A_570 = vector.shape_cast %parallel_loop3A_569 : vector<1x1x16xf32> to vector<16xf32>
        %parallel_loop3A_571 = vector.shape_cast %parallel_loop3A_564 : vector<16xf32> to vector<1x1x16xf32>
        tpu.vector_store %arg9[%parallel_loop3A_566, %parallel_loop3A_567, %parallel_loop3A_568], %parallel_loop3A_571 {strides = array<i32>} : memref<2x128x128xf32, #tpu.memory_space<vmem>>, vector<1x1x16xf32>,
        %parallel_loop3A_572 = arith.constant 1 : i32
        %parallel_loop3A_573 = arith.index_cast %parallel_loop3A_572 : i32 to index
        %parallel_loop3A_574 = arith.index_cast %parallel_loop3A_520 : i32 to index
        %parallel_loop3A_575 = arith.constant 48 : index
        %parallel_loop3A_576 = tpu.vector_load %arg8[%parallel_loop3A_573, %parallel_loop3A_574, %parallel_loop3A_575] {strides = array<i32>} : memref<4x128x128xf32, #tpu.memory_space<vmem>>, vector<1x1x16xf32>,
        %parallel_loop3A_577 = vector.shape_cast %parallel_loop3A_576 : vector<1x1x16xf32> to vector<16xf32>
        %parallel_loop3A_578 = arith.constant 11.3137083 : f32
        %parallel_loop3A_579 = vector.broadcast %parallel_loop3A_578 : f32 to vector<16xf32>
        %parallel_loop3A_580 = arith.mulf %parallel_loop3A_577, %parallel_loop3A_579 : vector<16xf32>
        %parallel_loop3A_581 = arith.addf %parallel_loop3A_580, %get3A_251 : vector<16xf32>
        %parallel_loop3A_582 = arith.constant 1 : i32
        %parallel_loop3A_583 = arith.index_cast %parallel_loop3A_582 : i32 to index
        %parallel_loop3A_584 = arith.index_cast %parallel_loop3A_520 : i32 to index
        %parallel_loop3A_585 = arith.constant 48 : index
        %parallel_loop3A_586 = tpu.vector_load %arg9[%parallel_loop3A_583, %parallel_loop3A_584, %parallel_loop3A_585] {strides = array<i32>} : memref<2x128x128xf32, #tpu.memory_space<vmem>>, vector<1x1x16xf32>,
        %parallel_loop3A_587 = vector.shape_cast %parallel_loop3A_586 : vector<1x1x16xf32> to vector<16xf32>
        %parallel_loop3A_588 = vector.shape_cast %parallel_loop3A_581 : vector<16xf32> to vector<1x1x16xf32>
        tpu.vector_store %arg9[%parallel_loop3A_583, %parallel_loop3A_584, %parallel_loop3A_585], %parallel_loop3A_588 {strides = array<i32>} : memref<2x128x128xf32, #tpu.memory_space<vmem>>, vector<1x1x16xf32>,
        %parallel_loop3A_589 = arith.constant 1 : i32
        %parallel_loop3A_590 = arith.index_cast %parallel_loop3A_589 : i32 to index
        %parallel_loop3A_591 = arith.index_cast %parallel_loop3A_520 : i32 to index
        %parallel_loop3A_592 = arith.constant 64 : index
        %parallel_loop3A_593 = tpu.vector_load %arg8[%parallel_loop3A_590, %parallel_loop3A_591, %parallel_loop3A_592] {strides = array<i32>} : memref<4x128x128xf32, #tpu.memory_space<vmem>>, vector<1x1x16xf32>,
        %parallel_loop3A_594 = vector.shape_cast %parallel_loop3A_593 : vector<1x1x16xf32> to vector<16xf32>
        %parallel_loop3A_595 = arith.constant 11.3137083 : f32
        %parallel_loop3A_596 = vector.broadcast %parallel_loop3A_595 : f32 to vector<16xf32>
        %parallel_loop3A_597 = arith.mulf %parallel_loop3A_594, %parallel_loop3A_596 : vector<16xf32>
        %parallel_loop3A_598 = arith.addf %parallel_loop3A_597, %get3A_255 : vector<16xf32>
        %parallel_loop3A_599 = arith.constant 1 : i32
        %parallel_loop3A_600 = arith.index_cast %parallel_loop3A_599 : i32 to index
        %parallel_loop3A_601 = arith.index_cast %parallel_loop3A_520 : i32 to index
        %parallel_loop3A_602 = arith.constant 64 : index
        %parallel_loop3A_603 = tpu.vector_load %arg9[%parallel_loop3A_600, %parallel_loop3A_601, %parallel_loop3A_602] {strides = array<i32>} : memref<2x128x128xf32, #tpu.memory_space<vmem>>, vector<1x1x16xf32>,
        %parallel_loop3A_604 = vector.shape_cast %parallel_loop3A_603 : vector<1x1x16xf32> to vector<16xf32>
        %parallel_loop3A_605 = vector.shape_cast %parallel_loop3A_598 : vector<16xf32> to vector<1x1x16xf32>
        tpu.vector_store %arg9[%parallel_loop3A_600, %parallel_loop3A_601, %parallel_loop3A_602], %parallel_loop3A_605 {strides = array<i32>} : memref<2x128x128xf32, #tpu.memory_space<vmem>>, vector<1x1x16xf32>,
        %parallel_loop3A_606 = arith.constant 1 : i32
        %parallel_loop3A_607 = arith.index_cast %parallel_loop3A_606 : i32 to index
        %parallel_loop3A_608 = arith.index_cast %parallel_loop3A_520 : i32 to index
        %parallel_loop3A_609 = arith.constant 80 : index
        %parallel_loop3A_610 = tpu.vector_load %arg8[%parallel_loop3A_607, %parallel_loop3A_608, %parallel_loop3A_609] {strides = array<i32>} : memref<4x128x128xf32, #tpu.memory_space<vmem>>, vector<1x1x16xf32>,
        %parallel_loop3A_611 = vector.shape_cast %parallel_loop3A_610 : vector<1x1x16xf32> to vector<16xf32>
        %parallel_loop3A_612 = arith.constant 11.3137083 : f32
        %parallel_loop3A_613 = vector.broadcast %parallel_loop3A_612 : f32 to vector<16xf32>
        %parallel_loop3A_614 = arith.mulf %parallel_loop3A_611, %parallel_loop3A_613 : vector<16xf32>
        %parallel_loop3A_615 = arith.addf %parallel_loop3A_614, %get3A_259 : vector<16xf32>
        %parallel_loop3A_616 = arith.constant 1 : i32
        %parallel_loop3A_617 = arith.index_cast %parallel_loop3A_616 : i32 to index
        %parallel_loop3A_618 = arith.index_cast %parallel_loop3A_520 : i32 to index
        %parallel_loop3A_619 = arith.constant 80 : index
        %parallel_loop3A_620 = tpu.vector_load %arg9[%parallel_loop3A_617, %parallel_loop3A_618, %parallel_loop3A_619] {strides = array<i32>} : memref<2x128x128xf32, #tpu.memory_space<vmem>>, vector<1x1x16xf32>,
        %parallel_loop3A_621 = vector.shape_cast %parallel_loop3A_620 : vector<1x1x16xf32> to vector<16xf32>
        %parallel_loop3A_622 = vector.shape_cast %parallel_loop3A_615 : vector<16xf32> to vector<1x1x16xf32>
        tpu.vector_store %arg9[%parallel_loop3A_617, %parallel_loop3A_618, %parallel_loop3A_619], %parallel_loop3A_622 {strides = array<i32>} : memref<2x128x128xf32, #tpu.memory_space<vmem>>, vector<1x1x16xf32>,
        %parallel_loop3A_623 = arith.constant 1 : i32
        %parallel_loop3A_624 = arith.index_cast %parallel_loop3A_623 : i32 to index
        %parallel_loop3A_625 = arith.index_cast %parallel_loop3A_520 : i32 to index
        %parallel_loop3A_626 = arith.constant 96 : index
        %parallel_loop3A_627 = tpu.vector_load %arg8[%parallel_loop3A_624, %parallel_loop3A_625, %parallel_loop3A_626] {strides = array<i32>} : memref<4x128x128xf32, #tpu.memory_space<vmem>>, vector<1x1x16xf32>,
        %parallel_loop3A_628 = vector.shape_cast %parallel_loop3A_627 : vector<1x1x16xf32> to vector<16xf32>
        %parallel_loop3A_629 = arith.constant 11.3137083 : f32
        %parallel_loop3A_630 = vector.broadcast %parallel_loop3A_629 : f32 to vector<16xf32>
        %parallel_loop3A_631 = arith.mulf %parallel_loop3A_628, %parallel_loop3A_630 : vector<16xf32>
        %parallel_loop3A_632 = arith.addf %parallel_loop3A_631, %get3A_263 : vector<16xf32>
        %parallel_loop3A_633 = arith.constant 1 : i32
        %parallel_loop3A_634 = arith.index_cast %parallel_loop3A_633 : i32 to index
        %parallel_loop3A_635 = arith.index_cast %parallel_loop3A_520 : i32 to index
        %parallel_loop3A_636 = arith.constant 96 : index
        %parallel_loop3A_637 = tpu.vector_load %arg9[%parallel_loop3A_634, %parallel_loop3A_635, %parallel_loop3A_636] {strides = array<i32>} : memref<2x128x128xf32, #tpu.memory_space<vmem>>, vector<1x1x16xf32>,
        %parallel_loop3A_638 = vector.shape_cast %parallel_loop3A_637 : vector<1x1x16xf32> to vector<16xf32>
        %parallel_loop3A_639 = vector.shape_cast %parallel_loop3A_632 : vector<16xf32> to vector<1x1x16xf32>
        tpu.vector_store %arg9[%parallel_loop3A_634, %parallel_loop3A_635, %parallel_loop3A_636], %parallel_loop3A_639 {strides = array<i32>} : memref<2x128x128xf32, #tpu.memory_space<vmem>>, vector<1x1x16xf32>,
        %parallel_loop3A_640 = arith.constant 1 : i32
        %parallel_loop3A_641 = arith.index_cast %parallel_loop3A_640 : i32 to index
        %parallel_loop3A_642 = arith.index_cast %parallel_loop3A_520 : i32 to index
        %parallel_loop3A_643 = arith.constant 112 : index
        %parallel_loop3A_644 = tpu.vector_load %arg8[%parallel_loop3A_641, %parallel_loop3A_642, %parallel_loop3A_643] {strides = array<i32>} : memref<4x128x128xf32, #tpu.memory_space<vmem>>, vector<1x1x16xf32>,
        %parallel_loop3A_645 = vector.shape_cast %parallel_loop3A_644 : vector<1x1x16xf32> to vector<16xf32>
        %parallel_loop3A_646 = arith.constant 11.3137083 : f32
        %parallel_loop3A_647 = vector.broadcast %parallel_loop3A_646 : f32 to vector<16xf32>
        %parallel_loop3A_648 = arith.mulf %parallel_loop3A_645, %parallel_loop3A_647 : vector<16xf32>
        %parallel_loop3A_649 = arith.addf %parallel_loop3A_648, %get3A_267 : vector<16xf32>
        %parallel_loop3A_650 = arith.constant 1 : i32
        %parallel_loop3A_651 = arith.index_cast %parallel_loop3A_650 : i32 to index
        %parallel_loop3A_652 = arith.index_cast %parallel_loop3A_520 : i32 to index
        %parallel_loop3A_653 = arith.constant 112 : index
        %parallel_loop3A_654 = tpu.vector_load %arg9[%parallel_loop3A_651, %parallel_loop3A_652, %parallel_loop3A_653] {strides = array<i32>} : memref<2x128x128xf32, #tpu.memory_space<vmem>>, vector<1x1x16xf32>,
        %parallel_loop3A_655 = vector.shape_cast %parallel_loop3A_654 : vector<1x1x16xf32> to vector<16xf32>
        %parallel_loop3A_656 = vector.shape_cast %parallel_loop3A_649 : vector<16xf32> to vector<1x1x16xf32>
        tpu.vector_store %arg9[%parallel_loop3A_651, %parallel_loop3A_652, %parallel_loop3A_653], %parallel_loop3A_656 {strides = array<i32>} : memref<2x128x128xf32, #tpu.memory_space<vmem>>, vector<1x1x16xf32>,
      } {sc.loop_unroll_factor = 4 : i64, sc.parallel_access}
      %dma_start3A_271 = arith.constant 1 : i32
      %dma_start3A_272 = arith.constant 1 : i32
      %dma_start3A_273 = arith.constant 0 : i32
      %dma_start3A_274 = arith.constant 0 : i32
      %dma_start3A_275 = tpu.memref_slice %arg9[%dma_start3A_271, %dma_start3A_273, %dma_start3A_274] : memref<2x128x128xf32, #tpu.memory_space<vmem>> -> memref<1x128x128xf32, #tpu.memory_space<vmem>>
      %dma_start3A_276 = tpu.memref_squeeze %dma_start3A_275 : memref<1x128x128xf32, #tpu.memory_space<vmem>> -> memref<128x128xf32, #tpu.memory_space<vmem>>
      %dma_start3A_277 = arith.constant 0 : i32
      %dma_start3A_278 = tpu.memref_slice %arg5[%add3A_200, %mul3A_2, %dma_start3A_277] : memref<100x4096x128xf32, #tpu.memory_space<hbm>> -> memref<1x128x128xf32, #tpu.memory_space<hbm>>
      %dma_start3A_279 = tpu.memref_squeeze %dma_start3A_278 : memref<1x128x128xf32, #tpu.memory_space<hbm>> -> memref<128x128xf32, #tpu.memory_space<hbm>>
      %dma_start3A_280 = tpu.memref_slice %arg11[%dma_start3A_272] : memref<2x!tpu.dma_semaphore, #tpu.memory_space<semaphore_mem>> -> memref<1x!tpu.dma_semaphore, #tpu.memory_space<semaphore_mem>>
      %dma_start3A_281 = tpu.memref_squeeze %dma_start3A_280 : memref<1x!tpu.dma_semaphore, #tpu.memory_space<semaphore_mem>> -> memref<!tpu.dma_semaphore, #tpu.memory_space<semaphore_mem>>
      %dma_start3A_282 = arith.constant 0 : i32
      %dma_start3A_283 = tpu.memref_slice %arg5[%add3A_200, %mul3A_2, %dma_start3A_282] : memref<100x4096x128xf32, #tpu.memory_space<hbm>> -> memref<1x128x128xf32, #tpu.memory_space<hbm>>
      %dma_start3A_284 = tpu.memref_squeeze %dma_start3A_283 : memref<1x128x128xf32, #tpu.memory_space<hbm>> -> memref<128x128xf32, #tpu.memory_space<hbm>>
      %dma_start3A_285 = arith.constant 0 : i32
      %dma_start3A_286 = arith.constant 0 : i32
      %dma_start3A_287 = tpu.memref_slice %arg9[%dma_start3A_271, %dma_start3A_285, %dma_start3A_286] : memref<2x128x128xf32, #tpu.memory_space<vmem>> -> memref<1x128x128xf32, #tpu.memory_space<vmem>>
      %dma_start3A_288 = tpu.memref_squeeze %dma_start3A_287 : memref<1x128x128xf32, #tpu.memory_space<vmem>> -> memref<128x128xf32, #tpu.memory_space<vmem>>
      tpu.enqueue_dma source(%dma_start3A_288 : memref<128x128xf32, #tpu.memory_space<vmem>>) target(%dma_start3A_284 : memref<128x128xf32, #tpu.memory_space<hbm>>) target_semaphore(%dma_start3A_281 : memref<!tpu.dma_semaphore, #tpu.memory_space<semaphore_mem>>)
      %add3A_289 = arith.constant 4 : i32
      %add3A_290 = arith.addi %add3A_200, %add3A_289 : i32
      %lt3A_291 = arith.constant 100 : i32
      %lt3A_292 = arith.cmpi slt, %add3A_290, %lt3A_291 : i32
      %convert_element_type3A_293 = arith.extui %lt3A_292 : i1 to i32
      %cond3A_294 = arith.constant 0 : i32
      %cond3A_295 = arith.cmpi ne, %convert_element_type3A_293, %cond3A_294 : i32
      scf.if %cond3A_295 {
        %add3A_520 = arith.constant 4 : i32
        %add3A_521 = arith.addi %add3A_200, %add3A_520 : i32
        %jit3A_522 = arith.constant 56 : i32
        %eq3A_523 = arith.constant 0 : i32
        %eq3A_524 = arith.cmpi eq, %jit3A_522, %eq3A_523 : i32
        %jit3A_525 = arith.constant 1 : i32
        %select_n3A_526 = arith.select %eq3A_524, %jit3A_525, %jit3A_522 : i32
        %rem3A_527 = arith.remsi %add3A_521, %select_n3A_526 : i32
        %ne3A_528 = arith.constant 0 : i32
        %ne3A_529 = arith.cmpi ne, %rem3A_527, %ne3A_528 : i32
        %lt3A_530 = arith.constant 0 : i32
        %lt3A_531 = arith.cmpi slt, %rem3A_527, %lt3A_530 : i32
        %lt3A_532 = arith.constant 0 : i32
        %lt3A_533 = arith.cmpi slt, %select_n3A_526, %lt3A_532 : i32
        %ne3A_534 = arith.xori %lt3A_531, %lt3A_533 : i1
        %and3A_535 = arith.andi %ne3A_534, %ne3A_529 : i1
        %add3A_536 = arith.addi %rem3A_527, %select_n3A_526 : i32
        %select_n3A_537 = arith.select %and3A_535, %add3A_536, %rem3A_527 : i32
        %dma_start3A_538 = arith.constant 1 : i32
        %dma_start3A_539 = arith.constant 1 : i32
        %dma_start3A_540 = arith.constant 0 : i32
        %dma_start3A_541 = arith.constant 0 : i32
        %dma_start3A_542 = tpu.memref_slice %arg8[%dma_start3A_538, %dma_start3A_540, %dma_start3A_541] : memref<4x128x128xf32, #tpu.memory_space<vmem>> -> memref<1x128x128xf32, #tpu.memory_space<vmem>>
        %dma_start3A_543 = tpu.memref_squeeze %dma_start3A_542 : memref<1x128x128xf32, #tpu.memory_space<vmem>> -> memref<128x128xf32, #tpu.memory_space<vmem>>
        %dma_start3A_544 = arith.constant 0 : i32
        %dma_start3A_545 = tpu.memref_slice %arg6[%select_n3A_537, %dma_start3A_544] : memref<56x128xi32, #tpu.memory_space<vmem>> -> memref<1x128xi32, #tpu.memory_space<vmem>>
        %dma_start3A_546 = tpu.memref_squeeze %dma_start3A_545 : memref<1x128xi32, #tpu.memory_space<vmem>> -> memref<128xi32, #tpu.memory_space<vmem>>
        %dma_start3A_547 = arith.constant 0 : i32
        %dma_start3A_548 = arith.constant 0 : i32
        %dma_start3A_549 = tpu.memref_slice %arg3[%dma_start3A_547, %dma_start3A_548] : memref<100000x128xf32, #tpu.memory_space<hbm>> -> memref<100000x128xf32, #tpu.memory_space<hbm>>
        %dma_start3A_550 = tpu.memref_slice %arg10[%dma_start3A_539] : memref<4x!tpu.dma_semaphore, #tpu.memory_space<semaphore_mem>> -> memref<1x!tpu.dma_semaphore, #tpu.memory_space<semaphore_mem>>
        %dma_start3A_551 = tpu.memref_squeeze %dma_start3A_550 : memref<1x!tpu.dma_semaphore, #tpu.memory_space<semaphore_mem>> -> memref<!tpu.dma_semaphore, #tpu.memory_space<semaphore_mem>>
        tpu.enqueue_indirect_dma source(%dma_start3A_549 : memref<100000x128xf32, #tpu.memory_space<hbm>>) target(%dma_start3A_543 : memref<128x128xf32, #tpu.memory_space<vmem>>) offsets(%dma_start3A_546 : memref<128xi32, #tpu.memory_space<vmem>>) semaphore(%dma_start3A_551 : memref<!tpu.dma_semaphore, #tpu.memory_space<semaphore_mem>>)
      } else {
      }
      %mul3A_296 = arith.constant 4 : i32
      %mul3A_297 = arith.muli %scan3A_104, %mul3A_296 : i32
      %add3A_298 = arith.constant 2 : i32
      %add3A_299 = arith.addi %mul3A_297, %add3A_298 : i32
      %jit3A_300 = arith.constant 56 : i32
      %eq3A_301 = arith.constant 0 : i32
      %eq3A_302 = arith.cmpi eq, %jit3A_300, %eq3A_301 : i32
      %jit3A_303 = arith.constant 1 : i32
      %select_n3A_304 = arith.select %eq3A_302, %jit3A_303, %jit3A_300 : i32
      %rem3A_305 = arith.remsi %add3A_299, %select_n3A_304 : i32
      %ne3A_306 = arith.constant 0 : i32
      %ne3A_307 = arith.cmpi ne, %rem3A_305, %ne3A_306 : i32
      %lt3A_308 = arith.constant 0 : i32
      %lt3A_309 = arith.cmpi slt, %rem3A_305, %lt3A_308 : i32
      %lt3A_310 = arith.constant 0 : i32
      %lt3A_311 = arith.cmpi slt, %select_n3A_304, %lt3A_310 : i32
      %ne3A_312 = arith.xori %lt3A_309, %lt3A_311 : i1
      %and3A_313 = arith.andi %ne3A_312, %ne3A_307 : i1
      %add3A_314 = arith.addi %rem3A_305, %select_n3A_304 : i32
      %select_n3A_315 = arith.select %and3A_313, %add3A_314, %rem3A_305 : i32
      %dma_wait3A_316 = arith.constant 2 : i32
      %dma_wait3A_317 = arith.constant 2 : i32
      %dma_wait3A_318 = arith.constant 0 : i32
      %dma_wait3A_319 = arith.constant 0 : i32
      %dma_wait3A_320 = tpu.memref_slice %arg8[%dma_wait3A_316, %dma_wait3A_318, %dma_wait3A_319] : memref<4x128x128xf32, #tpu.memory_space<vmem>> -> memref<1x128x128xf32, #tpu.memory_space<vmem>>
      %dma_wait3A_321 = tpu.memref_squeeze %dma_wait3A_320 : memref<1x128x128xf32, #tpu.memory_space<vmem>> -> memref<128x128xf32, #tpu.memory_space<vmem>>
      %dma_wait3A_322 = arith.constant 0 : i32
      %dma_wait3A_323 = tpu.memref_slice %arg6[%select_n3A_315, %dma_wait3A_322] : memref<56x128xi32, #tpu.memory_space<vmem>> -> memref<1x128xi32, #tpu.memory_space<vmem>>
      %dma_wait3A_324 = tpu.memref_squeeze %dma_wait3A_323 : memref<1x128xi32, #tpu.memory_space<vmem>> -> memref<128xi32, #tpu.memory_space<vmem>>
      %dma_wait3A_325 = arith.constant 0 : i32
      %dma_wait3A_326 = arith.constant 0 : i32
      %dma_wait3A_327 = tpu.memref_slice %arg3[%dma_wait3A_325, %dma_wait3A_326] : memref<100000x128xf32, #tpu.memory_space<hbm>> -> memref<100000x128xf32, #tpu.memory_space<hbm>>
      %dma_wait3A_328 = tpu.memref_slice %arg10[%dma_wait3A_317] : memref<4x!tpu.dma_semaphore, #tpu.memory_space<semaphore_mem>> -> memref<1x!tpu.dma_semaphore, #tpu.memory_space<semaphore_mem>>
      %dma_wait3A_329 = tpu.memref_squeeze %dma_wait3A_328 : memref<1x!tpu.dma_semaphore, #tpu.memory_space<semaphore_mem>> -> memref<!tpu.dma_semaphore, #tpu.memory_space<semaphore_mem>>
      tpu.wait_indirect_dma semaphore(%dma_wait3A_329 : memref<!tpu.dma_semaphore, #tpu.memory_space<semaphore_mem>>) src(%dma_wait3A_327 : memref<100000x128xf32, #tpu.memory_space<hbm>>) dst(%dma_wait3A_321 : memref<128x128xf32, #tpu.memory_space<vmem>>)
      %dma_wait3A_330 = arith.constant 0 : i32
      %dma_wait3A_331 = arith.constant 0 : i32
      %dma_wait3A_332 = arith.constant 0 : i32
      %dma_wait3A_333 = arith.constant 0 : i32
      %dma_wait3A_334 = tpu.memref_slice %arg9[%dma_wait3A_330, %dma_wait3A_332, %dma_wait3A_333] : memref<2x128x128xf32, #tpu.memory_space<vmem>> -> memref<1x128x128xf32, #tpu.memory_space<vmem>>
      %dma_wait3A_335 = tpu.memref_squeeze %dma_wait3A_334 : memref<1x128x128xf32, #tpu.memory_space<vmem>> -> memref<128x128xf32, #tpu.memory_space<vmem>>
      %dma_wait3A_336 = arith.constant 0 : i32
      %dma_wait3A_337 = tpu.memref_slice %arg5[%add3A_299, %mul3A_2, %dma_wait3A_336] : memref<100x4096x128xf32, #tpu.memory_space<hbm>> -> memref<1x128x128xf32, #tpu.memory_space<hbm>>
      %dma_wait3A_338 = tpu.memref_squeeze %dma_wait3A_337 : memref<1x128x128xf32, #tpu.memory_space<hbm>> -> memref<128x128xf32, #tpu.memory_space<hbm>>
      %dma_wait3A_339 = tpu.memref_slice %arg11[%dma_wait3A_331] : memref<2x!tpu.dma_semaphore, #tpu.memory_space<semaphore_mem>> -> memref<1x!tpu.dma_semaphore, #tpu.memory_space<semaphore_mem>>
      %dma_wait3A_340 = tpu.memref_squeeze %dma_wait3A_339 : memref<1x!tpu.dma_semaphore, #tpu.memory_space<semaphore_mem>> -> memref<!tpu.dma_semaphore, #tpu.memory_space<semaphore_mem>>
      %dma_wait3A_341 = arith.constant 0 : i32
      %dma_wait3A_342 = tpu.memref_slice %arg5[%add3A_299, %mul3A_2, %dma_wait3A_341] : memref<100x4096x128xf32, #tpu.memory_space<hbm>> -> memref<1x128x128xf32, #tpu.memory_space<hbm>>
      %dma_wait3A_343 = tpu.memref_squeeze %dma_wait3A_342 : memref<1x128x128xf32, #tpu.memory_space<hbm>> -> memref<128x128xf32, #tpu.memory_space<hbm>>
      %dma_wait3A_344 = arith.constant 0 : i32
      %dma_wait3A_345 = arith.constant 0 : i32
      %dma_wait3A_346 = tpu.memref_slice %arg9[%dma_wait3A_330, %dma_wait3A_344, %dma_wait3A_345] : memref<2x128x128xf32, #tpu.memory_space<vmem>> -> memref<1x128x128xf32, #tpu.memory_space<vmem>>
      %dma_wait3A_347 = tpu.memref_squeeze %dma_wait3A_346 : memref<1x128x128xf32, #tpu.memory_space<vmem>> -> memref<128x128xf32, #tpu.memory_space<vmem>>
      tpu.wait_dma2 semaphore(%dma_wait3A_340 : memref<!tpu.dma_semaphore, #tpu.memory_space<semaphore_mem>>) src(%dma_wait3A_347 : memref<128x128xf32, #tpu.memory_space<vmem>>) dst(%dma_wait3A_343 : memref<128x128xf32, #tpu.memory_space<hbm>>)
      %get3A_348 = arith.index_cast %add3A_299 : i32 to index
      %get3A_349 = arith.constant 0 : index
      %get3A_350 = tpu.vector_load %arg7[%get3A_348, %get3A_349] {strides = array<i32>} : memref<100x128xf32, #tpu.memory_space<vmem>>, vector<1x16xf32>,
      %get3A_351 = vector.shape_cast %get3A_350 : vector<1x16xf32> to vector<16xf32>
      %get3A_352 = arith.index_cast %add3A_299 : i32 to index
      %get3A_353 = arith.constant 16 : index
      %get3A_354 = tpu.vector_load %arg7[%get3A_352, %get3A_353] {strides = array<i32>} : memref<100x128xf32, #tpu.memory_space<vmem>>, vector<1x16xf32>,
      %get3A_355 = vector.shape_cast %get3A_354 : vector<1x16xf32> to vector<16xf32>
      %get3A_356 = arith.index_cast %add3A_299 : i32 to index
      %get3A_357 = arith.constant 32 : index
      %get3A_358 = tpu.vector_load %arg7[%get3A_356, %get3A_357] {strides = array<i32>} : memref<100x128xf32, #tpu.memory_space<vmem>>, vector<1x16xf32>,
      %get3A_359 = vector.shape_cast %get3A_358 : vector<1x16xf32> to vector<16xf32>
      %get3A_360 = arith.index_cast %add3A_299 : i32 to index
      %get3A_361 = arith.constant 48 : index
      %get3A_362 = tpu.vector_load %arg7[%get3A_360, %get3A_361] {strides = array<i32>} : memref<100x128xf32, #tpu.memory_space<vmem>>, vector<1x16xf32>,
      %get3A_363 = vector.shape_cast %get3A_362 : vector<1x16xf32> to vector<16xf32>
      %get3A_364 = arith.index_cast %add3A_299 : i32 to index
      %get3A_365 = arith.constant 64 : index
      %get3A_366 = tpu.vector_load %arg7[%get3A_364, %get3A_365] {strides = array<i32>} : memref<100x128xf32, #tpu.memory_space<vmem>>, vector<1x16xf32>,
      %get3A_367 = vector.shape_cast %get3A_366 : vector<1x16xf32> to vector<16xf32>
      %get3A_368 = arith.index_cast %add3A_299 : i32 to index
      %get3A_369 = arith.constant 80 : index
      %get3A_370 = tpu.vector_load %arg7[%get3A_368, %get3A_369] {strides = array<i32>} : memref<100x128xf32, #tpu.memory_space<vmem>>, vector<1x16xf32>,
      %get3A_371 = vector.shape_cast %get3A_370 : vector<1x16xf32> to vector<16xf32>
      %get3A_372 = arith.index_cast %add3A_299 : i32 to index
      %get3A_373 = arith.constant 96 : index
      %get3A_374 = tpu.vector_load %arg7[%get3A_372, %get3A_373] {strides = array<i32>} : memref<100x128xf32, #tpu.memory_space<vmem>>, vector<1x16xf32>,
      %get3A_375 = vector.shape_cast %get3A_374 : vector<1x16xf32> to vector<16xf32>
      %get3A_376 = arith.index_cast %add3A_299 : i32 to index
      %get3A_377 = arith.constant 112 : index
      %get3A_378 = tpu.vector_load %arg7[%get3A_376, %get3A_377] {strides = array<i32>} : memref<100x128xf32, #tpu.memory_space<vmem>>, vector<1x16xf32>,
      %get3A_379 = vector.shape_cast %get3A_378 : vector<1x16xf32> to vector<16xf32>
      %parallel_loop3A_380 = arith.constant 0 : i32
      %parallel_loop3A_381 = arith.constant 128 : i32
      %parallel_loop3A_382 = arith.constant 1 : i32
      scf.for %parallel_loop3A_520 = %parallel_loop3A_380 to %parallel_loop3A_381 step %parallel_loop3A_382  : i32 {
        %parallel_loop3A_521 = arith.constant 2 : i32
        %parallel_loop3A_522 = arith.index_cast %parallel_loop3A_521 : i32 to index
        %parallel_loop3A_523 = arith.index_cast %parallel_loop3A_520 : i32 to index
        %parallel_loop3A_524 = arith.constant 0 : index
        %parallel_loop3A_525 = tpu.vector_load %arg8[%parallel_loop3A_522, %parallel_loop3A_523, %parallel_loop3A_524] {strides = array<i32>} : memref<4x128x128xf32, #tpu.memory_space<vmem>>, vector<1x1x16xf32>,
        %parallel_loop3A_526 = vector.shape_cast %parallel_loop3A_525 : vector<1x1x16xf32> to vector<16xf32>
        %parallel_loop3A_527 = arith.constant 11.3137083 : f32
        %parallel_loop3A_528 = vector.broadcast %parallel_loop3A_527 : f32 to vector<16xf32>
        %parallel_loop3A_529 = arith.mulf %parallel_loop3A_526, %parallel_loop3A_528 : vector<16xf32>
        %parallel_loop3A_530 = arith.addf %parallel_loop3A_529, %get3A_351 : vector<16xf32>
        %parallel_loop3A_531 = arith.constant 0 : i32
        %parallel_loop3A_532 = arith.index_cast %parallel_loop3A_531 : i32 to index
        %parallel_loop3A_533 = arith.index_cast %parallel_loop3A_520 : i32 to index
        %parallel_loop3A_534 = arith.constant 0 : index
        %parallel_loop3A_535 = tpu.vector_load %arg9[%parallel_loop3A_532, %parallel_loop3A_533, %parallel_loop3A_534] {strides = array<i32>} : memref<2x128x128xf32, #tpu.memory_space<vmem>>, vector<1x1x16xf32>,
        %parallel_loop3A_536 = vector.shape_cast %parallel_loop3A_535 : vector<1x1x16xf32> to vector<16xf32>
        %parallel_loop3A_537 = vector.shape_cast %parallel_loop3A_530 : vector<16xf32> to vector<1x1x16xf32>
        tpu.vector_store %arg9[%parallel_loop3A_532, %parallel_loop3A_533, %parallel_loop3A_534], %parallel_loop3A_537 {strides = array<i32>} : memref<2x128x128xf32, #tpu.memory_space<vmem>>, vector<1x1x16xf32>,
        %parallel_loop3A_538 = arith.constant 2 : i32
        %parallel_loop3A_539 = arith.index_cast %parallel_loop3A_538 : i32 to index
        %parallel_loop3A_540 = arith.index_cast %parallel_loop3A_520 : i32 to index
        %parallel_loop3A_541 = arith.constant 16 : index
        %parallel_loop3A_542 = tpu.vector_load %arg8[%parallel_loop3A_539, %parallel_loop3A_540, %parallel_loop3A_541] {strides = array<i32>} : memref<4x128x128xf32, #tpu.memory_space<vmem>>, vector<1x1x16xf32>,
        %parallel_loop3A_543 = vector.shape_cast %parallel_loop3A_542 : vector<1x1x16xf32> to vector<16xf32>
        %parallel_loop3A_544 = arith.constant 11.3137083 : f32
        %parallel_loop3A_545 = vector.broadcast %parallel_loop3A_544 : f32 to vector<16xf32>
        %parallel_loop3A_546 = arith.mulf %parallel_loop3A_543, %parallel_loop3A_545 : vector<16xf32>
        %parallel_loop3A_547 = arith.addf %parallel_loop3A_546, %get3A_355 : vector<16xf32>
        %parallel_loop3A_548 = arith.constant 0 : i32
        %parallel_loop3A_549 = arith.index_cast %parallel_loop3A_548 : i32 to index
        %parallel_loop3A_550 = arith.index_cast %parallel_loop3A_520 : i32 to index
        %parallel_loop3A_551 = arith.constant 16 : index
        %parallel_loop3A_552 = tpu.vector_load %arg9[%parallel_loop3A_549, %parallel_loop3A_550, %parallel_loop3A_551] {strides = array<i32>} : memref<2x128x128xf32, #tpu.memory_space<vmem>>, vector<1x1x16xf32>,
        %parallel_loop3A_553 = vector.shape_cast %parallel_loop3A_552 : vector<1x1x16xf32> to vector<16xf32>
        %parallel_loop3A_554 = vector.shape_cast %parallel_loop3A_547 : vector<16xf32> to vector<1x1x16xf32>
        tpu.vector_store %arg9[%parallel_loop3A_549, %parallel_loop3A_550, %parallel_loop3A_551], %parallel_loop3A_554 {strides = array<i32>} : memref<2x128x128xf32, #tpu.memory_space<vmem>>, vector<1x1x16xf32>,
        %parallel_loop3A_555 = arith.constant 2 : i32
        %parallel_loop3A_556 = arith.index_cast %parallel_loop3A_555 : i32 to index
        %parallel_loop3A_557 = arith.index_cast %parallel_loop3A_520 : i32 to index
        %parallel_loop3A_558 = arith.constant 32 : index
        %parallel_loop3A_559 = tpu.vector_load %arg8[%parallel_loop3A_556, %parallel_loop3A_557, %parallel_loop3A_558] {strides = array<i32>} : memref<4x128x128xf32, #tpu.memory_space<vmem>>, vector<1x1x16xf32>,
        %parallel_loop3A_560 = vector.shape_cast %parallel_loop3A_559 : vector<1x1x16xf32> to vector<16xf32>
        %parallel_loop3A_561 = arith.constant 11.3137083 : f32
        %parallel_loop3A_562 = vector.broadcast %parallel_loop3A_561 : f32 to vector<16xf32>
        %parallel_loop3A_563 = arith.mulf %parallel_loop3A_560, %parallel_loop3A_562 : vector<16xf32>
        %parallel_loop3A_564 = arith.addf %parallel_loop3A_563, %get3A_359 : vector<16xf32>
        %parallel_loop3A_565 = arith.constant 0 : i32
        %parallel_loop3A_566 = arith.index_cast %parallel_loop3A_565 : i32 to index
        %parallel_loop3A_567 = arith.index_cast %parallel_loop3A_520 : i32 to index
        %parallel_loop3A_568 = arith.constant 32 : index
        %parallel_loop3A_569 = tpu.vector_load %arg9[%parallel_loop3A_566, %parallel_loop3A_567, %parallel_loop3A_568] {strides = array<i32>} : memref<2x128x128xf32, #tpu.memory_space<vmem>>, vector<1x1x16xf32>,
        %parallel_loop3A_570 = vector.shape_cast %parallel_loop3A_569 : vector<1x1x16xf32> to vector<16xf32>
        %parallel_loop3A_571 = vector.shape_cast %parallel_loop3A_564 : vector<16xf32> to vector<1x1x16xf32>
        tpu.vector_store %arg9[%parallel_loop3A_566, %parallel_loop3A_567, %parallel_loop3A_568], %parallel_loop3A_571 {strides = array<i32>} : memref<2x128x128xf32, #tpu.memory_space<vmem>>, vector<1x1x16xf32>,
        %parallel_loop3A_572 = arith.constant 2 : i32
        %parallel_loop3A_573 = arith.index_cast %parallel_loop3A_572 : i32 to index
        %parallel_loop3A_574 = arith.index_cast %parallel_loop3A_520 : i32 to index
        %parallel_loop3A_575 = arith.constant 48 : index
        %parallel_loop3A_576 = tpu.vector_load %arg8[%parallel_loop3A_573, %parallel_loop3A_574, %parallel_loop3A_575] {strides = array<i32>} : memref<4x128x128xf32, #tpu.memory_space<vmem>>, vector<1x1x16xf32>,
        %parallel_loop3A_577 = vector.shape_cast %parallel_loop3A_576 : vector<1x1x16xf32> to vector<16xf32>
        %parallel_loop3A_578 = arith.constant 11.3137083 : f32
        %parallel_loop3A_579 = vector.broadcast %parallel_loop3A_578 : f32 to vector<16xf32>
        %parallel_loop3A_580 = arith.mulf %parallel_loop3A_577, %parallel_loop3A_579 : vector<16xf32>
        %parallel_loop3A_581 = arith.addf %parallel_loop3A_580, %get3A_363 : vector<16xf32>
        %parallel_loop3A_582 = arith.constant 0 : i32
        %parallel_loop3A_583 = arith.index_cast %parallel_loop3A_582 : i32 to index
        %parallel_loop3A_584 = arith.index_cast %parallel_loop3A_520 : i32 to index
        %parallel_loop3A_585 = arith.constant 48 : index
        %parallel_loop3A_586 = tpu.vector_load %arg9[%parallel_loop3A_583, %parallel_loop3A_584, %parallel_loop3A_585] {strides = array<i32>} : memref<2x128x128xf32, #tpu.memory_space<vmem>>, vector<1x1x16xf32>,
        %parallel_loop3A_587 = vector.shape_cast %parallel_loop3A_586 : vector<1x1x16xf32> to vector<16xf32>
        %parallel_loop3A_588 = vector.shape_cast %parallel_loop3A_581 : vector<16xf32> to vector<1x1x16xf32>
        tpu.vector_store %arg9[%parallel_loop3A_583, %parallel_loop3A_584, %parallel_loop3A_585], %parallel_loop3A_588 {strides = array<i32>} : memref<2x128x128xf32, #tpu.memory_space<vmem>>, vector<1x1x16xf32>,
        %parallel_loop3A_589 = arith.constant 2 : i32
        %parallel_loop3A_590 = arith.index_cast %parallel_loop3A_589 : i32 to index
        %parallel_loop3A_591 = arith.index_cast %parallel_loop3A_520 : i32 to index
        %parallel_loop3A_592 = arith.constant 64 : index
        %parallel_loop3A_593 = tpu.vector_load %arg8[%parallel_loop3A_590, %parallel_loop3A_591, %parallel_loop3A_592] {strides = array<i32>} : memref<4x128x128xf32, #tpu.memory_space<vmem>>, vector<1x1x16xf32>,
        %parallel_loop3A_594 = vector.shape_cast %parallel_loop3A_593 : vector<1x1x16xf32> to vector<16xf32>
        %parallel_loop3A_595 = arith.constant 11.3137083 : f32
        %parallel_loop3A_596 = vector.broadcast %parallel_loop3A_595 : f32 to vector<16xf32>
        %parallel_loop3A_597 = arith.mulf %parallel_loop3A_594, %parallel_loop3A_596 : vector<16xf32>
        %parallel_loop3A_598 = arith.addf %parallel_loop3A_597, %get3A_367 : vector<16xf32>
        %parallel_loop3A_599 = arith.constant 0 : i32
        %parallel_loop3A_600 = arith.index_cast %parallel_loop3A_599 : i32 to index
        %parallel_loop3A_601 = arith.index_cast %parallel_loop3A_520 : i32 to index
        %parallel_loop3A_602 = arith.constant 64 : index
        %parallel_loop3A_603 = tpu.vector_load %arg9[%parallel_loop3A_600, %parallel_loop3A_601, %parallel_loop3A_602] {strides = array<i32>} : memref<2x128x128xf32, #tpu.memory_space<vmem>>, vector<1x1x16xf32>,
        %parallel_loop3A_604 = vector.shape_cast %parallel_loop3A_603 : vector<1x1x16xf32> to vector<16xf32>
        %parallel_loop3A_605 = vector.shape_cast %parallel_loop3A_598 : vector<16xf32> to vector<1x1x16xf32>
        tpu.vector_store %arg9[%parallel_loop3A_600, %parallel_loop3A_601, %parallel_loop3A_602], %parallel_loop3A_605 {strides = array<i32>} : memref<2x128x128xf32, #tpu.memory_space<vmem>>, vector<1x1x16xf32>,
        %parallel_loop3A_606 = arith.constant 2 : i32
        %parallel_loop3A_607 = arith.index_cast %parallel_loop3A_606 : i32 to index
        %parallel_loop3A_608 = arith.index_cast %parallel_loop3A_520 : i32 to index
        %parallel_loop3A_609 = arith.constant 80 : index
        %parallel_loop3A_610 = tpu.vector_load %arg8[%parallel_loop3A_607, %parallel_loop3A_608, %parallel_loop3A_609] {strides = array<i32>} : memref<4x128x128xf32, #tpu.memory_space<vmem>>, vector<1x1x16xf32>,
        %parallel_loop3A_611 = vector.shape_cast %parallel_loop3A_610 : vector<1x1x16xf32> to vector<16xf32>
        %parallel_loop3A_612 = arith.constant 11.3137083 : f32
        %parallel_loop3A_613 = vector.broadcast %parallel_loop3A_612 : f32 to vector<16xf32>
        %parallel_loop3A_614 = arith.mulf %parallel_loop3A_611, %parallel_loop3A_613 : vector<16xf32>
        %parallel_loop3A_615 = arith.addf %parallel_loop3A_614, %get3A_371 : vector<16xf32>
        %parallel_loop3A_616 = arith.constant 0 : i32
        %parallel_loop3A_617 = arith.index_cast %parallel_loop3A_616 : i32 to index
        %parallel_loop3A_618 = arith.index_cast %parallel_loop3A_520 : i32 to index
        %parallel_loop3A_619 = arith.constant 80 : index
        %parallel_loop3A_620 = tpu.vector_load %arg9[%parallel_loop3A_617, %parallel_loop3A_618, %parallel_loop3A_619] {strides = array<i32>} : memref<2x128x128xf32, #tpu.memory_space<vmem>>, vector<1x1x16xf32>,
        %parallel_loop3A_621 = vector.shape_cast %parallel_loop3A_620 : vector<1x1x16xf32> to vector<16xf32>
        %parallel_loop3A_622 = vector.shape_cast %parallel_loop3A_615 : vector<16xf32> to vector<1x1x16xf32>
        tpu.vector_store %arg9[%parallel_loop3A_617, %parallel_loop3A_618, %parallel_loop3A_619], %parallel_loop3A_622 {strides = array<i32>} : memref<2x128x128xf32, #tpu.memory_space<vmem>>, vector<1x1x16xf32>,
        %parallel_loop3A_623 = arith.constant 2 : i32
        %parallel_loop3A_624 = arith.index_cast %parallel_loop3A_623 : i32 to index
        %parallel_loop3A_625 = arith.index_cast %parallel_loop3A_520 : i32 to index
        %parallel_loop3A_626 = arith.constant 96 : index
        %parallel_loop3A_627 = tpu.vector_load %arg8[%parallel_loop3A_624, %parallel_loop3A_625, %parallel_loop3A_626] {strides = array<i32>} : memref<4x128x128xf32, #tpu.memory_space<vmem>>, vector<1x1x16xf32>,
        %parallel_loop3A_628 = vector.shape_cast %parallel_loop3A_627 : vector<1x1x16xf32> to vector<16xf32>
        %parallel_loop3A_629 = arith.constant 11.3137083 : f32
        %parallel_loop3A_630 = vector.broadcast %parallel_loop3A_629 : f32 to vector<16xf32>
        %parallel_loop3A_631 = arith.mulf %parallel_loop3A_628, %parallel_loop3A_630 : vector<16xf32>
        %parallel_loop3A_632 = arith.addf %parallel_loop3A_631, %get3A_375 : vector<16xf32>
        %parallel_loop3A_633 = arith.constant 0 : i32
        %parallel_loop3A_634 = arith.index_cast %parallel_loop3A_633 : i32 to index
        %parallel_loop3A_635 = arith.index_cast %parallel_loop3A_520 : i32 to index
        %parallel_loop3A_636 = arith.constant 96 : index
        %parallel_loop3A_637 = tpu.vector_load %arg9[%parallel_loop3A_634, %parallel_loop3A_635, %parallel_loop3A_636] {strides = array<i32>} : memref<2x128x128xf32, #tpu.memory_space<vmem>>, vector<1x1x16xf32>,
        %parallel_loop3A_638 = vector.shape_cast %parallel_loop3A_637 : vector<1x1x16xf32> to vector<16xf32>
        %parallel_loop3A_639 = vector.shape_cast %parallel_loop3A_632 : vector<16xf32> to vector<1x1x16xf32>
        tpu.vector_store %arg9[%parallel_loop3A_634, %parallel_loop3A_635, %parallel_loop3A_636], %parallel_loop3A_639 {strides = array<i32>} : memref<2x128x128xf32, #tpu.memory_space<vmem>>, vector<1x1x16xf32>,
        %parallel_loop3A_640 = arith.constant 2 : i32
        %parallel_loop3A_641 = arith.index_cast %parallel_loop3A_640 : i32 to index
        %parallel_loop3A_642 = arith.index_cast %parallel_loop3A_520 : i32 to index
        %parallel_loop3A_643 = arith.constant 112 : index
        %parallel_loop3A_644 = tpu.vector_load %arg8[%parallel_loop3A_641, %parallel_loop3A_642, %parallel_loop3A_643] {strides = array<i32>} : memref<4x128x128xf32, #tpu.memory_space<vmem>>, vector<1x1x16xf32>,
        %parallel_loop3A_645 = vector.shape_cast %parallel_loop3A_644 : vector<1x1x16xf32> to vector<16xf32>
        %parallel_loop3A_646 = arith.constant 11.3137083 : f32
        %parallel_loop3A_647 = vector.broadcast %parallel_loop3A_646 : f32 to vector<16xf32>
        %parallel_loop3A_648 = arith.mulf %parallel_loop3A_645, %parallel_loop3A_647 : vector<16xf32>
        %parallel_loop3A_649 = arith.addf %parallel_loop3A_648, %get3A_379 : vector<16xf32>
        %parallel_loop3A_650 = arith.constant 0 : i32
        %parallel_loop3A_651 = arith.index_cast %parallel_loop3A_650 : i32 to index
        %parallel_loop3A_652 = arith.index_cast %parallel_loop3A_520 : i32 to index
        %parallel_loop3A_653 = arith.constant 112 : index
        %parallel_loop3A_654 = tpu.vector_load %arg9[%parallel_loop3A_651, %parallel_loop3A_652, %parallel_loop3A_653] {strides = array<i32>} : memref<2x128x128xf32, #tpu.memory_space<vmem>>, vector<1x1x16xf32>,
        %parallel_loop3A_655 = vector.shape_cast %parallel_loop3A_654 : vector<1x1x16xf32> to vector<16xf32>
        %parallel_loop3A_656 = vector.shape_cast %parallel_loop3A_649 : vector<16xf32> to vector<1x1x16xf32>
        tpu.vector_store %arg9[%parallel_loop3A_651, %parallel_loop3A_652, %parallel_loop3A_653], %parallel_loop3A_656 {strides = array<i32>} : memref<2x128x128xf32, #tpu.memory_space<vmem>>, vector<1x1x16xf32>,
      } {sc.loop_unroll_factor = 4 : i64, sc.parallel_access}
      %dma_start3A_383 = arith.constant 0 : i32
      %dma_start3A_384 = arith.constant 0 : i32
      %dma_start3A_385 = arith.constant 0 : i32
      %dma_start3A_386 = arith.constant 0 : i32
      %dma_start3A_387 = tpu.memref_slice %arg9[%dma_start3A_383, %dma_start3A_385, %dma_start3A_386] : memref<2x128x128xf32, #tpu.memory_space<vmem>> -> memref<1x128x128xf32, #tpu.memory_space<vmem>>
      %dma_start3A_388 = tpu.memref_squeeze %dma_start3A_387 : memref<1x128x128xf32, #tpu.memory_space<vmem>> -> memref<128x128xf32, #tpu.memory_space<vmem>>
      %dma_start3A_389 = arith.constant 0 : i32
      %dma_start3A_390 = tpu.memref_slice %arg5[%add3A_299, %mul3A_2, %dma_start3A_389] : memref<100x4096x128xf32, #tpu.memory_space<hbm>> -> memref<1x128x128xf32, #tpu.memory_space<hbm>>
      %dma_start3A_391 = tpu.memref_squeeze %dma_start3A_390 : memref<1x128x128xf32, #tpu.memory_space<hbm>> -> memref<128x128xf32, #tpu.memory_space<hbm>>
      %dma_start3A_392 = tpu.memref_slice %arg11[%dma_start3A_384] : memref<2x!tpu.dma_semaphore, #tpu.memory_space<semaphore_mem>> -> memref<1x!tpu.dma_semaphore, #tpu.memory_space<semaphore_mem>>
      %dma_start3A_393 = tpu.memref_squeeze %dma_start3A_392 : memref<1x!tpu.dma_semaphore, #tpu.memory_space<semaphore_mem>> -> memref<!tpu.dma_semaphore, #tpu.memory_space<semaphore_mem>>
      %dma_start3A_394 = arith.constant 0 : i32
      %dma_start3A_395 = tpu.memref_slice %arg5[%add3A_299, %mul3A_2, %dma_start3A_394] : memref<100x4096x128xf32, #tpu.memory_space<hbm>> -> memref<1x128x128xf32, #tpu.memory_space<hbm>>
      %dma_start3A_396 = tpu.memref_squeeze %dma_start3A_395 : memref<1x128x128xf32, #tpu.memory_space<hbm>> -> memref<128x128xf32, #tpu.memory_space<hbm>>
      %dma_start3A_397 = arith.constant 0 : i32
      %dma_start3A_398 = arith.constant 0 : i32
      %dma_start3A_399 = tpu.memref_slice %arg9[%dma_start3A_383, %dma_start3A_397, %dma_start3A_398] : memref<2x128x128xf32, #tpu.memory_space<vmem>> -> memref<1x128x128xf32, #tpu.memory_space<vmem>>
      %dma_start3A_400 = tpu.memref_squeeze %dma_start3A_399 : memref<1x128x128xf32, #tpu.memory_space<vmem>> -> memref<128x128xf32, #tpu.memory_space<vmem>>
      tpu.enqueue_dma source(%dma_start3A_400 : memref<128x128xf32, #tpu.memory_space<vmem>>) target(%dma_start3A_396 : memref<128x128xf32, #tpu.memory_space<hbm>>) target_semaphore(%dma_start3A_393 : memref<!tpu.dma_semaphore, #tpu.memory_space<semaphore_mem>>)
      %add3A_401 = arith.constant 4 : i32
      %add3A_402 = arith.addi %add3A_299, %add3A_401 : i32
      %lt3A_403 = arith.constant 100 : i32
      %lt3A_404 = arith.cmpi slt, %add3A_402, %lt3A_403 : i32
      %convert_element_type3A_405 = arith.extui %lt3A_404 : i1 to i32
      %cond3A_406 = arith.constant 0 : i32
      %cond3A_407 = arith.cmpi ne, %convert_element_type3A_405, %cond3A_406 : i32
      scf.if %cond3A_407 {
        %add3A_520 = arith.constant 4 : i32
        %add3A_521 = arith.addi %add3A_299, %add3A_520 : i32
        %jit3A_522 = arith.constant 56 : i32
        %eq3A_523 = arith.constant 0 : i32
        %eq3A_524 = arith.cmpi eq, %jit3A_522, %eq3A_523 : i32
        %jit3A_525 = arith.constant 1 : i32
        %select_n3A_526 = arith.select %eq3A_524, %jit3A_525, %jit3A_522 : i32
        %rem3A_527 = arith.remsi %add3A_521, %select_n3A_526 : i32
        %ne3A_528 = arith.constant 0 : i32
        %ne3A_529 = arith.cmpi ne, %rem3A_527, %ne3A_528 : i32
        %lt3A_530 = arith.constant 0 : i32
        %lt3A_531 = arith.cmpi slt, %rem3A_527, %lt3A_530 : i32
        %lt3A_532 = arith.constant 0 : i32
        %lt3A_533 = arith.cmpi slt, %select_n3A_526, %lt3A_532 : i32
        %ne3A_534 = arith.xori %lt3A_531, %lt3A_533 : i1
        %and3A_535 = arith.andi %ne3A_534, %ne3A_529 : i1
        %add3A_536 = arith.addi %rem3A_527, %select_n3A_526 : i32
        %select_n3A_537 = arith.select %and3A_535, %add3A_536, %rem3A_527 : i32
        %dma_start3A_538 = arith.constant 2 : i32
        %dma_start3A_539 = arith.constant 2 : i32
        %dma_start3A_540 = arith.constant 0 : i32
        %dma_start3A_541 = arith.constant 0 : i32
        %dma_start3A_542 = tpu.memref_slice %arg8[%dma_start3A_538, %dma_start3A_540, %dma_start3A_541] : memref<4x128x128xf32, #tpu.memory_space<vmem>> -> memref<1x128x128xf32, #tpu.memory_space<vmem>>
        %dma_start3A_543 = tpu.memref_squeeze %dma_start3A_542 : memref<1x128x128xf32, #tpu.memory_space<vmem>> -> memref<128x128xf32, #tpu.memory_space<vmem>>
        %dma_start3A_544 = arith.constant 0 : i32
        %dma_start3A_545 = tpu.memref_slice %arg6[%select_n3A_537, %dma_start3A_544] : memref<56x128xi32, #tpu.memory_space<vmem>> -> memref<1x128xi32, #tpu.memory_space<vmem>>
        %dma_start3A_546 = tpu.memref_squeeze %dma_start3A_545 : memref<1x128xi32, #tpu.memory_space<vmem>> -> memref<128xi32, #tpu.memory_space<vmem>>
        %dma_start3A_547 = arith.constant 0 : i32
        %dma_start3A_548 = arith.constant 0 : i32
        %dma_start3A_549 = tpu.memref_slice %arg3[%dma_start3A_547, %dma_start3A_548] : memref<100000x128xf32, #tpu.memory_space<hbm>> -> memref<100000x128xf32, #tpu.memory_space<hbm>>
        %dma_start3A_550 = tpu.memref_slice %arg10[%dma_start3A_539] : memref<4x!tpu.dma_semaphore, #tpu.memory_space<semaphore_mem>> -> memref<1x!tpu.dma_semaphore, #tpu.memory_space<semaphore_mem>>
        %dma_start3A_551 = tpu.memref_squeeze %dma_start3A_550 : memref<1x!tpu.dma_semaphore, #tpu.memory_space<semaphore_mem>> -> memref<!tpu.dma_semaphore, #tpu.memory_space<semaphore_mem>>
        tpu.enqueue_indirect_dma source(%dma_start3A_549 : memref<100000x128xf32, #tpu.memory_space<hbm>>) target(%dma_start3A_543 : memref<128x128xf32, #tpu.memory_space<vmem>>) offsets(%dma_start3A_546 : memref<128xi32, #tpu.memory_space<vmem>>) semaphore(%dma_start3A_551 : memref<!tpu.dma_semaphore, #tpu.memory_space<semaphore_mem>>)
      } else {
      }
      %mul3A_408 = arith.constant 4 : i32
      %mul3A_409 = arith.muli %scan3A_104, %mul3A_408 : i32
      %add3A_410 = arith.constant 3 : i32
      %add3A_411 = arith.addi %mul3A_409, %add3A_410 : i32
      %jit3A_412 = arith.constant 56 : i32
      %eq3A_413 = arith.constant 0 : i32
      %eq3A_414 = arith.cmpi eq, %jit3A_412, %eq3A_413 : i32
      %jit3A_415 = arith.constant 1 : i32
      %select_n3A_416 = arith.select %eq3A_414, %jit3A_415, %jit3A_412 : i32
      %rem3A_417 = arith.remsi %add3A_411, %select_n3A_416 : i32
      %ne3A_418 = arith.constant 0 : i32
      %ne3A_419 = arith.cmpi ne, %rem3A_417, %ne3A_418 : i32
      %lt3A_420 = arith.constant 0 : i32
      %lt3A_421 = arith.cmpi slt, %rem3A_417, %lt3A_420 : i32
      %lt3A_422 = arith.constant 0 : i32
      %lt3A_423 = arith.cmpi slt, %select_n3A_416, %lt3A_422 : i32
      %ne3A_424 = arith.xori %lt3A_421, %lt3A_423 : i1
      %and3A_425 = arith.andi %ne3A_424, %ne3A_419 : i1
      %add3A_426 = arith.addi %rem3A_417, %select_n3A_416 : i32
      %select_n3A_427 = arith.select %and3A_425, %add3A_426, %rem3A_417 : i32
      %dma_wait3A_428 = arith.constant 3 : i32
      %dma_wait3A_429 = arith.constant 3 : i32
      %dma_wait3A_430 = arith.constant 0 : i32
      %dma_wait3A_431 = arith.constant 0 : i32
      %dma_wait3A_432 = tpu.memref_slice %arg8[%dma_wait3A_428, %dma_wait3A_430, %dma_wait3A_431] : memref<4x128x128xf32, #tpu.memory_space<vmem>> -> memref<1x128x128xf32, #tpu.memory_space<vmem>>
      %dma_wait3A_433 = tpu.memref_squeeze %dma_wait3A_432 : memref<1x128x128xf32, #tpu.memory_space<vmem>> -> memref<128x128xf32, #tpu.memory_space<vmem>>
      %dma_wait3A_434 = arith.constant 0 : i32
      %dma_wait3A_435 = tpu.memref_slice %arg6[%select_n3A_427, %dma_wait3A_434] : memref<56x128xi32, #tpu.memory_space<vmem>> -> memref<1x128xi32, #tpu.memory_space<vmem>>
      %dma_wait3A_436 = tpu.memref_squeeze %dma_wait3A_435 : memref<1x128xi32, #tpu.memory_space<vmem>> -> memref<128xi32, #tpu.memory_space<vmem>>
      %dma_wait3A_437 = arith.constant 0 : i32
      %dma_wait3A_438 = arith.constant 0 : i32
      %dma_wait3A_439 = tpu.memref_slice %arg3[%dma_wait3A_437, %dma_wait3A_438] : memref<100000x128xf32, #tpu.memory_space<hbm>> -> memref<100000x128xf32, #tpu.memory_space<hbm>>
      %dma_wait3A_440 = tpu.memref_slice %arg10[%dma_wait3A_429] : memref<4x!tpu.dma_semaphore, #tpu.memory_space<semaphore_mem>> -> memref<1x!tpu.dma_semaphore, #tpu.memory_space<semaphore_mem>>
      %dma_wait3A_441 = tpu.memref_squeeze %dma_wait3A_440 : memref<1x!tpu.dma_semaphore, #tpu.memory_space<semaphore_mem>> -> memref<!tpu.dma_semaphore, #tpu.memory_space<semaphore_mem>>
      tpu.wait_indirect_dma semaphore(%dma_wait3A_441 : memref<!tpu.dma_semaphore, #tpu.memory_space<semaphore_mem>>) src(%dma_wait3A_439 : memref<100000x128xf32, #tpu.memory_space<hbm>>) dst(%dma_wait3A_433 : memref<128x128xf32, #tpu.memory_space<vmem>>)
      %dma_wait3A_442 = arith.constant 1 : i32
      %dma_wait3A_443 = arith.constant 1 : i32
      %dma_wait3A_444 = arith.constant 0 : i32
      %dma_wait3A_445 = arith.constant 0 : i32
      %dma_wait3A_446 = tpu.memref_slice %arg9[%dma_wait3A_442, %dma_wait3A_444, %dma_wait3A_445] : memref<2x128x128xf32, #tpu.memory_space<vmem>> -> memref<1x128x128xf32, #tpu.memory_space<vmem>>
      %dma_wait3A_447 = tpu.memref_squeeze %dma_wait3A_446 : memref<1x128x128xf32, #tpu.memory_space<vmem>> -> memref<128x128xf32, #tpu.memory_space<vmem>>
      %dma_wait3A_448 = arith.constant 0 : i32
      %dma_wait3A_449 = tpu.memref_slice %arg5[%add3A_411, %mul3A_2, %dma_wait3A_448] : memref<100x4096x128xf32, #tpu.memory_space<hbm>> -> memref<1x128x128xf32, #tpu.memory_space<hbm>>
      %dma_wait3A_450 = tpu.memref_squeeze %dma_wait3A_449 : memref<1x128x128xf32, #tpu.memory_space<hbm>> -> memref<128x128xf32, #tpu.memory_space<hbm>>
      %dma_wait3A_451 = tpu.memref_slice %arg11[%dma_wait3A_443] : memref<2x!tpu.dma_semaphore, #tpu.memory_space<semaphore_mem>> -> memref<1x!tpu.dma_semaphore, #tpu.memory_space<semaphore_mem>>
      %dma_wait3A_452 = tpu.memref_squeeze %dma_wait3A_451 : memref<1x!tpu.dma_semaphore, #tpu.memory_space<semaphore_mem>> -> memref<!tpu.dma_semaphore, #tpu.memory_space<semaphore_mem>>
      %dma_wait3A_453 = arith.constant 0 : i32
      %dma_wait3A_454 = tpu.memref_slice %arg5[%add3A_411, %mul3A_2, %dma_wait3A_453] : memref<100x4096x128xf32, #tpu.memory_space<hbm>> -> memref<1x128x128xf32, #tpu.memory_space<hbm>>
      %dma_wait3A_455 = tpu.memref_squeeze %dma_wait3A_454 : memref<1x128x128xf32, #tpu.memory_space<hbm>> -> memref<128x128xf32, #tpu.memory_space<hbm>>
      %dma_wait3A_456 = arith.constant 0 : i32
      %dma_wait3A_457 = arith.constant 0 : i32
      %dma_wait3A_458 = tpu.memref_slice %arg9[%dma_wait3A_442, %dma_wait3A_456, %dma_wait3A_457] : memref<2x128x128xf32, #tpu.memory_space<vmem>> -> memref<1x128x128xf32, #tpu.memory_space<vmem>>
      %dma_wait3A_459 = tpu.memref_squeeze %dma_wait3A_458 : memref<1x128x128xf32, #tpu.memory_space<vmem>> -> memref<128x128xf32, #tpu.memory_space<vmem>>
      tpu.wait_dma2 semaphore(%dma_wait3A_452 : memref<!tpu.dma_semaphore, #tpu.memory_space<semaphore_mem>>) src(%dma_wait3A_459 : memref<128x128xf32, #tpu.memory_space<vmem>>) dst(%dma_wait3A_455 : memref<128x128xf32, #tpu.memory_space<hbm>>)
      %get3A_460 = arith.index_cast %add3A_411 : i32 to index
      %get3A_461 = arith.constant 0 : index
      %get3A_462 = tpu.vector_load %arg7[%get3A_460, %get3A_461] {strides = array<i32>} : memref<100x128xf32, #tpu.memory_space<vmem>>, vector<1x16xf32>,
      %get3A_463 = vector.shape_cast %get3A_462 : vector<1x16xf32> to vector<16xf32>
      %get3A_464 = arith.index_cast %add3A_411 : i32 to index
      %get3A_465 = arith.constant 16 : index
      %get3A_466 = tpu.vector_load %arg7[%get3A_464, %get3A_465] {strides = array<i32>} : memref<100x128xf32, #tpu.memory_space<vmem>>, vector<1x16xf32>,
      %get3A_467 = vector.shape_cast %get3A_466 : vector<1x16xf32> to vector<16xf32>
      %get3A_468 = arith.index_cast %add3A_411 : i32 to index
      %get3A_469 = arith.constant 32 : index
      %get3A_470 = tpu.vector_load %arg7[%get3A_468, %get3A_469] {strides = array<i32>} : memref<100x128xf32, #tpu.memory_space<vmem>>, vector<1x16xf32>,
      %get3A_471 = vector.shape_cast %get3A_470 : vector<1x16xf32> to vector<16xf32>
      %get3A_472 = arith.index_cast %add3A_411 : i32 to index
      %get3A_473 = arith.constant 48 : index
      %get3A_474 = tpu.vector_load %arg7[%get3A_472, %get3A_473] {strides = array<i32>} : memref<100x128xf32, #tpu.memory_space<vmem>>, vector<1x16xf32>,
      %get3A_475 = vector.shape_cast %get3A_474 : vector<1x16xf32> to vector<16xf32>
      %get3A_476 = arith.index_cast %add3A_411 : i32 to index
      %get3A_477 = arith.constant 64 : index
      %get3A_478 = tpu.vector_load %arg7[%get3A_476, %get3A_477] {strides = array<i32>} : memref<100x128xf32, #tpu.memory_space<vmem>>, vector<1x16xf32>,
      %get3A_479 = vector.shape_cast %get3A_478 : vector<1x16xf32> to vector<16xf32>
      %get3A_480 = arith.index_cast %add3A_411 : i32 to index
      %get3A_481 = arith.constant 80 : index
      %get3A_482 = tpu.vector_load %arg7[%get3A_480, %get3A_481] {strides = array<i32>} : memref<100x128xf32, #tpu.memory_space<vmem>>, vector<1x16xf32>,
      %get3A_483 = vector.shape_cast %get3A_482 : vector<1x16xf32> to vector<16xf32>
      %get3A_484 = arith.index_cast %add3A_411 : i32 to index
      %get3A_485 = arith.constant 96 : index
      %get3A_486 = tpu.vector_load %arg7[%get3A_484, %get3A_485] {strides = array<i32>} : memref<100x128xf32, #tpu.memory_space<vmem>>, vector<1x16xf32>,
      %get3A_487 = vector.shape_cast %get3A_486 : vector<1x16xf32> to vector<16xf32>
      %get3A_488 = arith.index_cast %add3A_411 : i32 to index
      %get3A_489 = arith.constant 112 : index
      %get3A_490 = tpu.vector_load %arg7[%get3A_488, %get3A_489] {strides = array<i32>} : memref<100x128xf32, #tpu.memory_space<vmem>>, vector<1x16xf32>,
      %get3A_491 = vector.shape_cast %get3A_490 : vector<1x16xf32> to vector<16xf32>
      %parallel_loop3A_492 = arith.constant 0 : i32
      %parallel_loop3A_493 = arith.constant 128 : i32
      %parallel_loop3A_494 = arith.constant 1 : i32
      scf.for %parallel_loop3A_520 = %parallel_loop3A_492 to %parallel_loop3A_493 step %parallel_loop3A_494  : i32 {
        %parallel_loop3A_521 = arith.constant 3 : i32
        %parallel_loop3A_522 = arith.index_cast %parallel_loop3A_521 : i32 to index
        %parallel_loop3A_523 = arith.index_cast %parallel_loop3A_520 : i32 to index
        %parallel_loop3A_524 = arith.constant 0 : index
        %parallel_loop3A_525 = tpu.vector_load %arg8[%parallel_loop3A_522, %parallel_loop3A_523, %parallel_loop3A_524] {strides = array<i32>} : memref<4x128x128xf32, #tpu.memory_space<vmem>>, vector<1x1x16xf32>,
        %parallel_loop3A_526 = vector.shape_cast %parallel_loop3A_525 : vector<1x1x16xf32> to vector<16xf32>
        %parallel_loop3A_527 = arith.constant 11.3137083 : f32
        %parallel_loop3A_528 = vector.broadcast %parallel_loop3A_527 : f32 to vector<16xf32>
        %parallel_loop3A_529 = arith.mulf %parallel_loop3A_526, %parallel_loop3A_528 : vector<16xf32>
        %parallel_loop3A_530 = arith.addf %parallel_loop3A_529, %get3A_463 : vector<16xf32>
        %parallel_loop3A_531 = arith.constant 1 : i32
        %parallel_loop3A_532 = arith.index_cast %parallel_loop3A_531 : i32 to index
        %parallel_loop3A_533 = arith.index_cast %parallel_loop3A_520 : i32 to index
        %parallel_loop3A_534 = arith.constant 0 : index
        %parallel_loop3A_535 = tpu.vector_load %arg9[%parallel_loop3A_532, %parallel_loop3A_533, %parallel_loop3A_534] {strides = array<i32>} : memref<2x128x128xf32, #tpu.memory_space<vmem>>, vector<1x1x16xf32>,
        %parallel_loop3A_536 = vector.shape_cast %parallel_loop3A_535 : vector<1x1x16xf32> to vector<16xf32>
        %parallel_loop3A_537 = vector.shape_cast %parallel_loop3A_530 : vector<16xf32> to vector<1x1x16xf32>
        tpu.vector_store %arg9[%parallel_loop3A_532, %parallel_loop3A_533, %parallel_loop3A_534], %parallel_loop3A_537 {strides = array<i32>} : memref<2x128x128xf32, #tpu.memory_space<vmem>>, vector<1x1x16xf32>,
        %parallel_loop3A_538 = arith.constant 3 : i32
        %parallel_loop3A_539 = arith.index_cast %parallel_loop3A_538 : i32 to index
        %parallel_loop3A_540 = arith.index_cast %parallel_loop3A_520 : i32 to index
        %parallel_loop3A_541 = arith.constant 16 : index
        %parallel_loop3A_542 = tpu.vector_load %arg8[%parallel_loop3A_539, %parallel_loop3A_540, %parallel_loop3A_541] {strides = array<i32>} : memref<4x128x128xf32, #tpu.memory_space<vmem>>, vector<1x1x16xf32>,
        %parallel_loop3A_543 = vector.shape_cast %parallel_loop3A_542 : vector<1x1x16xf32> to vector<16xf32>
        %parallel_loop3A_544 = arith.constant 11.3137083 : f32
        %parallel_loop3A_545 = vector.broadcast %parallel_loop3A_544 : f32 to vector<16xf32>
        %parallel_loop3A_546 = arith.mulf %parallel_loop3A_543, %parallel_loop3A_545 : vector<16xf32>
        %parallel_loop3A_547 = arith.addf %parallel_loop3A_546, %get3A_467 : vector<16xf32>
        %parallel_loop3A_548 = arith.constant 1 : i32
        %parallel_loop3A_549 = arith.index_cast %parallel_loop3A_548 : i32 to index
        %parallel_loop3A_550 = arith.index_cast %parallel_loop3A_520 : i32 to index
        %parallel_loop3A_551 = arith.constant 16 : index
        %parallel_loop3A_552 = tpu.vector_load %arg9[%parallel_loop3A_549, %parallel_loop3A_550, %parallel_loop3A_551] {strides = array<i32>} : memref<2x128x128xf32, #tpu.memory_space<vmem>>, vector<1x1x16xf32>,
        %parallel_loop3A_553 = vector.shape_cast %parallel_loop3A_552 : vector<1x1x16xf32> to vector<16xf32>
        %parallel_loop3A_554 = vector.shape_cast %parallel_loop3A_547 : vector<16xf32> to vector<1x1x16xf32>
        tpu.vector_store %arg9[%parallel_loop3A_549, %parallel_loop3A_550, %parallel_loop3A_551], %parallel_loop3A_554 {strides = array<i32>} : memref<2x128x128xf32, #tpu.memory_space<vmem>>, vector<1x1x16xf32>,
        %parallel_loop3A_555 = arith.constant 3 : i32
        %parallel_loop3A_556 = arith.index_cast %parallel_loop3A_555 : i32 to index
        %parallel_loop3A_557 = arith.index_cast %parallel_loop3A_520 : i32 to index
        %parallel_loop3A_558 = arith.constant 32 : index
        %parallel_loop3A_559 = tpu.vector_load %arg8[%parallel_loop3A_556, %parallel_loop3A_557, %parallel_loop3A_558] {strides = array<i32>} : memref<4x128x128xf32, #tpu.memory_space<vmem>>, vector<1x1x16xf32>,
        %parallel_loop3A_560 = vector.shape_cast %parallel_loop3A_559 : vector<1x1x16xf32> to vector<16xf32>
        %parallel_loop3A_561 = arith.constant 11.3137083 : f32
        %parallel_loop3A_562 = vector.broadcast %parallel_loop3A_561 : f32 to vector<16xf32>
        %parallel_loop3A_563 = arith.mulf %parallel_loop3A_560, %parallel_loop3A_562 : vector<16xf32>
        %parallel_loop3A_564 = arith.addf %parallel_loop3A_563, %get3A_471 : vector<16xf32>
        %parallel_loop3A_565 = arith.constant 1 : i32
        %parallel_loop3A_566 = arith.index_cast %parallel_loop3A_565 : i32 to index
        %parallel_loop3A_567 = arith.index_cast %parallel_loop3A_520 : i32 to index
        %parallel_loop3A_568 = arith.constant 32 : index
        %parallel_loop3A_569 = tpu.vector_load %arg9[%parallel_loop3A_566, %parallel_loop3A_567, %parallel_loop3A_568] {strides = array<i32>} : memref<2x128x128xf32, #tpu.memory_space<vmem>>, vector<1x1x16xf32>,
        %parallel_loop3A_570 = vector.shape_cast %parallel_loop3A_569 : vector<1x1x16xf32> to vector<16xf32>
        %parallel_loop3A_571 = vector.shape_cast %parallel_loop3A_564 : vector<16xf32> to vector<1x1x16xf32>
        tpu.vector_store %arg9[%parallel_loop3A_566, %parallel_loop3A_567, %parallel_loop3A_568], %parallel_loop3A_571 {strides = array<i32>} : memref<2x128x128xf32, #tpu.memory_space<vmem>>, vector<1x1x16xf32>,
        %parallel_loop3A_572 = arith.constant 3 : i32
        %parallel_loop3A_573 = arith.index_cast %parallel_loop3A_572 : i32 to index
        %parallel_loop3A_574 = arith.index_cast %parallel_loop3A_520 : i32 to index
        %parallel_loop3A_575 = arith.constant 48 : index
        %parallel_loop3A_576 = tpu.vector_load %arg8[%parallel_loop3A_573, %parallel_loop3A_574, %parallel_loop3A_575] {strides = array<i32>} : memref<4x128x128xf32, #tpu.memory_space<vmem>>, vector<1x1x16xf32>,
        %parallel_loop3A_577 = vector.shape_cast %parallel_loop3A_576 : vector<1x1x16xf32> to vector<16xf32>
        %parallel_loop3A_578 = arith.constant 11.3137083 : f32
        %parallel_loop3A_579 = vector.broadcast %parallel_loop3A_578 : f32 to vector<16xf32>
        %parallel_loop3A_580 = arith.mulf %parallel_loop3A_577, %parallel_loop3A_579 : vector<16xf32>
        %parallel_loop3A_581 = arith.addf %parallel_loop3A_580, %get3A_475 : vector<16xf32>
        %parallel_loop3A_582 = arith.constant 1 : i32
        %parallel_loop3A_583 = arith.index_cast %parallel_loop3A_582 : i32 to index
        %parallel_loop3A_584 = arith.index_cast %parallel_loop3A_520 : i32 to index
        %parallel_loop3A_585 = arith.constant 48 : index
        %parallel_loop3A_586 = tpu.vector_load %arg9[%parallel_loop3A_583, %parallel_loop3A_584, %parallel_loop3A_585] {strides = array<i32>} : memref<2x128x128xf32, #tpu.memory_space<vmem>>, vector<1x1x16xf32>,
        %parallel_loop3A_587 = vector.shape_cast %parallel_loop3A_586 : vector<1x1x16xf32> to vector<16xf32>
        %parallel_loop3A_588 = vector.shape_cast %parallel_loop3A_581 : vector<16xf32> to vector<1x1x16xf32>
        tpu.vector_store %arg9[%parallel_loop3A_583, %parallel_loop3A_584, %parallel_loop3A_585], %parallel_loop3A_588 {strides = array<i32>} : memref<2x128x128xf32, #tpu.memory_space<vmem>>, vector<1x1x16xf32>,
        %parallel_loop3A_589 = arith.constant 3 : i32
        %parallel_loop3A_590 = arith.index_cast %parallel_loop3A_589 : i32 to index
        %parallel_loop3A_591 = arith.index_cast %parallel_loop3A_520 : i32 to index
        %parallel_loop3A_592 = arith.constant 64 : index
        %parallel_loop3A_593 = tpu.vector_load %arg8[%parallel_loop3A_590, %parallel_loop3A_591, %parallel_loop3A_592] {strides = array<i32>} : memref<4x128x128xf32, #tpu.memory_space<vmem>>, vector<1x1x16xf32>,
        %parallel_loop3A_594 = vector.shape_cast %parallel_loop3A_593 : vector<1x1x16xf32> to vector<16xf32>
        %parallel_loop3A_595 = arith.constant 11.3137083 : f32
        %parallel_loop3A_596 = vector.broadcast %parallel_loop3A_595 : f32 to vector<16xf32>
        %parallel_loop3A_597 = arith.mulf %parallel_loop3A_594, %parallel_loop3A_596 : vector<16xf32>
        %parallel_loop3A_598 = arith.addf %parallel_loop3A_597, %get3A_479 : vector<16xf32>
        %parallel_loop3A_599 = arith.constant 1 : i32
        %parallel_loop3A_600 = arith.index_cast %parallel_loop3A_599 : i32 to index
        %parallel_loop3A_601 = arith.index_cast %parallel_loop3A_520 : i32 to index
        %parallel_loop3A_602 = arith.constant 64 : index
        %parallel_loop3A_603 = tpu.vector_load %arg9[%parallel_loop3A_600, %parallel_loop3A_601, %parallel_loop3A_602] {strides = array<i32>} : memref<2x128x128xf32, #tpu.memory_space<vmem>>, vector<1x1x16xf32>,
        %parallel_loop3A_604 = vector.shape_cast %parallel_loop3A_603 : vector<1x1x16xf32> to vector<16xf32>
        %parallel_loop3A_605 = vector.shape_cast %parallel_loop3A_598 : vector<16xf32> to vector<1x1x16xf32>
        tpu.vector_store %arg9[%parallel_loop3A_600, %parallel_loop3A_601, %parallel_loop3A_602], %parallel_loop3A_605 {strides = array<i32>} : memref<2x128x128xf32, #tpu.memory_space<vmem>>, vector<1x1x16xf32>,
        %parallel_loop3A_606 = arith.constant 3 : i32
        %parallel_loop3A_607 = arith.index_cast %parallel_loop3A_606 : i32 to index
        %parallel_loop3A_608 = arith.index_cast %parallel_loop3A_520 : i32 to index
        %parallel_loop3A_609 = arith.constant 80 : index
        %parallel_loop3A_610 = tpu.vector_load %arg8[%parallel_loop3A_607, %parallel_loop3A_608, %parallel_loop3A_609] {strides = array<i32>} : memref<4x128x128xf32, #tpu.memory_space<vmem>>, vector<1x1x16xf32>,
        %parallel_loop3A_611 = vector.shape_cast %parallel_loop3A_610 : vector<1x1x16xf32> to vector<16xf32>
        %parallel_loop3A_612 = arith.constant 11.3137083 : f32
        %parallel_loop3A_613 = vector.broadcast %parallel_loop3A_612 : f32 to vector<16xf32>
        %parallel_loop3A_614 = arith.mulf %parallel_loop3A_611, %parallel_loop3A_613 : vector<16xf32>
        %parallel_loop3A_615 = arith.addf %parallel_loop3A_614, %get3A_483 : vector<16xf32>
        %parallel_loop3A_616 = arith.constant 1 : i32
        %parallel_loop3A_617 = arith.index_cast %parallel_loop3A_616 : i32 to index
        %parallel_loop3A_618 = arith.index_cast %parallel_loop3A_520 : i32 to index
        %parallel_loop3A_619 = arith.constant 80 : index
        %parallel_loop3A_620 = tpu.vector_load %arg9[%parallel_loop3A_617, %parallel_loop3A_618, %parallel_loop3A_619] {strides = array<i32>} : memref<2x128x128xf32, #tpu.memory_space<vmem>>, vector<1x1x16xf32>,
        %parallel_loop3A_621 = vector.shape_cast %parallel_loop3A_620 : vector<1x1x16xf32> to vector<16xf32>
        %parallel_loop3A_622 = vector.shape_cast %parallel_loop3A_615 : vector<16xf32> to vector<1x1x16xf32>
        tpu.vector_store %arg9[%parallel_loop3A_617, %parallel_loop3A_618, %parallel_loop3A_619], %parallel_loop3A_622 {strides = array<i32>} : memref<2x128x128xf32, #tpu.memory_space<vmem>>, vector<1x1x16xf32>,
        %parallel_loop3A_623 = arith.constant 3 : i32
        %parallel_loop3A_624 = arith.index_cast %parallel_loop3A_623 : i32 to index
        %parallel_loop3A_625 = arith.index_cast %parallel_loop3A_520 : i32 to index
        %parallel_loop3A_626 = arith.constant 96 : index
        %parallel_loop3A_627 = tpu.vector_load %arg8[%parallel_loop3A_624, %parallel_loop3A_625, %parallel_loop3A_626] {strides = array<i32>} : memref<4x128x128xf32, #tpu.memory_space<vmem>>, vector<1x1x16xf32>,
        %parallel_loop3A_628 = vector.shape_cast %parallel_loop3A_627 : vector<1x1x16xf32> to vector<16xf32>
        %parallel_loop3A_629 = arith.constant 11.3137083 : f32
        %parallel_loop3A_630 = vector.broadcast %parallel_loop3A_629 : f32 to vector<16xf32>
        %parallel_loop3A_631 = arith.mulf %parallel_loop3A_628, %parallel_loop3A_630 : vector<16xf32>
        %parallel_loop3A_632 = arith.addf %parallel_loop3A_631, %get3A_487 : vector<16xf32>
        %parallel_loop3A_633 = arith.constant 1 : i32
        %parallel_loop3A_634 = arith.index_cast %parallel_loop3A_633 : i32 to index
        %parallel_loop3A_635 = arith.index_cast %parallel_loop3A_520 : i32 to index
        %parallel_loop3A_636 = arith.constant 96 : index
        %parallel_loop3A_637 = tpu.vector_load %arg9[%parallel_loop3A_634, %parallel_loop3A_635, %parallel_loop3A_636] {strides = array<i32>} : memref<2x128x128xf32, #tpu.memory_space<vmem>>, vector<1x1x16xf32>,
        %parallel_loop3A_638 = vector.shape_cast %parallel_loop3A_637 : vector<1x1x16xf32> to vector<16xf32>
        %parallel_loop3A_639 = vector.shape_cast %parallel_loop3A_632 : vector<16xf32> to vector<1x1x16xf32>
        tpu.vector_store %arg9[%parallel_loop3A_634, %parallel_loop3A_635, %parallel_loop3A_636], %parallel_loop3A_639 {strides = array<i32>} : memref<2x128x128xf32, #tpu.memory_space<vmem>>, vector<1x1x16xf32>,
        %parallel_loop3A_640 = arith.constant 3 : i32
        %parallel_loop3A_641 = arith.index_cast %parallel_loop3A_640 : i32 to index
        %parallel_loop3A_642 = arith.index_cast %parallel_loop3A_520 : i32 to index
        %parallel_loop3A_643 = arith.constant 112 : index
        %parallel_loop3A_644 = tpu.vector_load %arg8[%parallel_loop3A_641, %parallel_loop3A_642, %parallel_loop3A_643] {strides = array<i32>} : memref<4x128x128xf32, #tpu.memory_space<vmem>>, vector<1x1x16xf32>,
        %parallel_loop3A_645 = vector.shape_cast %parallel_loop3A_644 : vector<1x1x16xf32> to vector<16xf32>
        %parallel_loop3A_646 = arith.constant 11.3137083 : f32
        %parallel_loop3A_647 = vector.broadcast %parallel_loop3A_646 : f32 to vector<16xf32>
        %parallel_loop3A_648 = arith.mulf %parallel_loop3A_645, %parallel_loop3A_647 : vector<16xf32>
        %parallel_loop3A_649 = arith.addf %parallel_loop3A_648, %get3A_491 : vector<16xf32>
        %parallel_loop3A_650 = arith.constant 1 : i32
        %parallel_loop3A_651 = arith.index_cast %parallel_loop3A_650 : i32 to index
        %parallel_loop3A_652 = arith.index_cast %parallel_loop3A_520 : i32 to index
        %parallel_loop3A_653 = arith.constant 112 : index
        %parallel_loop3A_654 = tpu.vector_load %arg9[%parallel_loop3A_651, %parallel_loop3A_652, %parallel_loop3A_653] {strides = array<i32>} : memref<2x128x128xf32, #tpu.memory_space<vmem>>, vector<1x1x16xf32>,
        %parallel_loop3A_655 = vector.shape_cast %parallel_loop3A_654 : vector<1x1x16xf32> to vector<16xf32>
        %parallel_loop3A_656 = vector.shape_cast %parallel_loop3A_649 : vector<16xf32> to vector<1x1x16xf32>
        tpu.vector_store %arg9[%parallel_loop3A_651, %parallel_loop3A_652, %parallel_loop3A_653], %parallel_loop3A_656 {strides = array<i32>} : memref<2x128x128xf32, #tpu.memory_space<vmem>>, vector<1x1x16xf32>,
      } {sc.loop_unroll_factor = 4 : i64, sc.parallel_access}
      %dma_start3A_495 = arith.constant 1 : i32
      %dma_start3A_496 = arith.constant 1 : i32
      %dma_start3A_497 = arith.constant 0 : i32
      %dma_start3A_498 = arith.constant 0 : i32
      %dma_start3A_499 = tpu.memref_slice %arg9[%dma_start3A_495, %dma_start3A_497, %dma_start3A_498] : memref<2x128x128xf32, #tpu.memory_space<vmem>> -> memref<1x128x128xf32, #tpu.memory_space<vmem>>
      %dma_start3A_500 = tpu.memref_squeeze %dma_start3A_499 : memref<1x128x128xf32, #tpu.memory_space<vmem>> -> memref<128x128xf32, #tpu.memory_space<vmem>>
      %dma_start3A_501 = arith.constant 0 : i32
      %dma_start3A_502 = tpu.memref_slice %arg5[%add3A_411, %mul3A_2, %dma_start3A_501] : memref<100x4096x128xf32, #tpu.memory_space<hbm>> -> memref<1x128x128xf32, #tpu.memory_space<hbm>>
      %dma_start3A_503 = tpu.memref_squeeze %dma_start3A_502 : memref<1x128x128xf32, #tpu.memory_space<hbm>> -> memref<128x128xf32, #tpu.memory_space<hbm>>
      %dma_start3A_504 = tpu.memref_slice %arg11[%dma_start3A_496] : memref<2x!tpu.dma_semaphore, #tpu.memory_space<semaphore_mem>> -> memref<1x!tpu.dma_semaphore, #tpu.memory_space<semaphore_mem>>
      %dma_start3A_505 = tpu.memref_squeeze %dma_start3A_504 : memref<1x!tpu.dma_semaphore, #tpu.memory_space<semaphore_mem>> -> memref<!tpu.dma_semaphore, #tpu.memory_space<semaphore_mem>>
      %dma_start3A_506 = arith.constant 0 : i32
      %dma_start3A_507 = tpu.memref_slice %arg5[%add3A_411, %mul3A_2, %dma_start3A_506] : memref<100x4096x128xf32, #tpu.memory_space<hbm>> -> memref<1x128x128xf32, #tpu.memory_space<hbm>>
      %dma_start3A_508 = tpu.memref_squeeze %dma_start3A_507 : memref<1x128x128xf32, #tpu.memory_space<hbm>> -> memref<128x128xf32, #tpu.memory_space<hbm>>
      %dma_start3A_509 = arith.constant 0 : i32
      %dma_start3A_510 = arith.constant 0 : i32
      %dma_start3A_511 = tpu.memref_slice %arg9[%dma_start3A_495, %dma_start3A_509, %dma_start3A_510] : memref<2x128x128xf32, #tpu.memory_space<vmem>> -> memref<1x128x128xf32, #tpu.memory_space<vmem>>
      %dma_start3A_512 = tpu.memref_squeeze %dma_start3A_511 : memref<1x128x128xf32, #tpu.memory_space<vmem>> -> memref<128x128xf32, #tpu.memory_space<vmem>>
      tpu.enqueue_dma source(%dma_start3A_512 : memref<128x128xf32, #tpu.memory_space<vmem>>) target(%dma_start3A_508 : memref<128x128xf32, #tpu.memory_space<hbm>>) target_semaphore(%dma_start3A_505 : memref<!tpu.dma_semaphore, #tpu.memory_space<semaphore_mem>>)
      %add3A_513 = arith.constant 4 : i32
      %add3A_514 = arith.addi %add3A_411, %add3A_513 : i32
      %lt3A_515 = arith.constant 100 : i32
      %lt3A_516 = arith.cmpi slt, %add3A_514, %lt3A_515 : i32
      %convert_element_type3A_517 = arith.extui %lt3A_516 : i1 to i32
      %cond3A_518 = arith.constant 0 : i32
      %cond3A_519 = arith.cmpi ne, %convert_element_type3A_517, %cond3A_518 : i32
      scf.if %cond3A_519 {
        %add3A_520 = arith.constant 4 : i32
        %add3A_521 = arith.addi %add3A_411, %add3A_520 : i32
        %jit3A_522 = arith.constant 56 : i32
        %eq3A_523 = arith.constant 0 : i32
        %eq3A_524 = arith.cmpi eq, %jit3A_522, %eq3A_523 : i32
        %jit3A_525 = arith.constant 1 : i32
        %select_n3A_526 = arith.select %eq3A_524, %jit3A_525, %jit3A_522 : i32
        %rem3A_527 = arith.remsi %add3A_521, %select_n3A_526 : i32
        %ne3A_528 = arith.constant 0 : i32
        %ne3A_529 = arith.cmpi ne, %rem3A_527, %ne3A_528 : i32
        %lt3A_530 = arith.constant 0 : i32
        %lt3A_531 = arith.cmpi slt, %rem3A_527, %lt3A_530 : i32
        %lt3A_532 = arith.constant 0 : i32
        %lt3A_533 = arith.cmpi slt, %select_n3A_526, %lt3A_532 : i32
        %ne3A_534 = arith.xori %lt3A_531, %lt3A_533 : i1
        %and3A_535 = arith.andi %ne3A_534, %ne3A_529 : i1
        %add3A_536 = arith.addi %rem3A_527, %select_n3A_526 : i32
        %select_n3A_537 = arith.select %and3A_535, %add3A_536, %rem3A_527 : i32
        %dma_start3A_538 = arith.constant 3 : i32
        %dma_start3A_539 = arith.constant 3 : i32
        %dma_start3A_540 = arith.constant 0 : i32
        %dma_start3A_541 = arith.constant 0 : i32
        %dma_start3A_542 = tpu.memref_slice %arg8[%dma_start3A_538, %dma_start3A_540, %dma_start3A_541] : memref<4x128x128xf32, #tpu.memory_space<vmem>> -> memref<1x128x128xf32, #tpu.memory_space<vmem>>
        %dma_start3A_543 = tpu.memref_squeeze %dma_start3A_542 : memref<1x128x128xf32, #tpu.memory_space<vmem>> -> memref<128x128xf32, #tpu.memory_space<vmem>>
        %dma_start3A_544 = arith.constant 0 : i32
        %dma_start3A_545 = tpu.memref_slice %arg6[%select_n3A_537, %dma_start3A_544] : memref<56x128xi32, #tpu.memory_space<vmem>> -> memref<1x128xi32, #tpu.memory_space<vmem>>
        %dma_start3A_546 = tpu.memref_squeeze %dma_start3A_545 : memref<1x128xi32, #tpu.memory_space<vmem>> -> memref<128xi32, #tpu.memory_space<vmem>>
        %dma_start3A_547 = arith.constant 0 : i32
        %dma_start3A_548 = arith.constant 0 : i32
        %dma_start3A_549 = tpu.memref_slice %arg3[%dma_start3A_547, %dma_start3A_548] : memref<100000x128xf32, #tpu.memory_space<hbm>> -> memref<100000x128xf32, #tpu.memory_space<hbm>>
        %dma_start3A_550 = tpu.memref_slice %arg10[%dma_start3A_539] : memref<4x!tpu.dma_semaphore, #tpu.memory_space<semaphore_mem>> -> memref<1x!tpu.dma_semaphore, #tpu.memory_space<semaphore_mem>>
        %dma_start3A_551 = tpu.memref_squeeze %dma_start3A_550 : memref<1x!tpu.dma_semaphore, #tpu.memory_space<semaphore_mem>> -> memref<!tpu.dma_semaphore, #tpu.memory_space<semaphore_mem>>
        tpu.enqueue_indirect_dma source(%dma_start3A_549 : memref<100000x128xf32, #tpu.memory_space<hbm>>) target(%dma_start3A_543 : memref<128x128xf32, #tpu.memory_space<vmem>>) offsets(%dma_start3A_546 : memref<128xi32, #tpu.memory_space<vmem>>) semaphore(%dma_start3A_551 : memref<!tpu.dma_semaphore, #tpu.memory_space<semaphore_mem>>)
      } else {
      }
    }
    %scan3A_66 = arith.constant 25 : i32
    %dma_wait3A = arith.constant 0 : i32
    %dma_wait3A_67 = arith.constant 98 : i32
    %dma_wait3A_68 = arith.constant 0 : i32
    %dma_wait3A_69 = arith.constant 0 : i32
    %dma_wait3A_70 = arith.constant 0 : i32
    %dma_wait3A_71 = tpu.memref_slice %arg9[%dma_wait3A, %dma_wait3A_69, %dma_wait3A_70] : memref<2x128x128xf32, #tpu.memory_space<vmem>> -> memref<1x128x128xf32, #tpu.memory_space<vmem>>
    %dma_wait3A_72 = tpu.memref_squeeze %dma_wait3A_71 : memref<1x128x128xf32, #tpu.memory_space<vmem>> -> memref<128x128xf32, #tpu.memory_space<vmem>>
    %dma_wait3A_73 = arith.constant 0 : i32
    %dma_wait3A_74 = tpu.memref_slice %arg5[%dma_wait3A_67, %mul3A_2, %dma_wait3A_73] : memref<100x4096x128xf32, #tpu.memory_space<hbm>> -> memref<1x128x128xf32, #tpu.memory_space<hbm>>
    %dma_wait3A_75 = tpu.memref_squeeze %dma_wait3A_74 : memref<1x128x128xf32, #tpu.memory_space<hbm>> -> memref<128x128xf32, #tpu.memory_space<hbm>>
    %dma_wait3A_76 = tpu.memref_slice %arg11[%dma_wait3A_68] : memref<2x!tpu.dma_semaphore, #tpu.memory_space<semaphore_mem>> -> memref<1x!tpu.dma_semaphore, #tpu.memory_space<semaphore_mem>>
    %dma_wait3A_77 = tpu.memref_squeeze %dma_wait3A_76 : memref<1x!tpu.dma_semaphore, #tpu.memory_space<semaphore_mem>> -> memref<!tpu.dma_semaphore, #tpu.memory_space<semaphore_mem>>
    %dma_wait3A_78 = arith.constant 0 : i32
    %dma_wait3A_79 = tpu.memref_slice %arg5[%dma_wait3A_67, %mul3A_2, %dma_wait3A_78] : memref<100x4096x128xf32, #tpu.memory_space<hbm>> -> memref<1x128x128xf32, #tpu.memory_space<hbm>>
    %dma_wait3A_80 = tpu.memref_squeeze %dma_wait3A_79 : memref<1x128x128xf32, #tpu.memory_space<hbm>> -> memref<128x128xf32, #tpu.memory_space<hbm>>
    %dma_wait3A_81 = arith.constant 0 : i32
    %dma_wait3A_82 = arith.constant 0 : i32
    %dma_wait3A_83 = tpu.memref_slice %arg9[%dma_wait3A, %dma_wait3A_81, %dma_wait3A_82] : memref<2x128x128xf32, #tpu.memory_space<vmem>> -> memref<1x128x128xf32, #tpu.memory_space<vmem>>
    %dma_wait3A_84 = tpu.memref_squeeze %dma_wait3A_83 : memref<1x128x128xf32, #tpu.memory_space<vmem>> -> memref<128x128xf32, #tpu.memory_space<vmem>>
    tpu.wait_dma2 semaphore(%dma_wait3A_77 : memref<!tpu.dma_semaphore, #tpu.memory_space<semaphore_mem>>) src(%dma_wait3A_84 : memref<128x128xf32, #tpu.memory_space<vmem>>) dst(%dma_wait3A_80 : memref<128x128xf32, #tpu.memory_space<hbm>>)
    %dma_wait3A_85 = arith.constant 1 : i32
    %dma_wait3A_86 = arith.constant 99 : i32
    %dma_wait3A_87 = arith.constant 1 : i32
    %dma_wait3A_88 = arith.constant 0 : i32
    %dma_wait3A_89 = arith.constant 0 : i32
    %dma_wait3A_90 = tpu.memref_slice %arg9[%dma_wait3A_85, %dma_wait3A_88, %dma_wait3A_89] : memref<2x128x128xf32, #tpu.memory_space<vmem>> -> memref<1x128x128xf32, #tpu.memory_space<vmem>>
    %dma_wait3A_91 = tpu.memref_squeeze %dma_wait3A_90 : memref<1x128x128xf32, #tpu.memory_space<vmem>> -> memref<128x128xf32, #tpu.memory_space<vmem>>
    %dma_wait3A_92 = arith.constant 0 : i32
    %dma_wait3A_93 = tpu.memref_slice %arg5[%dma_wait3A_86, %mul3A_2, %dma_wait3A_92] : memref<100x4096x128xf32, #tpu.memory_space<hbm>> -> memref<1x128x128xf32, #tpu.memory_space<hbm>>
    %dma_wait3A_94 = tpu.memref_squeeze %dma_wait3A_93 : memref<1x128x128xf32, #tpu.memory_space<hbm>> -> memref<128x128xf32, #tpu.memory_space<hbm>>
    %dma_wait3A_95 = tpu.memref_slice %arg11[%dma_wait3A_87] : memref<2x!tpu.dma_semaphore, #tpu.memory_space<semaphore_mem>> -> memref<1x!tpu.dma_semaphore, #tpu.memory_space<semaphore_mem>>
    %dma_wait3A_96 = tpu.memref_squeeze %dma_wait3A_95 : memref<1x!tpu.dma_semaphore, #tpu.memory_space<semaphore_mem>> -> memref<!tpu.dma_semaphore, #tpu.memory_space<semaphore_mem>>
    %dma_wait3A_97 = arith.constant 0 : i32
    %dma_wait3A_98 = tpu.memref_slice %arg5[%dma_wait3A_86, %mul3A_2, %dma_wait3A_97] : memref<100x4096x128xf32, #tpu.memory_space<hbm>> -> memref<1x128x128xf32, #tpu.memory_space<hbm>>
    %dma_wait3A_99 = tpu.memref_squeeze %dma_wait3A_98 : memref<1x128x128xf32, #tpu.memory_space<hbm>> -> memref<128x128xf32, #tpu.memory_space<hbm>>
    %dma_wait3A_100 = arith.constant 0 : i32
    %dma_wait3A_101 = arith.constant 0 : i32
    %dma_wait3A_102 = tpu.memref_slice %arg9[%dma_wait3A_85, %dma_wait3A_100, %dma_wait3A_101] : memref<2x128x128xf32, #tpu.memory_space<vmem>> -> memref<1x128x128xf32, #tpu.memory_space<vmem>>
    %dma_wait3A_103 = tpu.memref_squeeze %dma_wait3A_102 : memref<1x128x128xf32, #tpu.memory_space<vmem>> -> memref<128x128xf32, #tpu.memory_space<vmem>>
    tpu.wait_dma2 semaphore(%dma_wait3A_96 : memref<!tpu.dma_semaphore, #tpu.memory_space<semaphore_mem>>) src(%dma_wait3A_103 : memref<128x128xf32, #tpu.memory_space<vmem>>) dst(%dma_wait3A_99 : memref<128x128xf32, #tpu.memory_space<hbm>>)
    return
  }
}

</mosaic_0001>

<sc_bundles>
// kernel: kernel.3.cloned.1.call-start
scs
__scs_entry_jumppad:
0x0: {  	(pc) =	sbr.rel $0x88, $3  }
0x1: {  	(tag) =	ssettag $0x0;
	lr =	simm.s32 $0x1  }
0x2: {  	[smem:$0x3F9E] =	sst lr;
	_ =	strace $0xD0000000  }
0x3: {  	_ = 	snop  }
0x4: {  	_ = 	snop  }
0x5: {  	_ = 	snop  }
0x6: {  	_ = 	snop  }
0x7: {  	_ = 	snop  }
__scs_overlays_trampoline_lowered:
0x8: {  	[smem:$0x3FAD] =	sst s0  }
0x9: {  	[smem:$0x3FAE] =	sst s1  }
0xa: {  	[smem:$0x3FAF] =	sst s2  }
0xb: {  	[smem:$0x3FB0] =	sst s3  }
0xc: {  	[smem:$0x3FB1] =	sst s4  }
0xd: {  	[smem:$0x3FB2] =	sst s5  }
0xe: {  	[smem:$0x3FB3] =	sst s6  }
0xf: {  	[smem:$0x3FB4] =	sst s7  }
0x10: {  	[smem:$0x3FB5] =	sst s8  }
0x11: {  	[smem:$0x3FB6] =	sst s9;
	s0 =	simm.s32 @!p0 $0x0  }
0x12: {  	s1 =	sld [smem:$0x3F9C];
	s0 =	simm.s32 @p0 $0x1  }
0x13: {  	[smem:$0x3FB7] =	sst s0;
	s0 =	simm.s32 @!p1 $0x0  }
0x14: {  	s2 =	sld [smem:$0x3F9B];
	s0 =	simm.s32 @p1 $0x1  }
0x15: {  	[smem:$0x3FB8] =	sst s0;
	s0 =	simm.s32 @!p2 $0x0  }
0x16: {  	s3 =	sld [smem:$0x3FDB];
	s0 =	simm.s32 @p2 $0x1  }
0x17: {  	s4 =	simm.s32 $0x1BF5;
	[smem:$0x3FBA] =	sst s0  }
0x18: {  	s0 =	sld [smem:$0x3F9D];
	_ =	swait.ge [sflag:s4], $0x0  }
0x19: {  	s7 =	sld [smem:$0x3F9E]  }
0x1a: {  	s8 =	sadd.s32 $0xFFFFE003, lr  }
0x1b: {  	s9 =	sadd.s32 $0xFFFFFEF7, lr;
	s5 =	simm.s32 $0xFFFFFFFF;
	p2 =	slt.u32 s8, $0xFFFFF086  }
0x1c: {  	p1 =	slt.u32 s9, $0xF7A;
	s5 =	simm.s32 @!p2 $0x0  }
0x1d: {  	s5 =	simm.s32 @p1 $0x1;
	p0 =	seq.s32 s7, s2  }
0x1e: {  	s7 =	smul.u32 @!p0 $0xF7A, s2;
	p2 =	seq.s32 @!p0 s5, $0x0  }
0x1f: {  	s9 =	smul.u32 $0xF7A, s1;
	s8 =	simm.s32 @!p0 $0x1BF5;
	p2 =	por !p2, p0  }
0x20: {  	[sflag:s8] =	ssyncset.s32 @!p0 $0xFFFFF086;
	s6 =	sadd.s32 @!p0 s3, s7;
	s7 =	simm.s32 @!p0 $0x108  }
0x21: {  	s3 =	sadd.s32 s3, s9;
	s6 =	sadd.s32 @!p0 $0x88, s6;
	s7 =	simm.s32 @p2 $0x1082  }
0x22: {  	[simem:s7], [sflag:s8] =	dma.local @!p0 [hbm:s6], $0xF7A  }
0x23: {  	s9 =	sor.u32 $0xD0000000, s2;
	s6 =	simm.s32 $0x108;
	_ =	swait.ge @!p0 [sflag:s8], $0x0  }
0x24: {  	s3 =	sadd.s32 $0x88, s3;
	s6 =	simm.s32 @!p1 $0x1082;
	[sflag:s4] =	ssyncset.s32 $0xFFFFF086  }
0x25: {  	[simem:s6], [sflag:s4] =	dma.local [hbm:s3], $0xF7A  }
0x26: {  	[smem:$0x3F9E] =	sst s1;
	(tag) =	ssettag s2;
	_ =	strace s9  }
0x27: {  	s1 =	sld [smem:$0x3FAE]  }
0x28: {  	s2 =	sld [smem:$0x3FAF]  }
0x29: {  	s4 =	sld [smem:$0x3FB1]  }
0x2a: {  	p0 =	seq.s32 s5, $0x0;
	s5 =	sld [smem:$0x3FB2]  }
0x2b: {  	s6 =	sld [smem:$0x3FB3]  }
0x2c: {  	s7 =	sld [smem:$0x3FB4]  }
0x2d: {  	s3 =	simm.s32 $0x108;
	s8 =	sld [smem:$0x3FB5]  }
0x2e: {  	s3 =	simm.s32 @!p0 $0x1082;
	s9 =	sld [smem:$0x3FB6]  }
0x2f: {  	lr =	sadd.s32 s0, s3;
	s0 =	sld [smem:$0x3FAD]  }
0x30: {  	s3 =	sld [smem:$0x3FB0]  }
0x31: {  	[smem:$0x3FB9] =	sst s10  }
0x32: {  	s10 =	sld [smem:$0x3FB7];
	_ =	sdelay $0x3  }
0x33: {  	p0 =	seq.s32 s10, $0x1;
	s10 =	sld [smem:$0x3FB9];
	_ =	sdelay $0x3  }
0x34: {  	[smem:$0x3FB9] =	sst s10  }
0x35: {  	s10 =	sld [smem:$0x3FB8];
	_ =	sdelay $0x3  }
0x36: {  	p1 =	seq.s32 s10, $0x1;
	s10 =	sld [smem:$0x3FB9];
	_ =	sdelay $0x3  }
0x37: {  	[smem:$0x3FB9] =	sst s10  }
0x38: {  	s10 =	sld [smem:$0x3FBA]  }
0x39: {  	_ = 	snop;
	(pc) =	sbr.ind lr, $3  }
0x3a: {  	_ = 	snop  }
0x3b: {  	_ = 	snop  }
0x3c: {  	p2 =	seq.s32 s10, $0x1;
	s10 =	sld [smem:$0x3FB9]  }
0x3d: {  	_ =	shalt  }
0x3e: {  	_ =	shalt  }
0x3f: {  	_ =	shalt  }
0x40: {  	_ =	shalt  }
0x41: {  	_ =	shalt  }
0x42: {  	_ =	shalt  }
0x43: {  	_ =	shalt  }
0x44: {  	_ =	shalt  }
0x45: {  	_ =	shalt  }
0x46: {  	_ =	shalt  }
0x47: {  	_ =	shalt  }
0x48: {  	_ =	shalt  }
0x49: {  	_ =	shalt  }
0x4a: {  	_ =	shalt  }
0x4b: {  	_ =	shalt  }
0x4c: {  	_ =	shalt  }
0x4d: {  	_ =	shalt  }
0x4e: {  	_ =	shalt  }
0x4f: {  	_ =	shalt  }
0x50: {  	_ =	shalt  }
0x51: {  	_ =	shalt  }
0x52: {  	_ =	shalt  }
0x53: {  	_ =	shalt  }
0x54: {  	_ =	shalt  }
0x55: {  	_ =	shalt  }
0x56: {  	_ =	shalt  }
0x57: {  	_ =	shalt  }
0x58: {  	_ =	shalt  }
0x59: {  	_ =	shalt  }
0x5a: {  	_ =	shalt  }
0x5b: {  	_ =	shalt  }
0x5c: {  	_ =	shalt  }
0x5d: {  	_ =	shalt  }
0x5e: {  	_ =	shalt  }
0x5f: {  	_ =	shalt  }
0x60: {  	_ =	shalt  }
0x61: {  	_ =	shalt  }
0x62: {  	_ =	shalt  }
0x63: {  	_ =	shalt  }
0x64: {  	_ =	shalt  }
0x65: {  	_ =	shalt  }
0x66: {  	_ =	shalt  }
0x67: {  	_ =	shalt  }
0x68: {  	_ =	shalt  }
0x69: {  	_ =	shalt  }
0x6a: {  	_ =	shalt  }
0x6b: {  	_ =	shalt  }
0x6c: {  	_ =	shalt  }
0x6d: {  	_ =	shalt  }
0x6e: {  	_ =	shalt  }
0x6f: {  	_ =	shalt  }
0x70: {  	_ =	shalt  }
0x71: {  	_ =	shalt  }
0x72: {  	_ =	shalt  }
0x73: {  	_ =	shalt  }
0x74: {  	_ =	shalt  }
0x75: {  	_ =	shalt  }
0x76: {  	_ =	shalt  }
0x77: {  	_ =	shalt  }
0x78: {  	_ =	shalt  }
0x79: {  	_ =	shalt  }
0x7a: {  	_ =	shalt  }
0x7b: {  	_ =	shalt  }
0x7c: {  	_ =	shalt  }
0x7d: {  	_ =	shalt  }
0x7e: {  	_ =	shalt  }
0x7f: {  	_ =	shalt  }
0x80: {  	_ =	shalt  }
0x81: {  	_ =	shalt  }
0x82: {  	_ =	shalt  }
0x83: {  	_ =	shalt  }
0x84: {  	_ =	shalt  }
0x85: {  	_ =	shalt  }
0x86: {  	_ =	shalt  }
0x87: {  	_ =	shalt  }
.Lfunc_end0:
.L_simem_size_0:
called_computation_lowered:
.L_overlay_start_0:
0x88: {  	s2 =	sld [smem:$0x3FD9]  }
0x89: {  	s3 =	sld [smem:$0x3FFE];
	_ =	sdelay $0x1  }
0x8a: {  	s1 =	srdreg.scid  }
0x8b: {  	s0 =	sand.u32 $0x1, s1  }
0x8c: {  	s18 =	sshll.u32 s0, $0xA;
	s2 =	sadd.s32 s3, s2  }
0x8d: {  	s2 =	sadd.s32 s2, s18  }
0x8e: {  	[smem:$0x3FC5] =	sst s2  }
0x8f: {  	_ = 	snop  }
0x90: {  	s2 =	sld [smem:$0x3FC9]  }
0x91: {  	s19 =	sld [smem:$0x3FC8]  }
0x92: {  	s4 =	sld [smem:$0x3FC7]  }
0x93: {  	s5 =	sld [smem:$0x3FD0];
	(tm) =	ssettm $0x1  }
0x94: {  	s6 =	sld [smem:$0x3FFB];
	_ =	sdelay $0x3  }
0x95: {  	_ =	strace s6  }
0x96: {  	s6 =	sld [smem:$0x3FFC];
	_ =	sdelay $0x3  }
0x97: {  	_ =	strace s6  }
0x98: {  	s6 =	sld [smem:$0x3FFD];
	_ =	sdelay $0x3  }
0x99: {  	_ =	strace s6  }
0x9a: {  	_ =	strace $0x8FFFFFFF  }
0x9b: {  	s20 =	sld [smem:$0x3FDB];
	_ =	sdelay $0x1  }
0x9c: {  	s7 =	simm.s32 $_scs_section_size  }
0x9d: {  	s8 =	simm.s32 $_size__tile_overlayer_lowered;
	s9 =	simm.s32 $_tile_overlayer_lowered  }
0x9e: {  	s23 =	simm.s32 $0x1BFF;
	s22 =	sshll.u32 s9, $0x1;
	s6 =	sadd.s32 s7, s20  }
0x9f: {  	s10 =	simm.s32 $0x0;
	s21 =	sshll.u32 s8, $0x1;
	s8 =	sadd.s32 s22, s6  }
0xa0: {  	[timem:s10], [sflag:s23] =	dma.local [hbm:s8], s21  }
0xa1: {  	_ =	swait.ge [sflag:s23], s21  }
0xa2: {  	s7 =	ssub.s32 $0x0, s21;
	[sflag:s23] =	ssyncset.done $0x0  }
0xa3: {  	[sflag:s23] =	ssyncadd.s32 s7;
	_ =	sdelay $0x1  }
0xa4: {  	s24 =	simm.s32 $0x1B8B  }
0xa5: {  	_ =	swait.ge [sflag:s24], $0x1  }
0xa6: {  	[sflag:s24] =	ssyncset.done $0x0  }
0xa7: {  	s25 =	simm.s32 $0x1B8E;
	[sflag:s24] =	ssyncadd.s32 $0xFFFFFFFF  }
0xa8: {  	s26 =	simm.s32 $execute0_lowered;
	[smem:$0x3FD2] =	sst s25  }
0xa9: {  	s7 =	sshll.u32 s26, $0x1;
	_ =	strace $0x80000046;
	[dreg:$0x1] =	wrdreg $0xFFFFFFFF  }
0xaa: {  	s28 =	simm.s32 $_size_execute0_lowered;
	s6 =	sadd.s32 s6, s7;
	[dreg:$0x0] =	wrdreg $0x0  }
0xab: {  	s7 =	sshll.u32 s28, $0x1;
	[dreg:$0x2] =	wrdreg s6  }
0xac: {  	[dreg:$0x3] =	wrdreg s7  }
0xad: {  	[dreg:$0x4] =	wrdreg $0xC0  }
0xae: {  	_ =	task [dreg:s10], $0x5FFFF  }
0xaf: {  	[dreg:$0x1] =	wrdreg $0xFFFFFFFF  }
0xb0: {  	[dreg:$0x0] =	wrdreg $0x60  }
0xb1: {  	[dreg:$0x2] =	wrdreg s2  }
0xb2: {  	[dreg:$0x3] =	wrdreg s19  }
0xb3: {  	[dreg:$0x4] =	wrdreg s4  }
0xb4: {  	[dreg:$0x5] =	wrdreg s5  }
0xb5: {  	[dreg:$0x6] =	wrdreg $0x9  }
0xb6: {  	_ =	task.clear_ibuf [dreg:s10], $0x7FFFF;
	_ =	strace $0x90000046  }
0xb7: {  	s29 =	simm.s32 $0x9;
	_ =	strace $0x80000048  }
0xb8: {  	_ =	swait.ge [sflag:s29], $0x1  }
0xb9: {  	[sflag:s29] =	ssyncadd.s32 $0xFFFFFFFF  }
0xba: {  	_ =	strace $0x90000048  }
0xbb: {  	_ =	sfence  }
0xbc: {  	s30 =	sld [smem:$0x0];
	_ =	sdelay $0x2  }
0xbd: {  	s31 =	sshll.u32 s1, $0xD;
	s1 =	sshrl.u32 s1, $0x2  }
0xbe: {  	s3 =	sand.u32 $0x4000, s31;
	s1 =	sadd.s32 s1, s30  }
0xbf: {  	s0 =	sor.u32 s3, s0;
	s1 =	sshll.u32 s1, $0x11  }
0xc0: {  	s0 =	sor.u32 s1, s0  }
0xc1: {  	s0 =	sadd.s32 $0x8F2B, s0  }
0xc2: {  	[sflag:s0] =	ssyncadd.remote.s32 $0x1  }
0xc3: {  	_ =	sfence.sel $0xFFFF  }
0xc4: {  	[dreg:$0x0] =	wrdreg $0xFFFFFFFF;
	(pc) =	sbr.abs _section_cstart, $3  }
0xc5: {  	[dreg:$0x1] =	wrdreg $0xFFFFFFFF  }
0xc6: {  	_ =	task.clear_ibuf [dreg:s10], $0x2FFFF;
	_ =	strace $0x9FFFFFFF  }
0xc7: {  	(tm) =	ssettm $0x7FFFFFFF  }
tec
execute0_lowered:
.L_overlay_start_1:
0x0: {  	(tag) =	ssettag $0x1  }
0x1: {  	s0 =	rddreg [dreg:$0x0]  }
0x2: {  	s1 =	rddreg [dreg:$0x1]  }
0x3: {  	s4 =	rddreg [dreg:$0x3]  }
0x4: {  	s2 =	srdreg.scid;
	s3 =	stileid.u32  }
0x5: {  	s5 =	simm.s32 $0x0;
	s12 =	simm.s32 $0x7;
	s14 =	simm.s32 $0x80  }
0x6: {  	s17 =	simm.s32 $0x100;
	s18 =	simm.s32 $0xD000;
	s19 =	simm.s32 $0x180  }
0x7: {  	s20 =	simm.s32 $0x11000;
	s21 =	simm.s32 $0x1;
	s22 =	simm.s32 $0x15000  }
0x8: {  	s23 =	simm.s32 $0x2;
	s24 =	simm.s32 $0x19000;
	s25 =	simm.s32 $0x3  }
0x9: {  	s26 =	simm.s32 $0x5;
	s28 =	simm.s32 $0x4;
	s29 =	simm.s32 $0x6  }
.Ltmp0:
0xa: {  	s30 =	simm.s32 $0x0;
	s2 =	sand.u32 $0x1, s2;
	(pc) =	sbr.rel .LBB2_1-.Ltmp0, $4  }
0xb: {  	s3 =	sshll.u32 s3, $0x8;
	s6 =	sshll.u32 s2, $0x7;
	s2 =	ssub.s32 $0x2, s2  }
0xc: {  	[smem:$0x7FF] =	sst s5;
	s3 =	sor.u32 s6, s3;
	s7 =	sshrl.u32 s2, $0x1  }
0xd: {  	_ =	strace $0x80000047;
	s6 =	sadd.s32 s0, s3;
	s31 =	ssub.s32 s2, s7  }
0xe: {  	s8 =	sshll.u32 s3, $0x7;
	s7 =	sadd.s32 $0x7000, s6;
	s9 =	smax.u32 s31, $0x1  }
.LBB2_12:
0xf: {  	s30 =	sadd.s32 $0x1, s30  }
0x10: {  	_ =	swait.ge [sflag:s26], $0x4000;
	p0 =	sne.s32 s30, s9  }
.Ltmp1:
0x11: {  	[sflag:s26] =	ssyncset.done $0x0;
	(pc) =	sbr.rel @!p0 .LBB2_13-.Ltmp1, $4  }
0x12: {  	[sflag:s26] =	ssyncadd.s32 $0xFFFFC000  }
0x13: {  	_ =	swait.ge [sflag:s29], $0x4000  }
0x14: {  	[sflag:s29] =	ssyncset.done $0x0  }
0x15: {  	[sflag:s29] =	ssyncadd.s32 $0xFFFFC000  }
.LBB2_1:
0x16: {  	s0 =	simm.s32 $0x400;
	s2 =	simm.s32 $0x8000  }
0x17: {  	[tilespmem:s5], [sflag:$0x7] =	stream.strided.gather [hbm4b:s6+s0], $0x1C00, s2, s0, $0x38;
	[tilespmem:$0x1D000] =	vst v63  }
0x18: {  	_ =	swait.ge [sflag:s12], $0x1C00  }
0x19: {  	[sflag:s12] =	ssyncset.done $0x0  }
0x1a: {  	[sflag:s12] =	ssyncadd.s32 $0xFFFFE400  }
0x1b: {  	s13 =	simm.s32 $0x1C00;
	s11 =	rddreg [dreg:$0x2]  }
0x1c: {  	[tilespmem:s13], [sflag:$0x7] =	stream.linear.gather [hbm4b:s11+s5], $0x3200, $0x38;
	[tilespmem:$0x1D000] =	vst v63  }
0x1d: {  	_ =	swait.ge [sflag:s12], $0x3200  }
0x1e: {  	[sflag:s12] =	ssyncset.done $0x0  }
0x1f: {  	s15 =	simm.s32 $0x5000;
	[sflag:s12] =	ssyncadd.s32 $0xFFFFCE00  }
0x20: {  	[tilespmem:s15], [sflag:$0x1] =	stream.indirect.gather [hbm4b:s1+s14], $0x80, s5, s14, $0xb8;
	[tilespmem:$0x1D000] =	vst v63  }
0x21: {  	s16 =	simm.s32 $0x9000  }
0x22: {  	[tilespmem:s16], [sflag:$0x2] =	stream.indirect.gather [hbm4b:s1+s14], $0x80, s14, s14, $0xb8;
	[tilespmem:$0x1D000] =	vst v63  }
0x23: {  	_ = 	snop  }
0x24: {  	[tilespmem:s18], [sflag:$0x3] =	stream.indirect.gather [hbm4b:s1+s14], $0x80, s17, s14, $0xb8;
	[tilespmem:$0x1D000] =	vst v63  }
0x25: {  	s31 =	simm.s32 $0x0  }
0x26: {  	[tilespmem:s20], [sflag:$0x4] =	stream.indirect.gather [hbm4b:s1+s14], $0x80, s19, s14, $0xb8;
	[tilespmem:$0x1D000] =	vst v63  }
.LBB2_2:
0x27: {  	p0 =	sne.s32 s31, $0xC  }
0x28: {  	s0 =	simm.s32 @!p0 $0x400;
	s2 =	simm.s32 @!p0 $0x8000;
	s3 =	simm.s32 @!p0 $0x0  }
0x29: {  	[tilespmem:s3], [sflag:$0x7] =	stream.strided.gather @!p0 [hbm4b:s7+s0], $0x1400, s2, s0, $0x38;
	[tilespmem:$0x1D000] =	vst v63  }
0x2a: {  	s0 =	sadd.s32 @!p0 $0x5000, s7;
	s2 =	simm.s32 @!p0 $0x1400  }
0x2b: {  	[tilespmem:s2], [sflag:$0x7] =	stream.linear.gather @!p0 [hbm4b:s0+s3], $0x200, $0x38;
	[tilespmem:$0x1D000] =	vst v63  }
0x2c: {  	s0 =	simm.s32 @!p0 $0x7  }
0x2d: {  	_ =	swait.ge @!p0 [sflag:s0], $0x1600  }
0x2e: {  	[sflag:s0] =	ssyncset.done @!p0 $0x0  }
0x2f: {  	[sflag:s0] =	ssyncadd.s32 @!p0 $0xFFFFEA00  }
0x30: {  	_ =	swait.ge [sflag:s21], $0x4000  }
0x31: {  	p1 =	seq.s32 s31, $0x0;
	[sflag:s21] =	ssyncset.done $0x0  }
0x32: {  	s0 =	simm.s32 @!p1 $0x5;
	[sflag:s21] =	ssyncadd.s32 $0xFFFFC000  }
0x33: {  	_ =	swait.ge @!p1 [sflag:s0], $0x4000  }
0x34: {  	s15 =	sshll.u32 s31, $0x9;
	[sflag:s0] =	ssyncset.done @!p1 $0x0  }
0x35: {  	s2 =	sand.u32 $0x3FFFFE00, s15;
	[sflag:s0] =	ssyncadd.s32 @!p1 $0xFFFFC000  }
0x36: {  	v5 =	vld [tilespmem:s2+$0x1C00]  }
0x37: {  	s16 =	simm.s32 $0x5100;
	v6 =	vld [tilespmem:s2+$0x1C10]  }
0x38: {  	v0 =	vld [tilespmem:s16+$0x80]  }
0x39: {  	v8 =	vld [tilespmem:s16+$0xFFFFFF80]  }
0x3a: {  	v7 =	vld [tilespmem:s2+$0x1C20]  }
0x3b: {  	v4 =	vld [tilespmem:s2+$0x1C30]  }
0x3c: {  	v3 =	vld [tilespmem:s2+$0x1C40]  }
0x3d: {  	v2 =	vld [tilespmem:s2+$0x1C50];
	v9 =	vmul.f32 $1.131370830e+01, v0  }
0x3e: {  	v1 =	vld [tilespmem:s2+$0x1C60];
	v8 =	vmul.f32 $1.131370830e+01, v8  }
0x3f: {  	v10 =	vld [tilespmem:s16+$0xFFFFFF00];
	v9 =	vadd.f32 v9, v5  }
0x40: {  	v0 =	vld [tilespmem:s2+$0x1C70];
	s2 =	simm.s32 $0x15100;
	v8 =	vadd.f32 v8, v5  }
0x41: {  	v11 =	vld [tilespmem:s16+$0x0];
	[tilespmem:s2+$0x80] =	vst v9  }
0x42: {  	[tilespmem:s2+$0xFFFFFF80] =	vst v8;
	v8 =	vld [tilespmem:s16+$0x90]  }
0x43: {  	v9 =	vld [tilespmem:s16+$0xFFFFFF90];
	_ =	sdelay $0x1  }
0x44: {  	v10 =	vmul.f32 $1.131370830e+01, v10  }
0x45: {  	v11 =	vmul.f32 $1.131370830e+01, v11  }
0x46: {  	v10 =	vadd.f32 v10, v5;
	v8 =	vmul.f32 $1.131370830e+01, v8  }
0x47: {  	v11 =	vadd.f32 v11, v5;
	v9 =	vmul.f32 $1.131370830e+01, v9  }
0x48: {  	[tilespmem:s2+$0xFFFFFF00] =	vst v10;
	v8 =	vadd.f32 v8, v6  }
0x49: {  	[tilespmem:s2+$0x0] =	vst v11;
	v10 =	vld [tilespmem:s16+$0xFFFFFF10];
	v9 =	vadd.f32 v9, v6  }
0x4a: {  	v11 =	vld [tilespmem:s16+$0x10];
	[tilespmem:s2+$0x90] =	vst v8  }
0x4b: {  	[tilespmem:s2+$0xFFFFFF90] =	vst v9;
	v8 =	vld [tilespmem:s16+$0xA0]  }
0x4c: {  	v9 =	vld [tilespmem:s16+$0xFFFFFFA0];
	_ =	sdelay $0x1  }
0x4d: {  	v10 =	vmul.f32 $1.131370830e+01, v10  }
0x4e: {  	v11 =	vmul.f32 $1.131370830e+01, v11  }
0x4f: {  	v10 =	vadd.f32 v10, v6;
	v8 =	vmul.f32 $1.131370830e+01, v8  }
0x50: {  	v11 =	vadd.f32 v11, v6;
	v9 =	vmul.f32 $1.131370830e+01, v9  }
0x51: {  	[tilespmem:s2+$0xFFFFFF10] =	vst v10;
	v8 =	vadd.f32 v8, v7  }
0x52: {  	[tilespmem:s2+$0x10] =	vst v11;
	v10 =	vld [tilespmem:s16+$0xFFFFFF20];
	v9 =	vadd.f32 v9, v7  }
0x53: {  	v11 =	vld [tilespmem:s16+$0x20];
	[tilespmem:s2+$0xA0] =	vst v8  }
0x54: {  	[tilespmem:s2+$0xFFFFFFA0] =	vst v9;
	v8 =	vld [tilespmem:s16+$0xB0]  }
0x55: {  	s10 =	simm.s32 $0x5300;
	v9 =	vld [tilespmem:s16+$0xFFFFFFB0]  }
0x56: {  	v12 =	vld [tilespmem:s10+$0x80]  }
0x57: {  	v13 =	vld [tilespmem:s10+$0xFFFFFF80];
	v10 =	vmul.f32 $1.131370830e+01, v10  }
0x58: {  	v11 =	vmul.f32 $1.131370830e+01, v11  }
0x59: {  	v10 =	vadd.f32 v10, v7;
	v8 =	vmul.f32 $1.131370830e+01, v8  }
0x5a: {  	v14 =	vld [tilespmem:s10+$0x0];
	v11 =	vadd.f32 v11, v7;
	v9 =	vmul.f32 $1.131370830e+01, v9  }
0x5b: {  	v12 =	vmul.f32 $1.131370830e+01, v12;
	[tilespmem:s2+$0xFFFFFF20] =	vst v10;
	v10 =	vld [tilespmem:s10+$0xFFFFFF00];
	v8 =	vadd.f32 v8, v4  }
0x5c: {  	v13 =	vmul.f32 $1.131370830e+01, v13;
	[tilespmem:s2+$0x20] =	vst v11;
	v11 =	vld [tilespmem:s16+$0xFFFFFF30];
	v9 =	vadd.f32 v9, v4  }
0x5d: {  	v12 =	vadd.f32 v12, v5;
	v15 =	vld [tilespmem:s16+$0x30];
	[tilespmem:s2+$0xB0] =	vst v8  }
0x5e: {  	s3 =	simm.s32 $0x15300;
	v8 =	vadd.f32 v13, v5;
	[tilespmem:s2+$0xFFFFFFB0] =	vst v9;
	v9 =	vld [tilespmem:s16+$0xC0]  }
0x5f: {  	[tilespmem:s3+$0x80] =	vst v12;
	v13 =	vmul.f32 $1.131370830e+01, v14;
	v12 =	vld [tilespmem:s16+$0xFFFFFFC0]  }
0x60: {  	v10 =	vmul.f32 $1.131370830e+01, v10;
	[tilespmem:s3+$0xFFFFFF80] =	vst v8;
	v8 =	vld [tilespmem:s10+$0x90]  }
0x61: {  	v11 =	vmul.f32 $1.131370830e+01, v11;
	v13 =	vadd.f32 v13, v5;
	v14 =	vld [tilespmem:s10+$0xFFFFFF90]  }
0x62: {  	v15 =	vmul.f32 $1.131370830e+01, v15;
	v10 =	vadd.f32 v10, v5  }
0x63: {  	v11 =	vadd.f32 v11, v4;
	[tilespmem:s3+$0x0] =	vst v13;
	v9 =	vmul.f32 $1.131370830e+01, v9  }
0x64: {  	[tilespmem:s3+$0xFFFFFF00] =	vst v10;
	v13 =	vadd.f32 v15, v4;
	v10 =	vld [tilespmem:s10+$0x10];
	v12 =	vmul.f32 $1.131370830e+01, v12  }
0x65: {  	[tilespmem:s2+$0xFFFFFF30] =	vst v11;
	v15 =	vld [tilespmem:s10+$0xFFFFFF10];
	v8 =	vmul.f32 $1.131370830e+01, v8;
	v9 =	vadd.f32 v9, v3  }
0x66: {  	v11 =	vld [tilespmem:s16+$0xFFFFFF40];
	[tilespmem:s2+$0x30] =	vst v13;
	v13 =	vmul.f32 $1.131370830e+01, v14;
	v12 =	vadd.f32 v12, v3  }
0x67: {  	v14 =	vld [tilespmem:s16+$0x40];
	v8 =	vadd.f32 v8, v6;
	[tilespmem:s2+$0xC0] =	vst v9  }
0x68: {  	v9 =	vadd.f32 v13, v6;
	[tilespmem:s2+$0xFFFFFFC0] =	vst v12;
	v12 =	vld [tilespmem:s16+$0xD0]  }
0x69: {  	v10 =	vmul.f32 $1.131370830e+01, v10;
	[tilespmem:s3+$0x90] =	vst v8;
	v8 =	vld [tilespmem:s16+$0xFFFFFFD0]  }
0x6a: {  	v13 =	vmul.f32 $1.131370830e+01, v15;
	[tilespmem:s3+$0xFFFFFF90] =	vst v9;
	v9 =	vld [tilespmem:s10+$0xA0]  }
0x6b: {  	v11 =	vmul.f32 $1.131370830e+01, v11;
	v10 =	vadd.f32 v10, v6;
	v15 =	vld [tilespmem:s10+$0xFFFFFFA0]  }
0x6c: {  	v13 =	vadd.f32 v13, v6;
	v14 =	vmul.f32 $1.131370830e+01, v14  }
0x6d: {  	[tilespmem:s3+$0x10] =	vst v10;
	v10 =	vadd.f32 v11, v3;
	v11 =	vmul.f32 $1.131370830e+01, v12  }
0x6e: {  	[tilespmem:s3+$0xFFFFFF10] =	vst v13;
	v13 =	vadd.f32 v14, v3;
	v12 =	vld [tilespmem:s10+$0x20];
	v8 =	vmul.f32 $1.131370830e+01, v8  }
0x6f: {  	v14 =	vld [tilespmem:s10+$0xFFFFFF20];
	[tilespmem:s2+$0xFFFFFF40] =	vst v10;
	v9 =	vmul.f32 $1.131370830e+01, v9;
	v10 =	vadd.f32 v11, v2  }
0x70: {  	[tilespmem:s2+$0x40] =	vst v13;
	v11 =	vld [tilespmem:s16+$0xFFFFFF50];
	v13 =	vmul.f32 $1.131370830e+01, v15;
	v8 =	vadd.f32 v8, v2  }
0x71: {  	v15 =	vld [tilespmem:s16+$0x50];
	v9 =	vadd.f32 v9, v7;
	[tilespmem:s2+$0xD0] =	vst v10  }
0x72: {  	v10 =	vadd.f32 v13, v7;
	[tilespmem:s2+$0xFFFFFFD0] =	vst v8;
	v8 =	vld [tilespmem:s16+$0xE0]  }
0x73: {  	v12 =	vmul.f32 $1.131370830e+01, v12;
	[tilespmem:s3+$0xA0] =	vst v9;
	v9 =	vld [tilespmem:s16+$0xFFFFFFE0]  }
0x74: {  	v13 =	vmul.f32 $1.131370830e+01, v14;
	[tilespmem:s3+$0xFFFFFFA0] =	vst v10;
	v10 =	vld [tilespmem:s10+$0xB0]  }
0x75: {  	s11 =	simm.s32 $0x5500;
	v12 =	vadd.f32 v12, v7;
	v11 =	vmul.f32 $1.131370830e+01, v11;
	v14 =	vld [tilespmem:s10+$0xFFFFFFB0]  }
0x76: {  	v16 =	vld [tilespmem:s11+$0x80];
	v13 =	vadd.f32 v13, v7;
	v15 =	vmul.f32 $1.131370830e+01, v15  }
0x77: {  	[tilespmem:s3+$0x20] =	vst v12;
	v11 =	vadd.f32 v11, v2;
	v12 =	vld [tilespmem:s11+$0xFFFFFF80];
	v8 =	vmul.f32 $1.131370830e+01, v8  }
0x78: {  	[tilespmem:s3+$0xFFFFFF20] =	vst v13;
	v13 =	vadd.f32 v15, v2;
	v15 =	vld [tilespmem:s11+$0x0];
	v9 =	vmul.f32 $1.131370830e+01, v9  }
0x79: {  	[tilespmem:s2+$0xFFFFFF50] =	vst v11;
	v11 =	vld [tilespmem:s11+$0xFFFFFF00];
	v10 =	vmul.f32 $1.131370830e+01, v10;
	v8 =	vadd.f32 v8, v1  }
0x7a: {  	[tilespmem:s2+$0x50] =	vst v13;
	v13 =	vld [tilespmem:s10+$0xFFFFFF30];
	v14 =	vmul.f32 $1.131370830e+01, v14;
	v9 =	vadd.f32 v9, v1  }
0x7b: {  	v16 =	vmul.f32 $1.131370830e+01, v16;
	v17 =	vld [tilespmem:s10+$0x30];
	v10 =	vadd.f32 v10, v4;
	[tilespmem:s2+$0xE0] =	vst v8  }
0x7c: {  	v8 =	vmul.f32 $1.131370830e+01, v12;
	v12 =	vadd.f32 v14, v4;
	[tilespmem:s2+$0xFFFFFFE0] =	vst v9;
	v9 =	vld [tilespmem:s16+$0xF0]  }
0x7d: {  	v14 =	vmul.f32 $1.131370830e+01, v15;
	v15 =	vadd.f32 v16, v5;
	[tilespmem:s3+$0xB0] =	vst v10;
	v10 =	vld [tilespmem:s16+$0xFFFFFF60]  }
0x7e: {  	s13 =	simm.s32 $0x15500;
	v11 =	vmul.f32 $1.131370830e+01, v11;
	v8 =	vadd.f32 v8, v5;
	[tilespmem:s3+$0xFFFFFFB0] =	vst v12;
	v12 =	vld [tilespmem:s10+$0xC0]  }
0x7f: {  	v14 =	vadd.f32 v14, v5;
	[tilespmem:s13+$0x80] =	vst v15;
	v13 =	vmul.f32 $1.131370830e+01, v13;
	v15 =	vld [tilespmem:s10+$0xFFFFFFC0]  }
0x80: {  	v16 =	vmul.f32 $1.131370830e+01, v17;
	v11 =	vadd.f32 v11, v5;
	[tilespmem:s13+$0xFFFFFF80] =	vst v8;
	v8 =	vld [tilespmem:s11+$0x90]  }
0x81: {  	[tilespmem:s13+$0x0] =	vst v14;
	v13 =	vadd.f32 v13, v4;
	v17 =	vld [tilespmem:s11+$0xFFFFFF90];
	v9 =	vmul.f32 $1.131370830e+01, v9  }
0x82: {  	v14 =	vadd.f32 v16, v4;
	[tilespmem:s13+$0xFFFFFF00] =	vst v11;
	v11 =	vld [tilespmem:s11+$0x10];
	v10 =	vmul.f32 $1.131370830e+01, v10  }
0x83: {  	[tilespmem:s3+$0xFFFFFF30] =	vst v13;
	v16 =	vld [tilespmem:s11+$0xFFFFFF10];
	v12 =	vmul.f32 $1.131370830e+01, v12;
	v9 =	vadd.f32 v9, v0  }
0x84: {  	[tilespmem:s3+$0x30] =	vst v14;
	v13 =	vld [tilespmem:s10+$0xFFFFFF40];
	v15 =	vmul.f32 $1.131370830e+01, v15;
	v10 =	vadd.f32 v10, v1  }
0x85: {  	v14 =	vld [tilespmem:s10+$0x40];
	v8 =	vmul.f32 $1.131370830e+01, v8;
	v12 =	vadd.f32 v12, v3;
	[tilespmem:s2+$0xF0] =	vst v9  }
0x86: {  	v9 =	vmul.f32 $1.131370830e+01, v17;
	v15 =	vadd.f32 v15, v3;
	[tilespmem:s2+$0xFFFFFF60] =	vst v10;
	v10 =	vld [tilespmem:s16+$0x60]  }
0x87: {  	v11 =	vmul.f32 $1.131370830e+01, v11;
	v8 =	vadd.f32 v8, v6;
	[tilespmem:s3+$0xC0] =	vst v12;
	v12 =	vld [tilespmem:s16+$0xFFFFFF70]  }
0x88: {  	v16 =	vmul.f32 $1.131370830e+01, v16;
	v9 =	vadd.f32 v9, v6;
	[tilespmem:s3+$0xFFFFFFC0] =	vst v15;
	v15 =	vld [tilespmem:s10+$0xD0]  }
0x89: {  	v11 =	vadd.f32 v11, v6;
	[tilespmem:s13+$0x90] =	vst v8;
	v8 =	vmul.f32 $1.131370830e+01, v13;
	v13 =	vld [tilespmem:s10+$0xFFFFFFD0]  }
0x8a: {  	v14 =	vmul.f32 $1.131370830e+01, v14;
	v16 =	vadd.f32 v16, v6;
	[tilespmem:s13+$0xFFFFFF90] =	vst v9;
	v9 =	vld [tilespmem:s11+$0xA0]  }
0x8b: {  	v17 =	vld [tilespmem:s11+$0xFFFFFFA0];
	[tilespmem:s13+$0x10] =	vst v11;
	v8 =	vadd.f32 v8, v3;
	v10 =	vmul.f32 $1.131370830e+01, v10  }
0x8c: {  	v14 =	vadd.f32 v14, v3;
	[tilespmem:s13+$0xFFFFFF10] =	vst v16;
	v11 =	vld [tilespmem:s11+$0x20];
	v12 =	vmul.f32 $1.131370830e+01, v12  }
0x8d: {  	v16 =	vld [tilespmem:s11+$0xFFFFFF20];
	[tilespmem:s3+$0xFFFFFF40] =	vst v8;
	v8 =	vmul.f32 $1.131370830e+01, v15;
	v10 =	vadd.f32 v10, v1  }
0x8e: {  	[tilespmem:s3+$0x40] =	vst v14;
	v15 =	vld [tilespmem:s10+$0xFFFFFF50];
	v13 =	vmul.f32 $1.131370830e+01, v13;
	v12 =	vadd.f32 v12, v0  }
0x8f: {  	v18 =	vld [tilespmem:s10+$0x50];
	v9 =	vmul.f32 $1.131370830e+01, v9;
	v8 =	vadd.f32 v8, v2;
	[tilespmem:s2+$0x60] =	vst v10  }
0x90: {  	v10 =	vmul.f32 $1.131370830e+01, v17;
	v13 =	vadd.f32 v13, v2;
	[tilespmem:s2+$0xFFFFFF70] =	vst v12;
	v17 =	vld [tilespmem:s16+$0xFFFFFFF0]  }
0x91: {  	v12 =	vmul.f32 $1.131370830e+01, v11;
	v9 =	vadd.f32 v9, v7;
	[tilespmem:s3+$0xD0] =	vst v8;
	v8 =	vld [tilespmem:s16+$0x70]  }
0x92: {  	v14 =	vmul.f32 $1.131370830e+01, v16;
	v19 =	vadd.f32 v10, v7;
	[tilespmem:s3+$0xFFFFFFD0] =	vst v13;
	v11 =	vld [tilespmem:s10+$0xE0]  }
0x93: {  	v13 =	vadd.f32 v12, v7;
	[tilespmem:s13+$0xA0] =	vst v9;
	v9 =	vmul.f32 $1.131370830e+01, v15;
	v10 =	vld [tilespmem:s10+$0xFFFFFFE0]  }
0x94: {  	v12 =	vmul.f32 $1.131370830e+01, v18;
	v16 =	vadd.f32 v14, v7;
	[tilespmem:s13+$0xFFFFFFA0] =	vst v19;
	v14 =	vld [tilespmem:s11+$0xB0]  }
0x95: {  	s15 =	simm.s32 $0x8;
	s0 =	sshll.u32 s31, $0x2;
	s16 =	simm.s32 $0x5700;
	v15 =	vld [tilespmem:s11+$0xFFFFFFB0];
	[tilespmem:s13+$0x20] =	vst v13;
	v13 =	vadd.f32 v9, v2;
	v9 =	vmul.f32 $1.131370830e+01, v17  }
.LBB2_3:
0x96: {  	v17 =	vld [tilespmem:s16+$0x80];
	s15 =	sadd.s32 $0x4, s15;
	[tilespmem:s13+$0xFFFFFF20] =	vst v16;
	v12 =	vadd.f32 v12, v2;
	v8 =	vmul.f32 $1.131370830e+01, v8  }
0x97: {  	v16 =	vld [tilespmem:s16+$0xFFFFFF80];
	p0 =	slt.u32 s15, $0x7C;
	[tilespmem:s3+$0xFFFFFF50] =	vst v13;
	v11 =	vmul.f32 $1.131370830e+01, v11;
	v9 =	vadd.f32 v9, v0  }
0x98: {  	v13 =	vld [tilespmem:s16+$0x0];
	v10 =	vmul.f32 $1.131370830e+01, v10;
	[tilespmem:s3+$0x50] =	vst v12;
	v8 =	vadd.f32 v8, v0  }
0x99: {  	v12 =	vld [tilespmem:s16+$0xFFFFFF00];
	v14 =	vmul.f32 $1.131370830e+01, v14;
	v11 =	vadd.f32 v11, v1;
	[tilespmem:s2+$0xFFFFFFF0] =	vst v9  }
0x9a: {  	v9 =	vld [tilespmem:s11+$0xFFFFFF30];
	v15 =	vmul.f32 $1.131370830e+01, v15;
	v10 =	vadd.f32 v10, v1;
	[tilespmem:s2+$0x70] =	vst v8;
	s2 =	smov.u32 s3;
	s3 =	smov.u32 s13  }
0x9b: {  	v8 =	vmul.f32 $1.131370830e+01, v17;
	v17 =	vld [tilespmem:s11+$0x30];
	v14 =	vadd.f32 v14, v4;
	[tilespmem:s2+$0xE0] =	vst v11  }
0x9c: {  	v11 =	vmul.f32 $1.131370830e+01, v16;
	v15 =	vadd.f32 v15, v4;
	[tilespmem:s2+$0xFFFFFFE0] =	vst v10;
	v10 =	vld [tilespmem:s10+$0xF0]  }
0x9d: {  	v13 =	vmul.f32 $1.131370830e+01, v13;
	v8 =	vadd.f32 v8, v5;
	[tilespmem:s13+$0xB0] =	vst v14;
	v14 =	vld [tilespmem:s10+$0xFFFFFF60]  }
0x9e: {  	s13 =	sadd.s32 $0x200, s13;
	v12 =	vmul.f32 $1.131370830e+01, v12;
	v11 =	vadd.f32 v11, v5;
	[tilespmem:s3+$0xFFFFFFB0] =	vst v15;
	v15 =	vld [tilespmem:s11+$0xC0]  }
0x9f: {  	v13 =	vadd.f32 v13, v5;
	[tilespmem:s13+$0x80] =	vst v8;
	v8 =	vmul.f32 $1.131370830e+01, v9;
	v9 =	vld [tilespmem:s11+$0xFFFFFFC0]  }
0xa0: {  	v12 =	vadd.f32 v12, v5;
	[tilespmem:s13+$0xFFFFFF80] =	vst v11;
	v11 =	vld [tilespmem:s16+$0x90];
	v16 =	vmul.f32 $1.131370830e+01, v17  }
0xa1: {  	v17 =	vld [tilespmem:s16+$0xFFFFFF90];
	[tilespmem:s13+$0x0] =	vst v13;
	v8 =	vadd.f32 v8, v4;
	v10 =	vmul.f32 $1.131370830e+01, v10  }
0xa2: {  	[tilespmem:s13+$0xFFFFFF00] =	vst v12;
	v12 =	vld [tilespmem:s16+$0x10];
	v13 =	vadd.f32 v16, v4;
	v14 =	vmul.f32 $1.131370830e+01, v14  }
0xa3: {  	v16 =	vld [tilespmem:s16+$0xFFFFFF10];
	[tilespmem:s3+$0xFFFFFF30] =	vst v8;
	v8 =	vmul.f32 $1.131370830e+01, v15;
	v10 =	vadd.f32 v10, v0  }
0xa4: {  	v15 =	vld [tilespmem:s11+$0xFFFFFF40];
	v9 =	vmul.f32 $1.131370830e+01, v9;
	[tilespmem:s3+$0x30] =	vst v13;
	v13 =	vadd.f32 v14, v1  }
0xa5: {  	v11 =	vmul.f32 $1.131370830e+01, v11;
	v14 =	vld [tilespmem:s11+$0x40];
	v8 =	vadd.f32 v8, v3;
	[tilespmem:s2+$0xF0] =	vst v10  }
0xa6: {  	v10 =	vmul.f32 $1.131370830e+01, v17;
	v9 =	vadd.f32 v9, v3;
	[tilespmem:s2+$0xFFFFFF60] =	vst v13;
	v13 =	vld [tilespmem:s10+$0x60]  }
0xa7: {  	v12 =	vmul.f32 $1.131370830e+01, v12;
	v11 =	vadd.f32 v11, v6;
	[tilespmem:s3+$0xC0] =	vst v8;
	v8 =	vld [tilespmem:s10+$0xFFFFFF70]  }
0xa8: {  	v16 =	vmul.f32 $1.131370830e+01, v16;
	v10 =	vadd.f32 v10, v6;
	[tilespmem:s3+$0xFFFFFFC0] =	vst v9;
	v9 =	vld [tilespmem:s11+$0xD0]  }
0xa9: {  	v12 =	vadd.f32 v12, v6;
	[tilespmem:s13+$0x90] =	vst v11;
	v11 =	vmul.f32 $1.131370830e+01, v15;
	v15 =	vld [tilespmem:s11+$0xFFFFFFD0]  }
0xaa: {  	v16 =	vadd.f32 v16, v6;
	[tilespmem:s13+$0xFFFFFF90] =	vst v10;
	v10 =	vld [tilespmem:s16+$0xA0];
	v14 =	vmul.f32 $1.131370830e+01, v14  }
0xab: {  	v17 =	vld [tilespmem:s16+$0xFFFFFFA0];
	[tilespmem:s13+$0x10] =	vst v12;
	v11 =	vadd.f32 v11, v3;
	v12 =	vmul.f32 $1.131370830e+01, v13  }
0xac: {  	[tilespmem:s13+$0xFFFFFF10] =	vst v16;
	v13 =	vld [tilespmem:s16+$0x20];
	v14 =	vadd.f32 v14, v3;
	v8 =	vmul.f32 $1.131370830e+01, v8  }
0xad: {  	v16 =	vld [tilespmem:s16+$0xFFFFFF20];
	[tilespmem:s3+$0xFFFFFF40] =	vst v11;
	v9 =	vmul.f32 $1.131370830e+01, v9;
	v11 =	vadd.f32 v12, v1  }
0xae: {  	v12 =	vld [tilespmem:s11+$0xFFFFFF50];
	v15 =	vmul.f32 $1.131370830e+01, v15;
	[tilespmem:s3+$0x40] =	vst v14;
	v8 =	vadd.f32 v8, v0  }
0xaf: {  	v10 =	vmul.f32 $1.131370830e+01, v10;
	v18 =	vld [tilespmem:s11+$0x50];
	v9 =	vadd.f32 v9, v2;
	[tilespmem:s2+$0x60] =	vst v11  }
0xb0: {  	v11 =	vmul.f32 $1.131370830e+01, v17;
	v14 =	vadd.f32 v15, v2;
	[tilespmem:s2+$0xFFFFFF70] =	vst v8;
	v17 =	vld [tilespmem:s10+$0xFFFFFFF0]  }
.Ltmp2:
0xb1: {  	v13 =	vmul.f32 $1.131370830e+01, v13;
	v10 =	vadd.f32 v10, v7;
	[tilespmem:s3+$0xD0] =	vst v9;
	v8 =	vld [tilespmem:s10+$0x70];
	s10 =	smov.u32 s11;
	s11 =	smov.u32 s16;
	(pc) =	sbr.rel @p0 .LBB2_3-.Ltmp2, $4  }
0xb2: {  	v9 =	vmul.f32 $1.131370830e+01, v16;
	v15 =	vadd.f32 v11, v7;
	[tilespmem:s3+$0xFFFFFFD0] =	vst v14;
	v11 =	vld [tilespmem:s10+$0xE0]  }
0xb3: {  	v13 =	vadd.f32 v13, v7;
	[tilespmem:s13+$0xA0] =	vst v10;
	v19 =	vmul.f32 $1.131370830e+01, v12;
	v10 =	vld [tilespmem:s10+$0xFFFFFFE0]  }
0xb4: {  	v16 =	vadd.f32 v9, v7;
	[tilespmem:s13+$0xFFFFFFA0] =	vst v15;
	v14 =	vld [tilespmem:s16+$0xB0];
	v12 =	vmul.f32 $1.131370830e+01, v18  }
0xb5: {  	s16 =	sadd.s32 $0x200, s16;
	v15 =	vld [tilespmem:s11+$0xFFFFFFB0];
	[tilespmem:s13+$0x20] =	vst v13;
	v13 =	vadd.f32 v19, v2;
	v9 =	vmul.f32 $1.131370830e+01, v17  }
0xb6: {  	[tilespmem:s13+$0xFFFFFF20] =	vst v16  }
0xb7: {  	v5 =	vld [tilespmem:s11+$0xFFFFFF30]  }
0xb8: {  	v6 =	vld [tilespmem:s11+$0x30];
	_ =	sdelay $0x1  }
0xb9: {  	v7 =	vmul.f32 $1.131370830e+01, v14  }
0xba: {  	v14 =	vmul.f32 $1.131370830e+01, v15  }
0xbb: {  	v7 =	vadd.f32 v7, v4;
	v5 =	vmul.f32 $1.131370830e+01, v5  }
0xbc: {  	v6 =	vmul.f32 $1.131370830e+01, v6;
	v14 =	vadd.f32 v14, v4  }
0xbd: {  	[tilespmem:s13+$0xB0] =	vst v7;
	v5 =	vadd.f32 v5, v4  }
0xbe: {  	v7 =	vld [tilespmem:s11+$0xC0];
	v4 =	vadd.f32 v6, v4;
	[tilespmem:s13+$0xFFFFFFB0] =	vst v14  }
0xbf: {  	v6 =	vld [tilespmem:s11+$0xFFFFFFC0];
	[tilespmem:s13+$0xFFFFFF30] =	vst v5  }
0xc0: {  	[tilespmem:s13+$0x30] =	vst v4;
	v5 =	vld [tilespmem:s11+$0xFFFFFF40]  }
0xc1: {  	v4 =	vld [tilespmem:s11+$0x40];
	_ =	sdelay $0x1  }
0xc2: {  	v7 =	vmul.f32 $1.131370830e+01, v7  }
0xc3: {  	v6 =	vmul.f32 $1.131370830e+01, v6  }
0xc4: {  	v7 =	vadd.f32 v7, v3;
	v5 =	vmul.f32 $1.131370830e+01, v5  }
0xc5: {  	v4 =	vmul.f32 $1.131370830e+01, v4;
	v6 =	vadd.f32 v6, v3  }
0xc6: {  	[tilespmem:s13+$0xC0] =	vst v7;
	v5 =	vadd.f32 v5, v3  }
0xc7: {  	v7 =	vld [tilespmem:s11+$0xD0];
	v3 =	vadd.f32 v4, v3;
	[tilespmem:s13+$0xFFFFFFC0] =	vst v6  }
0xc8: {  	[tilespmem:s13+$0xFFFFFF40] =	vst v5;
	v5 =	vld [tilespmem:s11+$0xFFFFFFD0]  }
0xc9: {  	[tilespmem:s13+$0x40] =	vst v3;
	v4 =	vld [tilespmem:s11+$0xFFFFFF50]  }
0xca: {  	v3 =	vld [tilespmem:s11+$0x50];
	_ =	sdelay $0x1  }
0xcb: {  	v6 =	vmul.f32 $1.131370830e+01, v7  }
0xcc: {  	[tilespmem:s3+$0xFFFFFF50] =	vst v13;
	v7 =	vadd.f32 v12, v2;
	v5 =	vmul.f32 $1.131370830e+01, v5  }
0xcd: {  	v12 =	vld [tilespmem:s10+$0xFFFFFF60];
	v6 =	vadd.f32 v6, v2;
	v4 =	vmul.f32 $1.131370830e+01, v4  }
0xce: {  	[tilespmem:s3+$0x50] =	vst v7;
	v3 =	vmul.f32 $1.131370830e+01, v3;
	v5 =	vadd.f32 v5, v2  }
0xcf: {  	v7 =	vld [tilespmem:s10+$0x60];
	[tilespmem:s13+$0xD0] =	vst v6;
	v4 =	vadd.f32 v4, v2  }
0xd0: {  	v6 =	vld [tilespmem:s11+$0xE0];
	v2 =	vadd.f32 v3, v2;
	[tilespmem:s13+$0xFFFFFFD0] =	vst v5  }
0xd1: {  	v3 =	vmul.f32 $1.131370830e+01, v11;
	[tilespmem:s13+$0xFFFFFF50] =	vst v4;
	v11 =	vld [tilespmem:s11+$0xFFFFFFE0]  }
0xd2: {  	v5 =	vmul.f32 $1.131370830e+01, v12;
	[tilespmem:s13+$0x50] =	vst v2;
	v4 =	vld [tilespmem:s11+$0xFFFFFF60]  }
0xd3: {  	v2 =	vmul.f32 $1.131370830e+01, v10;
	v3 =	vadd.f32 v3, v1;
	v10 =	vld [tilespmem:s11+$0x60]  }
0xd4: {  	v5 =	vadd.f32 v5, v1;
	v7 =	vmul.f32 $1.131370830e+01, v7  }
0xd5: {  	v2 =	vadd.f32 v2, v1;
	[tilespmem:s3+$0xE0] =	vst v3;
	v3 =	vmul.f32 $1.131370830e+01, v6  }
0xd6: {  	[tilespmem:s3+$0xFFFFFF60] =	vst v5;
	v5 =	vadd.f32 v7, v1;
	v7 =	vmul.f32 $1.131370830e+01, v11  }
0xd7: {  	v6 =	vld [tilespmem:s10+$0xF0];
	[tilespmem:s3+$0xFFFFFFE0] =	vst v2;
	v3 =	vadd.f32 v3, v1;
	v4 =	vmul.f32 $1.131370830e+01, v4  }
0xd8: {  	v2 =	vld [tilespmem:s10+$0xFFFFFF70];
	[tilespmem:s3+$0x60] =	vst v5;
	v10 =	vmul.f32 $1.131370830e+01, v10;
	v7 =	vadd.f32 v7, v1  }
0xd9: {  	v5 =	vld [tilespmem:s10+$0xFFFFFFF0];
	[tilespmem:s13+$0xE0] =	vst v3;
	v4 =	vadd.f32 v4, v1  }
0xda: {  	v11 =	vld [tilespmem:s10+$0x70];
	v1 =	vadd.f32 v10, v1;
	[tilespmem:s13+$0xFFFFFFE0] =	vst v7  }
0xdb: {  	v3 =	vmul.f32 $1.131370830e+01, v8;
	v8 =	vld [tilespmem:s11+$0xF0];
	[tilespmem:s13+$0xFFFFFF60] =	vst v4  }
0xdc: {  	[tilespmem:s13+$0x60] =	vst v1;
	v1 =	vld [tilespmem:s11+$0xFFFFFFF0]  }
0xdd: {  	v6 =	vmul.f32 $1.131370830e+01, v6;
	v4 =	vadd.f32 v9, v0;
	v7 =	vld [tilespmem:s11+$0xFFFFFF70]  }
0xde: {  	v3 =	vadd.f32 v3, v0;
	v2 =	vmul.f32 $1.131370830e+01, v2  }
0xdf: {  	v5 =	vmul.f32 $1.131370830e+01, v5;
	[tilespmem:s2+$0xFFFFFFF0] =	vst v4;
	v4 =	vadd.f32 v6, v0;
	v6 =	vld [tilespmem:s11+$0x70]  }
0xe0: {  	[tilespmem:s2+$0x70] =	vst v3;
	v2 =	vadd.f32 v2, v0;
	v3 =	vmul.f32 $1.131370830e+01, v11  }
0xe1: {  	p0 =	seq.s32 s31, $0x18;
	[tilespmem:s3+$0xF0] =	vst v4;
	v4 =	vadd.f32 v5, v0;
	v5 =	vmul.f32 $1.131370830e+01, v8  }
0xe2: {  	s2 =	sadd.s32 @!p0 $0x4, s0;
	[tilespmem:s3+$0xFFFFFF70] =	vst v2;
	v2 =	vadd.f32 v3, v0;
	v1 =	vmul.f32 $1.131370830e+01, v1;
	v3 =	vmul.f32 $1.131370830e+01, v7  }
0xe3: {  	s10 =	smulhi.u32 @!p0 $0x92492493, s2;
	[tilespmem:s3+$0xFFFFFFF0] =	vst v4;
	v4 =	vadd.f32 v5, v0  }
0xe4: {  	[tilespmem:s3+$0x70] =	vst v2;
	v1 =	vadd.f32 v1, v0;
	v2 =	vadd.f32 v3, v0;
	v3 =	vmul.f32 $1.131370830e+01, v6  }
0xe5: {  	s11 =	sshll.u32 s31, $0x15;
	s10 =	sshrl.u32 @!p0 s10, $0x5;
	[tilespmem:s13+$0xF0] =	vst v4  }
0xe6: {  	s3 =	sor.u32 s8, s11;
	s10 =	smul.u32 @!p0 $0x38, s10;
	[tilespmem:s13+$0xFFFFFFF0] =	vst v1;
	v0 =	vadd.f32 v3, v0  }
0xe7: {  	s3 =	sshrl.u32 s3, $0x3;
	[tilespmem:s13+$0xFFFFFF70] =	vst v2  }
0xe8: {  	s3 =	sadd.s32 s4, s3;
	s2 =	ssub.s32 @!p0 s2, s10;
	[tilespmem:s13+$0x70] =	vst v0  }
0xe9: {  	[hbm4b:s3+s5] =	stream.linear.scatter [tilespmem:s22], [sflag:$0x5], $0x4000, $0x38;
	[tilespmem:$0x1D000] =	vst v63  }
0xea: {  	s10 =	simm.s32 @!p0 $0x5000;
	s2 =	sshll.u32 @!p0 s2, $0x7;
	s3 =	simm.s32 @!p0 $0x80  }
0xeb: {  	[tilespmem:s10], [sflag:$0x1] =	stream.indirect.gather @!p0 [hbm4b:s1+s3], $0x80, s2, s3, $0xb8;
	[tilespmem:$0x1D000] =	vst v63  }
0xec: {  	_ =	swait.ge [sflag:s23], $0x4000  }
0xed: {  	[sflag:s23] =	ssyncset.done $0x0  }
0xee: {  	s3 =	simm.s32 @!p1 $0x6;
	[sflag:s23] =	ssyncadd.s32 $0xFFFFC000  }
0xef: {  	s2 =	sor.u32 $0x1, s0;
	_ =	swait.ge @!p1 [sflag:s3], $0x4000  }
0xf0: {  	s15 =	sshll.u32 s2, $0x7;
	[sflag:s3] =	ssyncset.done @!p1 $0x0  }
0xf1: {  	s16 =	sand.u32 $0x3FFFFF80, s15;
	[sflag:s3] =	ssyncadd.s32 @!p1 $0xFFFFC000  }
0xf2: {  	v6 =	vld [tilespmem:s16+$0x1C00]  }
0xf3: {  	v5 =	vld [tilespmem:s16+$0x1C10]  }
0xf4: {  	v4 =	vld [tilespmem:s16+$0x1C20]  }
0xf5: {  	v3 =	vld [tilespmem:s16+$0x1C30]  }
0xf6: {  	v2 =	vld [tilespmem:s16+$0x1C40]  }
0xf7: {  	v1 =	vld [tilespmem:s16+$0x1C50]  }
0xf8: {  	v0 =	vld [tilespmem:s16+$0x1C60]  }
0xf9: {  	s3 =	simm.s32 $0x0;
	v7 =	vld [tilespmem:s16+$0x1C70]  }
0xfa: {  	v8 =	vld [tilespmem:s3+$0x91F0]  }
0xfb: {  	v9 =	vld [tilespmem:s3+$0x9000]  }
0xfc: {  	v10 =	vld [tilespmem:s3+$0x9010]  }
0xfd: {  	v11 =	vld [tilespmem:s3+$0x9020]  }
0xfe: {  	v12 =	vld [tilespmem:s3+$0x9030]  }
0xff: {  	v13 =	vld [tilespmem:s3+$0x9040];
	v8 =	vmul.f32 $1.131370830e+01, v8  }
0x100: {  	v14 =	vld [tilespmem:s3+$0x9050];
	v9 =	vmul.f32 $1.131370830e+01, v9  }
0x101: {  	v15 =	vld [tilespmem:s3+$0x9060];
	v10 =	vmul.f32 $1.131370830e+01, v10;
	v8 =	vadd.f32 v8, v7  }
0x102: {  	v16 =	vld [tilespmem:s3+$0x9070];
	v11 =	vmul.f32 $1.131370830e+01, v11;
	v9 =	vadd.f32 v9, v6  }
0x103: {  	v17 =	vld [tilespmem:s3+$0x9080];
	v12 =	vmul.f32 $1.131370830e+01, v12;
	v10 =	vadd.f32 v10, v5;
	[tilespmem:s3+$0x191F0] =	vst v8  }
0x104: {  	[tilespmem:s3+$0x19000] =	vst v9;
	v8 =	vadd.f32 v11, v4;
	v9 =	vmul.f32 $1.131370830e+01, v13;
	v11 =	vld [tilespmem:s3+$0x9090]  }
0x105: {  	[tilespmem:s3+$0x19010] =	vst v10;
	v10 =	vadd.f32 v12, v3;
	v12 =	vmul.f32 $1.131370830e+01, v14;
	v13 =	vld [tilespmem:s3+$0x90A0]  }
0x106: {  	v14 =	vld [tilespmem:s3+$0x90B0];
	[tilespmem:s3+$0x19020] =	vst v8;
	v8 =	vadd.f32 v9, v2;
	v9 =	vmul.f32 $1.131370830e+01, v15  }
0x107: {  	[tilespmem:s3+$0x19030] =	vst v10;
	v10 =	vadd.f32 v12, v1;
	v12 =	vmul.f32 $1.131370830e+01, v16;
	v15 =	vld [tilespmem:s3+$0x90C0]  }
0x108: {  	v16 =	vld [tilespmem:s3+$0x90D0];
	[tilespmem:s3+$0x19040] =	vst v8;
	v8 =	vadd.f32 v9, v0;
	v9 =	vmul.f32 $1.131370830e+01, v17  }
0x109: {  	[tilespmem:s3+$0x19050] =	vst v10;
	v10 =	vadd.f32 v12, v7;
	v12 =	vld [tilespmem:s3+$0x90E0];
	v11 =	vmul.f32 $1.131370830e+01, v11  }
0x10a: {  	[tilespmem:s3+$0x19060] =	vst v8;
	v8 =	vadd.f32 v9, v6;
	v9 =	vmul.f32 $1.131370830e+01, v13;
	v13 =	vld [tilespmem:s3+$0x90F0]  }
0x10b: {  	[tilespmem:s3+$0x19070] =	vst v10;
	v10 =	vadd.f32 v11, v5;
	v11 =	vmul.f32 $1.131370830e+01, v14;
	v14 =	vld [tilespmem:s3+$0x9100]  }
0x10c: {  	[tilespmem:s3+$0x19080] =	vst v8;
	v8 =	vadd.f32 v9, v4;
	v9 =	vmul.f32 $1.131370830e+01, v15;
	v15 =	vld [tilespmem:s3+$0x9110]  }
0x10d: {  	[tilespmem:s3+$0x19090] =	vst v10;
	v10 =	vadd.f32 v11, v3;
	v11 =	vmul.f32 $1.131370830e+01, v16;
	v16 =	vld [tilespmem:s3+$0x9120]  }
0x10e: {  	[tilespmem:s3+$0x190A0] =	vst v8;
	v8 =	vadd.f32 v9, v2;
	v9 =	vmul.f32 $1.131370830e+01, v12;
	v12 =	vld [tilespmem:s3+$0x9130]  }
0x10f: {  	[tilespmem:s3+$0x190B0] =	vst v10;
	v10 =	vadd.f32 v11, v1;
	v11 =	vmul.f32 $1.131370830e+01, v13;
	v13 =	vld [tilespmem:s3+$0x9140]  }
0x110: {  	[tilespmem:s3+$0x190C0] =	vst v8;
	v8 =	vadd.f32 v9, v0;
	v9 =	vmul.f32 $1.131370830e+01, v14;
	v14 =	vld [tilespmem:s3+$0x9150]  }
0x111: {  	[tilespmem:s3+$0x190D0] =	vst v10;
	v10 =	vadd.f32 v11, v7;
	v11 =	vmul.f32 $1.131370830e+01, v15;
	v15 =	vld [tilespmem:s3+$0x9160]  }
0x112: {  	[tilespmem:s3+$0x190E0] =	vst v8;
	v8 =	vadd.f32 v9, v6;
	v9 =	vmul.f32 $1.131370830e+01, v16;
	v16 =	vld [tilespmem:s3+$0x9170]  }
0x113: {  	v17 =	vld [tilespmem:s3+$0x9180];
	[tilespmem:s3+$0x190F0] =	vst v10;
	v10 =	vadd.f32 v11, v5;
	v12 =	vmul.f32 $1.131370830e+01, v12  }
0x114: {  	v11 =	vld [tilespmem:s3+$0x9190];
	[tilespmem:s3+$0x19100] =	vst v8;
	v9 =	vadd.f32 v9, v4;
	v13 =	vmul.f32 $1.131370830e+01, v13  }
0x115: {  	v8 =	vld [tilespmem:s3+$0x91A0];
	[tilespmem:s3+$0x19110] =	vst v10;
	v10 =	vadd.f32 v12, v3;
	v12 =	vmul.f32 $1.131370830e+01, v14  }
0x116: {  	[tilespmem:s3+$0x19120] =	vst v9;
	v13 =	vadd.f32 v13, v2;
	v14 =	vmul.f32 $1.131370830e+01, v15;
	v9 =	vld [tilespmem:s3+$0x91B0]  }
0x117: {  	[tilespmem:s3+$0x19130] =	vst v10;
	v15 =	vadd.f32 v12, v1;
	v10 =	vld [tilespmem:s3+$0x91C0];
	v16 =	vmul.f32 $1.131370830e+01, v16  }
0x118: {  	s11 =	simm.s32 $0x800;
	s10 =	simm.s32 $0x0;
	v12 =	vld [tilespmem:s3+$0x91D0];
	[tilespmem:s3+$0x19140] =	vst v13;
	v13 =	vadd.f32 v14, v0;
	v14 =	vmul.f32 $1.131370830e+01, v17  }
.LBB2_5:
0x119: {  	s13 =	sshra.s32 s11, $0x2;
	s10 =	sadd.s32 $0x4, s10;
	[tilespmem:s3+$0x19150] =	vst v15;
	v15 =	vadd.f32 v16, v7;
	v11 =	vmul.f32 $1.131370830e+01, v11;
	v16 =	vld [tilespmem:s3+$0x91E0]  }
0x11a: {  	v17 =	vld [tilespmem:s13+$0x91F0];
	p1 =	slt.u32 s10, $0x7C;
	[tilespmem:s3+$0x19160] =	vst v13;
	v13 =	vadd.f32 v14, v6;
	v8 =	vmul.f32 $1.131370830e+01, v8  }
0x11b: {  	v14 =	vld [tilespmem:s13+$0x9000];
	[tilespmem:s3+$0x19170] =	vst v15;
	v11 =	vadd.f32 v11, v5;
	v9 =	vmul.f32 $1.131370830e+01, v9  }
0x11c: {  	v15 =	vld [tilespmem:s13+$0x9010];
	[tilespmem:s3+$0x19180] =	vst v13;
	v8 =	vadd.f32 v8, v4;
	v10 =	vmul.f32 $1.131370830e+01, v10  }
0x11d: {  	v13 =	vld [tilespmem:s13+$0x9020];
	[tilespmem:s3+$0x19190] =	vst v11;
	v9 =	vadd.f32 v9, v3;
	v11 =	vmul.f32 $1.131370830e+01, v12  }
0x11e: {  	v12 =	vld [tilespmem:s13+$0x9030];
	[tilespmem:s3+$0x191A0] =	vst v8;
	v8 =	vadd.f32 v10, v2;
	v10 =	vmul.f32 $1.131370830e+01, v16  }
0x11f: {  	v16 =	vld [tilespmem:s13+$0x9040];
	v17 =	vmul.f32 $1.131370830e+01, v17;
	[tilespmem:s3+$0x191B0] =	vst v9;
	v9 =	vadd.f32 v11, v1  }
0x120: {  	v11 =	vmul.f32 $1.131370830e+01, v14;
	v14 =	vld [tilespmem:s13+$0x9050];
	[tilespmem:s3+$0x191C0] =	vst v8;
	v8 =	vadd.f32 v10, v0  }
0x121: {  	v10 =	vmul.f32 $1.131370830e+01, v15;
	v15 =	vld [tilespmem:s13+$0x9060];
	v17 =	vadd.f32 v17, v7;
	[tilespmem:s3+$0x191D0] =	vst v9  }
0x122: {  	v9 =	vadd.f32 v11, v6;
	v11 =	vmul.f32 $1.131370830e+01, v13;
	v13 =	vld [tilespmem:s13+$0x9070];
	[tilespmem:s3+$0x191E0] =	vst v8;
	s3 =	smov.u32 s13  }
0x123: {  	v8 =	vadd.f32 v10, v5;
	v10 =	vmul.f32 $1.131370830e+01, v12;
	v12 =	vld [tilespmem:s3+$0x9080];
	[tilespmem:s3+$0x191F0] =	vst v17  }
0x124: {  	[tilespmem:s3+$0x19000] =	vst v9;
	v9 =	vadd.f32 v11, v4;
	v11 =	vmul.f32 $1.131370830e+01, v16;
	v16 =	vld [tilespmem:s3+$0x9090]  }
0x125: {  	[tilespmem:s3+$0x19010] =	vst v8;
	v8 =	vadd.f32 v10, v3;
	v10 =	vmul.f32 $1.131370830e+01, v14;
	v14 =	vld [tilespmem:s3+$0x90A0]  }
0x126: {  	[tilespmem:s3+$0x19020] =	vst v9;
	v9 =	vadd.f32 v11, v2;
	v11 =	vmul.f32 $1.131370830e+01, v15;
	v15 =	vld [tilespmem:s3+$0x90B0]  }
0x127: {  	[tilespmem:s3+$0x19030] =	vst v8;
	v8 =	vadd.f32 v10, v1;
	v10 =	vmul.f32 $1.131370830e+01, v13;
	v13 =	vld [tilespmem:s3+$0x90C0]  }
0x128: {  	[tilespmem:s3+$0x19040] =	vst v9;
	v9 =	vadd.f32 v11, v0;
	v11 =	vmul.f32 $1.131370830e+01, v12;
	v12 =	vld [tilespmem:s3+$0x90D0]  }
0x129: {  	[tilespmem:s3+$0x19050] =	vst v8;
	v8 =	vadd.f32 v10, v7;
	v10 =	vmul.f32 $1.131370830e+01, v16;
	v16 =	vld [tilespmem:s3+$0x90E0]  }
0x12a: {  	[tilespmem:s3+$0x19060] =	vst v9;
	v9 =	vadd.f32 v11, v6;
	v11 =	vmul.f32 $1.131370830e+01, v14;
	v14 =	vld [tilespmem:s3+$0x90F0]  }
0x12b: {  	[tilespmem:s3+$0x19070] =	vst v8;
	v8 =	vadd.f32 v10, v5;
	v10 =	vmul.f32 $1.131370830e+01, v15;
	v15 =	vld [tilespmem:s3+$0x9100]  }
0x12c: {  	[tilespmem:s3+$0x19080] =	vst v9;
	v9 =	vadd.f32 v11, v4;
	v11 =	vmul.f32 $1.131370830e+01, v13;
	v13 =	vld [tilespmem:s3+$0x9110]  }
0x12d: {  	[tilespmem:s3+$0x19090] =	vst v8;
	v8 =	vadd.f32 v10, v3;
	v10 =	vmul.f32 $1.131370830e+01, v12;
	v12 =	vld [tilespmem:s3+$0x9120]  }
0x12e: {  	[tilespmem:s3+$0x190A0] =	vst v9;
	v9 =	vadd.f32 v11, v2;
	v11 =	vmul.f32 $1.131370830e+01, v16;
	v16 =	vld [tilespmem:s3+$0x9130]  }
0x12f: {  	[tilespmem:s3+$0x190B0] =	vst v8;
	v8 =	vadd.f32 v10, v1;
	v10 =	vmul.f32 $1.131370830e+01, v14;
	v14 =	vld [tilespmem:s3+$0x9140]  }
0x130: {  	[tilespmem:s3+$0x190C0] =	vst v9;
	v9 =	vadd.f32 v11, v0;
	v11 =	vmul.f32 $1.131370830e+01, v15;
	v15 =	vld [tilespmem:s3+$0x9150]  }
0x131: {  	[tilespmem:s3+$0x190D0] =	vst v8;
	v8 =	vadd.f32 v10, v7;
	v10 =	vmul.f32 $1.131370830e+01, v13;
	v13 =	vld [tilespmem:s3+$0x9160]  }
0x132: {  	[tilespmem:s3+$0x190E0] =	vst v9;
	v9 =	vadd.f32 v11, v6;
	v11 =	vmul.f32 $1.131370830e+01, v12;
	v12 =	vld [tilespmem:s3+$0x9170]  }
0x133: {  	[tilespmem:s3+$0x190F0] =	vst v8;
	v8 =	vadd.f32 v10, v5;
	v10 =	vmul.f32 $1.131370830e+01, v16;
	v17 =	vld [tilespmem:s3+$0x9180]  }
.Ltmp3:
0x134: {  	[tilespmem:s3+$0x19100] =	vst v9;
	v9 =	vadd.f32 v11, v4;
	v14 =	vmul.f32 $1.131370830e+01, v14;
	v11 =	vld [tilespmem:s3+$0x9190];
	(pc) =	sbr.rel @p1 .LBB2_5-.Ltmp3, $4  }
0x135: {  	[tilespmem:s3+$0x19110] =	vst v8;
	v10 =	vadd.f32 v10, v3;
	v15 =	vmul.f32 $1.131370830e+01, v15;
	v8 =	vld [tilespmem:s3+$0x91A0]  }
0x136: {  	[tilespmem:s3+$0x19120] =	vst v9;
	v14 =	vadd.f32 v14, v2;
	v13 =	vmul.f32 $1.131370830e+01, v13;
	v9 =	vld [tilespmem:s3+$0x91B0]  }
0x137: {  	[tilespmem:s3+$0x19130] =	vst v10;
	v15 =	vadd.f32 v15, v1;
	v16 =	vmul.f32 $1.131370830e+01, v12;
	v10 =	vld [tilespmem:s3+$0x91C0]  }
0x138: {  	s11 =	sadd.s32 $0x800, s11;
	[tilespmem:s3+$0x19140] =	vst v14;
	v13 =	vadd.f32 v13, v0;
	v14 =	vmul.f32 $1.131370830e+01, v17;
	v12 =	vld [tilespmem:s3+$0x91D0]  }
0x139: {  	[tilespmem:s3+$0x19150] =	vst v15;
	v7 =	vadd.f32 v16, v7;
	v11 =	vmul.f32 $1.131370830e+01, v11;
	v15 =	vld [tilespmem:s3+$0x91E0]  }
0x13a: {  	[tilespmem:s3+$0x19160] =	vst v13;
	v6 =	vadd.f32 v14, v6;
	v8 =	vmul.f32 $1.131370830e+01, v8  }
0x13b: {  	[tilespmem:s3+$0x19170] =	vst v7;
	v5 =	vadd.f32 v11, v5;
	v7 =	vmul.f32 $1.131370830e+01, v9  }
0x13c: {  	[tilespmem:s3+$0x19180] =	vst v6;
	v4 =	vadd.f32 v8, v4;
	v6 =	vmul.f32 $1.131370830e+01, v10  }
0x13d: {  	[tilespmem:s3+$0x19190] =	vst v5;
	v3 =	vadd.f32 v7, v3;
	v5 =	vmul.f32 $1.131370830e+01, v12  }
0x13e: {  	s10 =	sadd.s32 @!p0 $0x5, s0;
	[tilespmem:s3+$0x191A0] =	vst v4;
	v2 =	vadd.f32 v6, v2;
	v4 =	vmul.f32 $1.131370830e+01, v15  }
0x13f: {  	s2 =	sshll.u32 s2, $0x13;
	s11 =	smulhi.u32 @!p0 $0x92492493, s10;
	[tilespmem:s3+$0x191B0] =	vst v3;
	v1 =	vadd.f32 v5, v1  }
0x140: {  	s2 =	sor.u32 s8, s2;
	[tilespmem:s3+$0x191C0] =	vst v2;
	v0 =	vadd.f32 v4, v0  }
0x141: {  	s2 =	sshrl.u32 s2, $0x3;
	s11 =	sshrl.u32 @!p0 s11, $0x5;
	[tilespmem:s3+$0x191D0] =	vst v1  }
0x142: {  	s2 =	sadd.s32 s4, s2;
	[tilespmem:s3+$0x191E0] =	vst v0;
	s3 =	smul.u32 @!p0 $0x38, s11  }
0x143: {  	[hbm4b:s2+s5] =	stream.linear.scatter [tilespmem:s24], [sflag:$0x6], $0x4000, $0x38;
	[tilespmem:$0x1D000] =	vst v63  }
0x144: {  	s2 =	ssub.s32 @!p0 s10, s3  }
0x145: {  	s3 =	simm.s32 @!p0 $0x80;
	s10 =	simm.s32 @!p0 $0x9000;
	s2 =	sshll.u32 @!p0 s2, $0x7  }
0x146: {  	[tilespmem:s10], [sflag:$0x2] =	stream.indirect.gather @!p0 [hbm4b:s1+s3], $0x80, s2, s3, $0xb8;
	[tilespmem:$0x1D000] =	vst v63  }
0x147: {  	_ =	swait.ge [sflag:s25], $0x4000  }
0x148: {  	[sflag:s25] =	ssyncset.done $0x0  }
0x149: {  	[sflag:s25] =	ssyncadd.s32 $0xFFFFC000  }
0x14a: {  	s15 =	sor.u32 $0x2, s0;
	_ =	swait.ge [sflag:s26], $0x4000  }
0x14b: {  	s16 =	sshll.u32 s15, $0x7;
	[sflag:s26] =	ssyncset.done $0x0  }
0x14c: {  	s2 =	sand.u32 $0x3FFFFF80, s16;
	[sflag:s26] =	ssyncadd.s32 $0xFFFFC000  }
0x14d: {  	v6 =	vld [tilespmem:s2+$0x1C00]  }
0x14e: {  	v5 =	vld [tilespmem:s2+$0x1C10]  }
0x14f: {  	v4 =	vld [tilespmem:s2+$0x1C20]  }
0x150: {  	v3 =	vld [tilespmem:s2+$0x1C30]  }
0x151: {  	v2 =	vld [tilespmem:s2+$0x1C40]  }
0x152: {  	v1 =	vld [tilespmem:s2+$0x1C50]  }
0x153: {  	v0 =	vld [tilespmem:s2+$0x1C60]  }
0x154: {  	v7 =	vld [tilespmem:s2+$0x1C70];
	s2 =	simm.s32 $0x0  }
0x155: {  	v8 =	vld [tilespmem:s2+$0xD1F0]  }
0x156: {  	v9 =	vld [tilespmem:s2+$0xD000]  }
0x157: {  	v10 =	vld [tilespmem:s2+$0xD010]  }
0x158: {  	v11 =	vld [tilespmem:s2+$0xD020]  }
0x159: {  	v12 =	vld [tilespmem:s2+$0xD030]  }
0x15a: {  	v13 =	vld [tilespmem:s2+$0xD040];
	v8 =	vmul.f32 $1.131370830e+01, v8  }
0x15b: {  	v14 =	vld [tilespmem:s2+$0xD050];
	v9 =	vmul.f32 $1.131370830e+01, v9  }
0x15c: {  	v15 =	vld [tilespmem:s2+$0xD060];
	v10 =	vmul.f32 $1.131370830e+01, v10;
	v8 =	vadd.f32 v8, v7  }
0x15d: {  	v16 =	vld [tilespmem:s2+$0xD070];
	v11 =	vmul.f32 $1.131370830e+01, v11;
	v9 =	vadd.f32 v9, v6  }
0x15e: {  	v17 =	vld [tilespmem:s2+$0xD080];
	v12 =	vmul.f32 $1.131370830e+01, v12;
	v10 =	vadd.f32 v10, v5;
	[tilespmem:s2+$0x151F0] =	vst v8  }
0x15f: {  	[tilespmem:s2+$0x15000] =	vst v9;
	v8 =	vadd.f32 v11, v4;
	v9 =	vmul.f32 $1.131370830e+01, v13;
	v11 =	vld [tilespmem:s2+$0xD090]  }
0x160: {  	[tilespmem:s2+$0x15010] =	vst v10;
	v10 =	vadd.f32 v12, v3;
	v12 =	vmul.f32 $1.131370830e+01, v14;
	v13 =	vld [tilespmem:s2+$0xD0A0]  }
0x161: {  	v14 =	vld [tilespmem:s2+$0xD0B0];
	[tilespmem:s2+$0x15020] =	vst v8;
	v8 =	vadd.f32 v9, v2;
	v9 =	vmul.f32 $1.131370830e+01, v15  }
0x162: {  	[tilespmem:s2+$0x15030] =	vst v10;
	v10 =	vadd.f32 v12, v1;
	v12 =	vmul.f32 $1.131370830e+01, v16;
	v15 =	vld [tilespmem:s2+$0xD0C0]  }
0x163: {  	v16 =	vld [tilespmem:s2+$0xD0D0];
	[tilespmem:s2+$0x15040] =	vst v8;
	v8 =	vadd.f32 v9, v0;
	v9 =	vmul.f32 $1.131370830e+01, v17  }
0x164: {  	[tilespmem:s2+$0x15050] =	vst v10;
	v10 =	vadd.f32 v12, v7;
	v12 =	vld [tilespmem:s2+$0xD0E0];
	v11 =	vmul.f32 $1.131370830e+01, v11  }
0x165: {  	[tilespmem:s2+$0x15060] =	vst v8;
	v8 =	vadd.f32 v9, v6;
	v9 =	vmul.f32 $1.131370830e+01, v13;
	v13 =	vld [tilespmem:s2+$0xD0F0]  }
0x166: {  	[tilespmem:s2+$0x15070] =	vst v10;
	v10 =	vadd.f32 v11, v5;
	v11 =	vmul.f32 $1.131370830e+01, v14;
	v14 =	vld [tilespmem:s2+$0xD100]  }
0x167: {  	[tilespmem:s2+$0x15080] =	vst v8;
	v8 =	vadd.f32 v9, v4;
	v9 =	vmul.f32 $1.131370830e+01, v15;
	v15 =	vld [tilespmem:s2+$0xD110]  }
0x168: {  	[tilespmem:s2+$0x15090] =	vst v10;
	v10 =	vadd.f32 v11, v3;
	v11 =	vmul.f32 $1.131370830e+01, v16;
	v16 =	vld [tilespmem:s2+$0xD120]  }
0x169: {  	[tilespmem:s2+$0x150A0] =	vst v8;
	v8 =	vadd.f32 v9, v2;
	v9 =	vmul.f32 $1.131370830e+01, v12;
	v12 =	vld [tilespmem:s2+$0xD130]  }
0x16a: {  	[tilespmem:s2+$0x150B0] =	vst v10;
	v10 =	vadd.f32 v11, v1;
	v11 =	vmul.f32 $1.131370830e+01, v13;
	v13 =	vld [tilespmem:s2+$0xD140]  }
0x16b: {  	[tilespmem:s2+$0x150C0] =	vst v8;
	v8 =	vadd.f32 v9, v0;
	v9 =	vmul.f32 $1.131370830e+01, v14;
	v14 =	vld [tilespmem:s2+$0xD150]  }
0x16c: {  	[tilespmem:s2+$0x150D0] =	vst v10;
	v10 =	vadd.f32 v11, v7;
	v11 =	vmul.f32 $1.131370830e+01, v15;
	v15 =	vld [tilespmem:s2+$0xD160]  }
0x16d: {  	[tilespmem:s2+$0x150E0] =	vst v8;
	v8 =	vadd.f32 v9, v6;
	v9 =	vmul.f32 $1.131370830e+01, v16;
	v16 =	vld [tilespmem:s2+$0xD170]  }
0x16e: {  	[tilespmem:s2+$0x150F0] =	vst v10;
	v10 =	vadd.f32 v11, v5;
	v11 =	vmul.f32 $1.131370830e+01, v12;
	v12 =	vld [tilespmem:s2+$0xD180]  }
0x16f: {  	[tilespmem:s2+$0x15100] =	vst v8;
	v17 =	vadd.f32 v9, v4;
	v13 =	vmul.f32 $1.131370830e+01, v13;
	v9 =	vld [tilespmem:s2+$0xD190]  }
0x170: {  	s3 =	sshll.u32 s15, $0x13;
	v8 =	vld [tilespmem:s2+$0xD1A0];
	[tilespmem:s2+$0x15110] =	vst v10;
	v11 =	vadd.f32 v11, v3;
	v14 =	vmul.f32 $1.131370830e+01, v14  }
0x171: {  	s3 =	sor.u32 s8, s3;
	v10 =	vld [tilespmem:s2+$0xD1B0];
	[tilespmem:s2+$0x15120] =	vst v17;
	v17 =	vadd.f32 v13, v2;
	v15 =	vmul.f32 $1.131370830e+01, v15  }
0x172: {  	s3 =	sshrl.u32 s3, $0x3;
	[tilespmem:s2+$0x15130] =	vst v11;
	v13 =	vadd.f32 v14, v1;
	v11 =	vld [tilespmem:s2+$0xD1C0];
	v16 =	vmul.f32 $1.131370830e+01, v16  }
0x173: {  	s11 =	simm.s32 $0x800;
	s10 =	simm.s32 $0x0;
	s3 =	sadd.s32 s4, s3;
	[tilespmem:s2+$0x15140] =	vst v17;
	v14 =	vadd.f32 v15, v0;
	v15 =	vmul.f32 $1.131370830e+01, v12;
	v12 =	vld [tilespmem:s2+$0xD1D0]  }
.LBB2_7:
0x174: {  	s13 =	sshra.s32 s11, $0x2;
	s10 =	sadd.s32 $0x4, s10;
	[tilespmem:s2+$0x15150] =	vst v13;
	v13 =	vadd.f32 v16, v7;
	v9 =	vmul.f32 $1.131370830e+01, v9;
	v16 =	vld [tilespmem:s2+$0xD1E0]  }
0x175: {  	v17 =	vld [tilespmem:s13+$0xD1F0];
	p1 =	slt.u32 s10, $0x7C;
	[tilespmem:s2+$0x15160] =	vst v14;
	v14 =	vadd.f32 v15, v6;
	v8 =	vmul.f32 $1.131370830e+01, v8  }
0x176: {  	v15 =	vld [tilespmem:s13+$0xD000];
	[tilespmem:s2+$0x15170] =	vst v13;
	v9 =	vadd.f32 v9, v5;
	v10 =	vmul.f32 $1.131370830e+01, v10  }
0x177: {  	v13 =	vld [tilespmem:s13+$0xD010];
	[tilespmem:s2+$0x15180] =	vst v14;
	v8 =	vadd.f32 v8, v4;
	v11 =	vmul.f32 $1.131370830e+01, v11  }
0x178: {  	v14 =	vld [tilespmem:s13+$0xD020];
	[tilespmem:s2+$0x15190] =	vst v9;
	v9 =	vadd.f32 v10, v3;
	v10 =	vmul.f32 $1.131370830e+01, v12  }
0x179: {  	v12 =	vld [tilespmem:s13+$0xD030];
	[tilespmem:s2+$0x151A0] =	vst v8;
	v8 =	vadd.f32 v11, v2;
	v11 =	vmul.f32 $1.131370830e+01, v16  }
0x17a: {  	v16 =	vld [tilespmem:s13+$0xD040];
	v17 =	vmul.f32 $1.131370830e+01, v17;
	[tilespmem:s2+$0x151B0] =	vst v9;
	v9 =	vadd.f32 v10, v1  }
0x17b: {  	v10 =	vmul.f32 $1.131370830e+01, v15;
	v15 =	vld [tilespmem:s13+$0xD050];
	[tilespmem:s2+$0x151C0] =	vst v8;
	v8 =	vadd.f32 v11, v0  }
0x17c: {  	v11 =	vmul.f32 $1.131370830e+01, v13;
	v13 =	vld [tilespmem:s13+$0xD060];
	v17 =	vadd.f32 v17, v7;
	[tilespmem:s2+$0x151D0] =	vst v9  }
0x17d: {  	v9 =	vadd.f32 v10, v6;
	v10 =	vmul.f32 $1.131370830e+01, v14;
	v14 =	vld [tilespmem:s13+$0xD070];
	[tilespmem:s2+$0x151E0] =	vst v8;
	s2 =	smov.u32 s13  }
0x17e: {  	v8 =	vadd.f32 v11, v5;
	v11 =	vmul.f32 $1.131370830e+01, v12;
	v12 =	vld [tilespmem:s2+$0xD080];
	[tilespmem:s2+$0x151F0] =	vst v17  }
0x17f: {  	[tilespmem:s2+$0x15000] =	vst v9;
	v9 =	vadd.f32 v10, v4;
	v10 =	vmul.f32 $1.131370830e+01, v16;
	v16 =	vld [tilespmem:s2+$0xD090]  }
0x180: {  	[tilespmem:s2+$0x15010] =	vst v8;
	v8 =	vadd.f32 v11, v3;
	v11 =	vmul.f32 $1.131370830e+01, v15;
	v15 =	vld [tilespmem:s2+$0xD0A0]  }
0x181: {  	[tilespmem:s2+$0x15020] =	vst v9;
	v9 =	vadd.f32 v10, v2;
	v10 =	vmul.f32 $1.131370830e+01, v13;
	v13 =	vld [tilespmem:s2+$0xD0B0]  }
0x182: {  	[tilespmem:s2+$0x15030] =	vst v8;
	v8 =	vadd.f32 v11, v1;
	v11 =	vmul.f32 $1.131370830e+01, v14;
	v14 =	vld [tilespmem:s2+$0xD0C0]  }
0x183: {  	[tilespmem:s2+$0x15040] =	vst v9;
	v9 =	vadd.f32 v10, v0;
	v10 =	vmul.f32 $1.131370830e+01, v12;
	v12 =	vld [tilespmem:s2+$0xD0D0]  }
0x184: {  	[tilespmem:s2+$0x15050] =	vst v8;
	v8 =	vadd.f32 v11, v7;
	v11 =	vmul.f32 $1.131370830e+01, v16;
	v16 =	vld [tilespmem:s2+$0xD0E0]  }
0x185: {  	[tilespmem:s2+$0x15060] =	vst v9;
	v9 =	vadd.f32 v10, v6;
	v10 =	vmul.f32 $1.131370830e+01, v15;
	v15 =	vld [tilespmem:s2+$0xD0F0]  }
0x186: {  	[tilespmem:s2+$0x15070] =	vst v8;
	v8 =	vadd.f32 v11, v5;
	v11 =	vmul.f32 $1.131370830e+01, v13;
	v13 =	vld [tilespmem:s2+$0xD100]  }
0x187: {  	[tilespmem:s2+$0x15080] =	vst v9;
	v9 =	vadd.f32 v10, v4;
	v10 =	vmul.f32 $1.131370830e+01, v14;
	v14 =	vld [tilespmem:s2+$0xD110]  }
0x188: {  	[tilespmem:s2+$0x15090] =	vst v8;
	v8 =	vadd.f32 v11, v3;
	v11 =	vmul.f32 $1.131370830e+01, v12;
	v12 =	vld [tilespmem:s2+$0xD120]  }
0x189: {  	[tilespmem:s2+$0x150A0] =	vst v9;
	v9 =	vadd.f32 v10, v2;
	v10 =	vmul.f32 $1.131370830e+01, v16;
	v16 =	vld [tilespmem:s2+$0xD130]  }
0x18a: {  	[tilespmem:s2+$0x150B0] =	vst v8;
	v8 =	vadd.f32 v11, v1;
	v11 =	vmul.f32 $1.131370830e+01, v15;
	v15 =	vld [tilespmem:s2+$0xD140]  }
0x18b: {  	[tilespmem:s2+$0x150C0] =	vst v9;
	v9 =	vadd.f32 v10, v0;
	v10 =	vmul.f32 $1.131370830e+01, v13;
	v13 =	vld [tilespmem:s2+$0xD150]  }
0x18c: {  	[tilespmem:s2+$0x150D0] =	vst v8;
	v8 =	vadd.f32 v11, v7;
	v11 =	vmul.f32 $1.131370830e+01, v14;
	v14 =	vld [tilespmem:s2+$0xD160]  }
0x18d: {  	[tilespmem:s2+$0x150E0] =	vst v9;
	v9 =	vadd.f32 v10, v6;
	v10 =	vmul.f32 $1.131370830e+01, v12;
	v12 =	vld [tilespmem:s2+$0xD170]  }
0x18e: {  	[tilespmem:s2+$0x150F0] =	vst v8;
	v8 =	vadd.f32 v11, v5;
	v11 =	vmul.f32 $1.131370830e+01, v16;
	v17 =	vld [tilespmem:s2+$0xD180]  }
.Ltmp4:
0x18f: {  	[tilespmem:s2+$0x15100] =	vst v9;
	v10 =	vadd.f32 v10, v4;
	v15 =	vmul.f32 $1.131370830e+01, v15;
	v9 =	vld [tilespmem:s2+$0xD190];
	(pc) =	sbr.rel @p1 .LBB2_7-.Ltmp4, $4  }
0x190: {  	[tilespmem:s2+$0x15110] =	vst v8;
	v11 =	vadd.f32 v11, v3;
	v13 =	vmul.f32 $1.131370830e+01, v13;
	v8 =	vld [tilespmem:s2+$0xD1A0]  }
0x191: {  	[tilespmem:s2+$0x15120] =	vst v10;
	v15 =	vadd.f32 v15, v2;
	v14 =	vmul.f32 $1.131370830e+01, v14;
	v10 =	vld [tilespmem:s2+$0xD1B0]  }
0x192: {  	[tilespmem:s2+$0x15130] =	vst v11;
	v13 =	vadd.f32 v13, v1;
	v16 =	vmul.f32 $1.131370830e+01, v12;
	v11 =	vld [tilespmem:s2+$0xD1C0]  }
0x193: {  	s11 =	sadd.s32 $0x800, s11;
	[tilespmem:s2+$0x15140] =	vst v15;
	v14 =	vadd.f32 v14, v0;
	v15 =	vmul.f32 $1.131370830e+01, v17;
	v12 =	vld [tilespmem:s2+$0xD1D0]  }
0x194: {  	[tilespmem:s2+$0x15150] =	vst v13;
	v7 =	vadd.f32 v16, v7;
	v9 =	vmul.f32 $1.131370830e+01, v9;
	v13 =	vld [tilespmem:s2+$0xD1E0]  }
0x195: {  	[tilespmem:s2+$0x15160] =	vst v14;
	v6 =	vadd.f32 v15, v6;
	v8 =	vmul.f32 $1.131370830e+01, v8  }
0x196: {  	[tilespmem:s2+$0x15170] =	vst v7;
	v5 =	vadd.f32 v9, v5;
	v7 =	vmul.f32 $1.131370830e+01, v10  }
0x197: {  	[tilespmem:s2+$0x15180] =	vst v6;
	v4 =	vadd.f32 v8, v4;
	v6 =	vmul.f32 $1.131370830e+01, v11  }
0x198: {  	[tilespmem:s2+$0x15190] =	vst v5;
	v3 =	vadd.f32 v7, v3;
	v5 =	vmul.f32 $1.131370830e+01, v12  }
0x199: {  	s10 =	sadd.s32 @!p0 $0x6, s0;
	[tilespmem:s2+$0x151A0] =	vst v4;
	v2 =	vadd.f32 v6, v2;
	v4 =	vmul.f32 $1.131370830e+01, v13  }
0x19a: {  	s11 =	smulhi.u32 @!p0 $0x92492493, s10;
	[tilespmem:s2+$0x151B0] =	vst v3;
	v1 =	vadd.f32 v5, v1  }
0x19b: {  	[tilespmem:s2+$0x151C0] =	vst v2;
	v0 =	vadd.f32 v4, v0  }
0x19c: {  	s11 =	sshrl.u32 @!p0 s11, $0x5;
	[tilespmem:s2+$0x151D0] =	vst v1  }
0x19d: {  	[tilespmem:s2+$0x151E0] =	vst v0;
	s2 =	smul.u32 @!p0 $0x38, s11  }
0x19e: {  	[hbm4b:s3+s5] =	stream.linear.scatter [tilespmem:s22], [sflag:$0x5], $0x4000, $0x38;
	[tilespmem:$0x1D000] =	vst v63  }
0x19f: {  	s2 =	ssub.s32 @!p0 s10, s2  }
0x1a0: {  	s3 =	simm.s32 @!p0 $0x80;
	s10 =	simm.s32 @!p0 $0xD000;
	s2 =	sshll.u32 @!p0 s2, $0x7  }
0x1a1: {  	[tilespmem:s10], [sflag:$0x3] =	stream.indirect.gather @!p0 [hbm4b:s1+s3], $0x80, s2, s3, $0xb8;
	[tilespmem:$0x1D000] =	vst v63  }
0x1a2: {  	_ =	swait.ge [sflag:s28], $0x4000  }
0x1a3: {  	[sflag:s28] =	ssyncset.done $0x0  }
0x1a4: {  	[sflag:s28] =	ssyncadd.s32 $0xFFFFC000  }
0x1a5: {  	s15 =	sor.u32 $0x3, s0;
	_ =	swait.ge [sflag:s29], $0x4000  }
0x1a6: {  	s16 =	sshll.u32 s15, $0x7;
	[sflag:s29] =	ssyncset.done $0x0  }
0x1a7: {  	s2 =	sand.u32 $0x3FFFFF80, s16;
	[sflag:s29] =	ssyncadd.s32 $0xFFFFC000  }
0x1a8: {  	v6 =	vld [tilespmem:s2+$0x1C00]  }
0x1a9: {  	v5 =	vld [tilespmem:s2+$0x1C10]  }
0x1aa: {  	v4 =	vld [tilespmem:s2+$0x1C20]  }
0x1ab: {  	v3 =	vld [tilespmem:s2+$0x1C30]  }
0x1ac: {  	v2 =	vld [tilespmem:s2+$0x1C40]  }
0x1ad: {  	v1 =	vld [tilespmem:s2+$0x1C50]  }
0x1ae: {  	v0 =	vld [tilespmem:s2+$0x1C60]  }
0x1af: {  	v7 =	vld [tilespmem:s2+$0x1C70];
	s2 =	simm.s32 $0x0  }
0x1b0: {  	v8 =	vld [tilespmem:s2+$0x111F0]  }
0x1b1: {  	v9 =	vld [tilespmem:s2+$0x11000]  }
0x1b2: {  	v10 =	vld [tilespmem:s2+$0x11010]  }
0x1b3: {  	v11 =	vld [tilespmem:s2+$0x11020]  }
0x1b4: {  	v12 =	vld [tilespmem:s2+$0x11030]  }
0x1b5: {  	v13 =	vld [tilespmem:s2+$0x11040];
	v8 =	vmul.f32 $1.131370830e+01, v8  }
0x1b6: {  	v14 =	vld [tilespmem:s2+$0x11050];
	v9 =	vmul.f32 $1.131370830e+01, v9  }
0x1b7: {  	v15 =	vld [tilespmem:s2+$0x11060];
	v10 =	vmul.f32 $1.131370830e+01, v10;
	v8 =	vadd.f32 v8, v7  }
0x1b8: {  	v16 =	vld [tilespmem:s2+$0x11070];
	v11 =	vmul.f32 $1.131370830e+01, v11;
	v9 =	vadd.f32 v9, v6  }
0x1b9: {  	v17 =	vld [tilespmem:s2+$0x11080];
	v12 =	vmul.f32 $1.131370830e+01, v12;
	v10 =	vadd.f32 v10, v5;
	[tilespmem:s2+$0x191F0] =	vst v8  }
0x1ba: {  	[tilespmem:s2+$0x19000] =	vst v9;
	v8 =	vadd.f32 v11, v4;
	v9 =	vmul.f32 $1.131370830e+01, v13;
	v11 =	vld [tilespmem:s2+$0x11090]  }
0x1bb: {  	[tilespmem:s2+$0x19010] =	vst v10;
	v10 =	vadd.f32 v12, v3;
	v12 =	vmul.f32 $1.131370830e+01, v14;
	v13 =	vld [tilespmem:s2+$0x110A0]  }
0x1bc: {  	v14 =	vld [tilespmem:s2+$0x110B0];
	[tilespmem:s2+$0x19020] =	vst v8;
	v8 =	vadd.f32 v9, v2;
	v9 =	vmul.f32 $1.131370830e+01, v15  }
0x1bd: {  	[tilespmem:s2+$0x19030] =	vst v10;
	v10 =	vadd.f32 v12, v1;
	v12 =	vmul.f32 $1.131370830e+01, v16;
	v15 =	vld [tilespmem:s2+$0x110C0]  }
0x1be: {  	v16 =	vld [tilespmem:s2+$0x110D0];
	[tilespmem:s2+$0x19040] =	vst v8;
	v8 =	vadd.f32 v9, v0;
	v9 =	vmul.f32 $1.131370830e+01, v17  }
0x1bf: {  	[tilespmem:s2+$0x19050] =	vst v10;
	v10 =	vadd.f32 v12, v7;
	v12 =	vld [tilespmem:s2+$0x110E0];
	v11 =	vmul.f32 $1.131370830e+01, v11  }
0x1c0: {  	[tilespmem:s2+$0x19060] =	vst v8;
	v8 =	vadd.f32 v9, v6;
	v9 =	vmul.f32 $1.131370830e+01, v13;
	v13 =	vld [tilespmem:s2+$0x110F0]  }
0x1c1: {  	[tilespmem:s2+$0x19070] =	vst v10;
	v10 =	vadd.f32 v11, v5;
	v11 =	vmul.f32 $1.131370830e+01, v14;
	v14 =	vld [tilespmem:s2+$0x11100]  }
0x1c2: {  	[tilespmem:s2+$0x19080] =	vst v8;
	v8 =	vadd.f32 v9, v4;
	v9 =	vmul.f32 $1.131370830e+01, v15;
	v15 =	vld [tilespmem:s2+$0x11110]  }
0x1c3: {  	[tilespmem:s2+$0x19090] =	vst v10;
	v10 =	vadd.f32 v11, v3;
	v11 =	vmul.f32 $1.131370830e+01, v16;
	v16 =	vld [tilespmem:s2+$0x11120]  }
0x1c4: {  	[tilespmem:s2+$0x190A0] =	vst v8;
	v8 =	vadd.f32 v9, v2;
	v9 =	vmul.f32 $1.131370830e+01, v12;
	v12 =	vld [tilespmem:s2+$0x11130]  }
0x1c5: {  	[tilespmem:s2+$0x190B0] =	vst v10;
	v10 =	vadd.f32 v11, v1;
	v11 =	vmul.f32 $1.131370830e+01, v13;
	v13 =	vld [tilespmem:s2+$0x11140]  }
0x1c6: {  	[tilespmem:s2+$0x190C0] =	vst v8;
	v8 =	vadd.f32 v9, v0;
	v9 =	vmul.f32 $1.131370830e+01, v14;
	v14 =	vld [tilespmem:s2+$0x11150]  }
0x1c7: {  	[tilespmem:s2+$0x190D0] =	vst v10;
	v10 =	vadd.f32 v11, v7;
	v11 =	vmul.f32 $1.131370830e+01, v15;
	v15 =	vld [tilespmem:s2+$0x11160]  }
0x1c8: {  	[tilespmem:s2+$0x190E0] =	vst v8;
	v8 =	vadd.f32 v9, v6;
	v9 =	vmul.f32 $1.131370830e+01, v16;
	v16 =	vld [tilespmem:s2+$0x11170]  }
0x1c9: {  	[tilespmem:s2+$0x190F0] =	vst v10;
	v10 =	vadd.f32 v11, v5;
	v11 =	vmul.f32 $1.131370830e+01, v12;
	v12 =	vld [tilespmem:s2+$0x11180]  }
0x1ca: {  	[tilespmem:s2+$0x19100] =	vst v8;
	v17 =	vadd.f32 v9, v4;
	v13 =	vmul.f32 $1.131370830e+01, v13;
	v9 =	vld [tilespmem:s2+$0x11190]  }
0x1cb: {  	s3 =	sshll.u32 s15, $0x13;
	v8 =	vld [tilespmem:s2+$0x111A0];
	[tilespmem:s2+$0x19110] =	vst v10;
	v11 =	vadd.f32 v11, v3;
	v14 =	vmul.f32 $1.131370830e+01, v14  }
0x1cc: {  	s3 =	sor.u32 s8, s3;
	v10 =	vld [tilespmem:s2+$0x111B0];
	[tilespmem:s2+$0x19120] =	vst v17;
	v17 =	vadd.f32 v13, v2;
	v15 =	vmul.f32 $1.131370830e+01, v15  }
0x1cd: {  	s3 =	sshrl.u32 s3, $0x3;
	[tilespmem:s2+$0x19130] =	vst v11;
	v13 =	vadd.f32 v14, v1;
	v11 =	vld [tilespmem:s2+$0x111C0];
	v16 =	vmul.f32 $1.131370830e+01, v16  }
0x1ce: {  	s11 =	simm.s32 $0x800;
	s10 =	simm.s32 $0x0;
	s3 =	sadd.s32 s4, s3;
	[tilespmem:s2+$0x19140] =	vst v17;
	v14 =	vadd.f32 v15, v0;
	v15 =	vmul.f32 $1.131370830e+01, v12;
	v12 =	vld [tilespmem:s2+$0x111D0]  }
.LBB2_9:
0x1cf: {  	s13 =	sshra.s32 s11, $0x2;
	s10 =	sadd.s32 $0x4, s10;
	[tilespmem:s2+$0x19150] =	vst v13;
	v13 =	vadd.f32 v16, v7;
	v9 =	vmul.f32 $1.131370830e+01, v9;
	v16 =	vld [tilespmem:s2+$0x111E0]  }
0x1d0: {  	v17 =	vld [tilespmem:s13+$0x111F0];
	p1 =	slt.u32 s10, $0x7C;
	[tilespmem:s2+$0x19160] =	vst v14;
	v14 =	vadd.f32 v15, v6;
	v8 =	vmul.f32 $1.131370830e+01, v8  }
0x1d1: {  	v15 =	vld [tilespmem:s13+$0x11000];
	[tilespmem:s2+$0x19170] =	vst v13;
	v9 =	vadd.f32 v9, v5;
	v10 =	vmul.f32 $1.131370830e+01, v10  }
0x1d2: {  	v13 =	vld [tilespmem:s13+$0x11010];
	[tilespmem:s2+$0x19180] =	vst v14;
	v8 =	vadd.f32 v8, v4;
	v11 =	vmul.f32 $1.131370830e+01, v11  }
0x1d3: {  	v14 =	vld [tilespmem:s13+$0x11020];
	[tilespmem:s2+$0x19190] =	vst v9;
	v9 =	vadd.f32 v10, v3;
	v10 =	vmul.f32 $1.131370830e+01, v12  }
0x1d4: {  	v12 =	vld [tilespmem:s13+$0x11030];
	[tilespmem:s2+$0x191A0] =	vst v8;
	v8 =	vadd.f32 v11, v2;
	v11 =	vmul.f32 $1.131370830e+01, v16  }
0x1d5: {  	v16 =	vld [tilespmem:s13+$0x11040];
	v17 =	vmul.f32 $1.131370830e+01, v17;
	[tilespmem:s2+$0x191B0] =	vst v9;
	v9 =	vadd.f32 v10, v1  }
0x1d6: {  	v10 =	vmul.f32 $1.131370830e+01, v15;
	v15 =	vld [tilespmem:s13+$0x11050];
	[tilespmem:s2+$0x191C0] =	vst v8;
	v8 =	vadd.f32 v11, v0  }
0x1d7: {  	v11 =	vmul.f32 $1.131370830e+01, v13;
	v13 =	vld [tilespmem:s13+$0x11060];
	v17 =	vadd.f32 v17, v7;
	[tilespmem:s2+$0x191D0] =	vst v9  }
0x1d8: {  	v9 =	vadd.f32 v10, v6;
	v10 =	vmul.f32 $1.131370830e+01, v14;
	v14 =	vld [tilespmem:s13+$0x11070];
	[tilespmem:s2+$0x191E0] =	vst v8;
	s2 =	smov.u32 s13  }
0x1d9: {  	v8 =	vadd.f32 v11, v5;
	v11 =	vmul.f32 $1.131370830e+01, v12;
	v12 =	vld [tilespmem:s2+$0x11080];
	[tilespmem:s2+$0x191F0] =	vst v17  }
0x1da: {  	[tilespmem:s2+$0x19000] =	vst v9;
	v9 =	vadd.f32 v10, v4;
	v10 =	vmul.f32 $1.131370830e+01, v16;
	v16 =	vld [tilespmem:s2+$0x11090]  }
0x1db: {  	[tilespmem:s2+$0x19010] =	vst v8;
	v8 =	vadd.f32 v11, v3;
	v11 =	vmul.f32 $1.131370830e+01, v15;
	v15 =	vld [tilespmem:s2+$0x110A0]  }
0x1dc: {  	[tilespmem:s2+$0x19020] =	vst v9;
	v9 =	vadd.f32 v10, v2;
	v10 =	vmul.f32 $1.131370830e+01, v13;
	v13 =	vld [tilespmem:s2+$0x110B0]  }
0x1dd: {  	[tilespmem:s2+$0x19030] =	vst v8;
	v8 =	vadd.f32 v11, v1;
	v11 =	vmul.f32 $1.131370830e+01, v14;
	v14 =	vld [tilespmem:s2+$0x110C0]  }
0x1de: {  	[tilespmem:s2+$0x19040] =	vst v9;
	v9 =	vadd.f32 v10, v0;
	v10 =	vmul.f32 $1.131370830e+01, v12;
	v12 =	vld [tilespmem:s2+$0x110D0]  }
0x1df: {  	[tilespmem:s2+$0x19050] =	vst v8;
	v8 =	vadd.f32 v11, v7;
	v11 =	vmul.f32 $1.131370830e+01, v16;
	v16 =	vld [tilespmem:s2+$0x110E0]  }
0x1e0: {  	[tilespmem:s2+$0x19060] =	vst v9;
	v9 =	vadd.f32 v10, v6;
	v10 =	vmul.f32 $1.131370830e+01, v15;
	v15 =	vld [tilespmem:s2+$0x110F0]  }
0x1e1: {  	[tilespmem:s2+$0x19070] =	vst v8;
	v8 =	vadd.f32 v11, v5;
	v11 =	vmul.f32 $1.131370830e+01, v13;
	v13 =	vld [tilespmem:s2+$0x11100]  }
0x1e2: {  	[tilespmem:s2+$0x19080] =	vst v9;
	v9 =	vadd.f32 v10, v4;
	v10 =	vmul.f32 $1.131370830e+01, v14;
	v14 =	vld [tilespmem:s2+$0x11110]  }
0x1e3: {  	[tilespmem:s2+$0x19090] =	vst v8;
	v8 =	vadd.f32 v11, v3;
	v11 =	vmul.f32 $1.131370830e+01, v12;
	v12 =	vld [tilespmem:s2+$0x11120]  }
0x1e4: {  	[tilespmem:s2+$0x190A0] =	vst v9;
	v9 =	vadd.f32 v10, v2;
	v10 =	vmul.f32 $1.131370830e+01, v16;
	v16 =	vld [tilespmem:s2+$0x11130]  }
0x1e5: {  	[tilespmem:s2+$0x190B0] =	vst v8;
	v8 =	vadd.f32 v11, v1;
	v11 =	vmul.f32 $1.131370830e+01, v15;
	v15 =	vld [tilespmem:s2+$0x11140]  }
0x1e6: {  	[tilespmem:s2+$0x190C0] =	vst v9;
	v9 =	vadd.f32 v10, v0;
	v10 =	vmul.f32 $1.131370830e+01, v13;
	v13 =	vld [tilespmem:s2+$0x11150]  }
0x1e7: {  	[tilespmem:s2+$0x190D0] =	vst v8;
	v8 =	vadd.f32 v11, v7;
	v11 =	vmul.f32 $1.131370830e+01, v14;
	v14 =	vld [tilespmem:s2+$0x11160]  }
0x1e8: {  	[tilespmem:s2+$0x190E0] =	vst v9;
	v9 =	vadd.f32 v10, v6;
	v10 =	vmul.f32 $1.131370830e+01, v12;
	v12 =	vld [tilespmem:s2+$0x11170]  }
0x1e9: {  	[tilespmem:s2+$0x190F0] =	vst v8;
	v8 =	vadd.f32 v11, v5;
	v11 =	vmul.f32 $1.131370830e+01, v16;
	v17 =	vld [tilespmem:s2+$0x11180]  }
.Ltmp5:
0x1ea: {  	[tilespmem:s2+$0x19100] =	vst v9;
	v10 =	vadd.f32 v10, v4;
	v15 =	vmul.f32 $1.131370830e+01, v15;
	v9 =	vld [tilespmem:s2+$0x11190];
	(pc) =	sbr.rel @p1 .LBB2_9-.Ltmp5, $4  }
0x1eb: {  	[tilespmem:s2+$0x19110] =	vst v8;
	v11 =	vadd.f32 v11, v3;
	v13 =	vmul.f32 $1.131370830e+01, v13;
	v8 =	vld [tilespmem:s2+$0x111A0]  }
0x1ec: {  	[tilespmem:s2+$0x19120] =	vst v10;
	v15 =	vadd.f32 v15, v2;
	v14 =	vmul.f32 $1.131370830e+01, v14;
	v10 =	vld [tilespmem:s2+$0x111B0]  }
0x1ed: {  	[tilespmem:s2+$0x19130] =	vst v11;
	v13 =	vadd.f32 v13, v1;
	v16 =	vmul.f32 $1.131370830e+01, v12;
	v11 =	vld [tilespmem:s2+$0x111C0]  }
0x1ee: {  	s11 =	sadd.s32 $0x800, s11;
	[tilespmem:s2+$0x19140] =	vst v15;
	v14 =	vadd.f32 v14, v0;
	v15 =	vmul.f32 $1.131370830e+01, v17;
	v12 =	vld [tilespmem:s2+$0x111D0]  }
0x1ef: {  	[tilespmem:s2+$0x19150] =	vst v13;
	v7 =	vadd.f32 v16, v7;
	v9 =	vmul.f32 $1.131370830e+01, v9;
	v59 =	vld [tilespmem:s2+$0x111E0]  }
0x1f0: {  	[tilespmem:s2+$0x19160] =	vst v14;
	v6 =	vadd.f32 v15, v6;
	v8 =	vmul.f32 $1.131370830e+01, v8  }
0x1f1: {  	[tilespmem:s2+$0x19170] =	vst v7;
	v5 =	vadd.f32 v9, v5;
	v60 =	vmul.f32 $1.131370830e+01, v10  }
0x1f2: {  	[tilespmem:s2+$0x19180] =	vst v6;
	v4 =	vadd.f32 v8, v4;
	v61 =	vmul.f32 $1.131370830e+01, v11  }
0x1f3: {  	[tilespmem:s2+$0x19190] =	vst v5;
	v3 =	vadd.f32 v60, v3;
	v62 =	vmul.f32 $1.131370830e+01, v12  }
0x1f4: {  	[tilespmem:s2+$0x191A0] =	vst v4;
	v2 =	vadd.f32 v61, v2;
	v63 =	vmul.f32 $1.131370830e+01, v59  }
.Ltmp6:
0x1f5: {  	[tilespmem:s2+$0x191B0] =	vst v3;
	v1 =	vadd.f32 v62, v1;
	(pc) =	sbr.rel @p0 .LBB2_12-.Ltmp6, $4  }
0x1f6: {  	[tilespmem:s2+$0x191C0] =	vst v2;
	v0 =	vadd.f32 v63, v0  }
0x1f7: {  	[tilespmem:s2+$0x191D0] =	vst v1  }
0x1f8: {  	[tilespmem:s2+$0x191E0] =	vst v0  }
0x1f9: {  	[hbm4b:s3+s5] =	stream.linear.scatter [tilespmem:s24], [sflag:$0x6], $0x4000, $0x38;
	[tilespmem:$0x1D000] =	vst v63  }
0x1fa: {  	s0 =	sadd.s32 $0x7, s0  }
0x1fb: {  	s2 =	smulhi.u32 $0x92492493, s0;
	_ =	sdelay $0x1  }
0x1fc: {  	s2 =	sshrl.u32 s2, $0x5  }
0x1fd: {  	s2 =	smul.u32 $0x38, s2  }
.Ltmp7:
0x1fe: {  	_ = 	snop;
	(pc) =	sbr.rel .LBB2_2-.Ltmp7, $4  }
0x1ff: {  	_ = 	snop  }
0x200: {  	s0 =	ssub.s32 s0, s2  }
0x201: {  	s31 =	sadd.s32 $0x1, s31;
	s0 =	sshll.u32 s0, $0x7  }
0x202: {  	[tilespmem:s20], [sflag:$0x4] =	stream.indirect.gather [hbm4b:s1+s14], $0x80, s0, s14, $0xb8;
	[tilespmem:$0x1D000] =	vst v63  }
.LBB2_13:
0x203: {  	_ =	sfence.sel $0x180000  }
0x204: {  	[bflag:$0x0] =	sbarrier.arrive $0xFFFF  }
0x205: {  	_ =	strace $0x90000047  }
0x206: {  	s0 =	stileid.u32;
	[bflag:$0x2] =	sbarrier.arrive $0xFFFF  }
0x207: {  	p0 =	sne.s32 s0, $0x0;
	s0 =	rddreg [dreg:$0x4]  }
0x208: {  	s0 =	sadd.s32 @!p0 $0x100000, s0  }
0x209: {  	[sflag:s0] =	ssyncadd.tile.s32 @!p0 $0x1;
	_ =	shalt  }
.Lfunc_end2:
_tile_overlayer_lowered:
.L_overlay_start_2:
0x20a: {  	(tag) =	ssettag $0x2  }
0x20b: {  	s0 =	rddreg [dreg:$0x0];
	s2 =	stileid.u32  }
0x20c: {  	s1 =	rddreg [dreg:$0x1];
	p0 =	sne.s32 s2, $0x0  }
0x20d: {  	s3 =	rddreg [dreg:$0x2];
	[bflag:$0x3] =	sbarrier.arrive $0xFFFF;
	s2 =	simm.s32 @!p0 $0x1C07  }
0x20e: {  	[timem:s3], [sflag:s2] =	dma.local @!p0 [hbm:s0], s1  }
0x20f: {  	s0 =	simm.s32 @!p0 $0x7  }
0x210: {  	_ =	swait.ge @!p0 [sflag:s0], s1  }
0x211: {  	s1 =	ssub.s32 @!p0 $0x0, s1;
	[sflag:s0] =	ssyncset.done @!p0 $0x0  }
0x212: {  	[sflag:s0] =	ssyncadd.s32 @!p0 s1  }
0x213: {  	[bflag:$0x3] =	sbarrier.arrive $0xFFFF  }
0x214: {  	_ =	shalt  }

</sc_bundles>
